<compile_context>
chip_gen: v7x
topology: tpu7x:2x2x1
jax: 0.10.2.dev20260603
libtpu: 0.0.44.dev20260713+nightly
codegen_flags: <defaults>
</compile_context>

<pallas_src>
import functools

import jax
import jax.numpy as jnp
from jax import lax
from jax.experimental import pallas as pl
from jax.experimental.pallas import tpu as pltpu
from jax.experimental.pallas import tpu_sc as plsc

_BATCH = 16384
_LANES = 16
_NUM_WORKERS = 32
_B_PER_W = _BATCH // _NUM_WORKERS
_CHUNK = 16
_NBUF = 7
_N_CHUNKS = _B_PER_W // _CHUNK
_GROUPS = _CHUNK // _LANES


def _sc_body(states_hbm, actions_hbm, tT_hbm, out_hbm,
             states_v, actions_v, buf0, buf1, buf2, buf3, buf4, buf5,
             buf6, out_v, sem0, sem1, sem2, sem3, sem4, sem5, sem6):
    wid = lax.axis_index("s") * 2 + lax.axis_index("c")
    base = wid * _B_PER_W

    pltpu.sync_copy(states_hbm.at[pl.ds(base, _B_PER_W)], states_v)
    pltpu.sync_copy(actions_hbm.at[pl.ds(base, _B_PER_W)], actions_v)

    bufs = [buf0, buf1, buf2, buf3, buf4, buf5, buf6]
    sems = [sem0, sem1, sem2, sem3, sem4, sem5, sem6]
    eidx = lax.iota(jnp.int32, _LANES)

    def fire(ci, buf, sem):
        s = states_v[pl.ds(ci * _CHUNK, _LANES)]
        a = actions_v[pl.ds(ci * _CHUNK, _LANES)]
        ab = lax.bitwise_and(a, ~7)
        col = lax.bitwise_and(s, ~127)
        for j in range(_LANES):
            abj = pl.multiple_of(ab[j], 8)
            colj = pl.multiple_of(col[j], 128)
            pltpu.make_async_copy(
                tT_hbm.at[pl.ds(abj, 8), pl.ds(colj, 128)],
                buf.at[pl.ds(j * 8, 8)], sem,
            ).start()

    def drain(buf, sem):
        for q in range(_CHUNK * 8 // 64):
            pltpu.make_async_copy(
                tT_hbm.at[pl.ds(0, 64), pl.ds(0, 128)],
                buf.at[pl.ds(q * 64, 64)], sem,
            ).wait()

    def extract(ci, buf):
        i = ci * _CHUNK
        s = states_v[pl.ds(i, _LANES)]
        a = actions_v[pl.ds(i, _LANES)]
        row = eidx * 8 + lax.bitwise_and(a, 7)
        lane = lax.bitwise_and(s, 127)
        x = plsc.load_gather(buf, [row, lane])
        out_v[pl.ds(i, _LANES)] = 1.0 / (1.0 + jnp.exp(-x))

    @pl.loop(-_NBUF, _N_CHUNKS, step=_NBUF)
    def _chunks(c):
        for b in range(_NBUF):
            ci = c + b

            @pl.when((ci >= 0) & (ci < _N_CHUNKS))
            def _consume():
                drain(bufs[b], sems[b])
                extract(ci, bufs[b])

            @pl.when(ci + _NBUF < _N_CHUNKS)
            def _refill():
                fire(ci + _NBUF, bufs[b], sems[b])

    pltpu.sync_copy(out_v, out_hbm.at[pl.ds(base, _B_PER_W)])


@functools.partial(jax.jit, static_argnames=())
def kernel(states, actions, rewards):
    tT = rewards.T
    mesh = plsc.VectorSubcoreMesh(core_axis_name="c", subcore_axis_name="s")
    run = pl.kernel(
        _sc_body,
        mesh=mesh,
        out_type=jax.ShapeDtypeStruct((_BATCH,), jnp.float32),
        scratch_types=[
            pltpu.VMEM((_B_PER_W,), jnp.int32),
            pltpu.VMEM((_B_PER_W,), jnp.int32),
            pltpu.VMEM((_CHUNK * 8, 128), jnp.float32),
            pltpu.VMEM((_CHUNK * 8, 128), jnp.float32),
            pltpu.VMEM((_CHUNK * 8, 128), jnp.float32),
            pltpu.VMEM((_CHUNK * 8, 128), jnp.float32),
            pltpu.VMEM((_CHUNK * 8, 128), jnp.float32),
            pltpu.VMEM((_CHUNK * 8, 128), jnp.float32),
            pltpu.VMEM((_CHUNK * 8, 128), jnp.float32),
            pltpu.VMEM((_B_PER_W,), jnp.float32),
            pltpu.SemaphoreType.DMA,
            pltpu.SemaphoreType.DMA,
            pltpu.SemaphoreType.DMA,
            pltpu.SemaphoreType.DMA,
            pltpu.SemaphoreType.DMA,
            pltpu.SemaphoreType.DMA,
            pltpu.SemaphoreType.DMA,
        ],
        compiler_params=pltpu.CompilerParams(needs_layout_passes=False),
    )
    return run(states, actions, tT)

# --- scband reference (transcript-rebuilt; emitter-appended) ---
"""Pipeline reference for scband-reward-model-stepwise-2697239461969 (READ-ONLY COPY).

The authoritative reference and input builder live on the scoring server;
editing this copy changes nothing except your own understanding.
"""

import jax, jax.numpy as jnp
import numpy as np

NUM_STATES = 1000000
NUM_ACTIONS = 64
BATCH = 16384

def setup_inputs(seed: int = 0) -> dict:
    key = jax.random.key(seed)
    k1, k2, k3 = jax.random.split(key, 3)
    states = jax.random.randint(k1, (BATCH,), 0, NUM_STATES, dtype=jnp.int64 if jax.config.jax_enable_x64 else jnp.int32).astype(jnp.int32)
    actions = jax.random.randint(k2, (BATCH,), 0, NUM_ACTIONS, dtype=jnp.int32)
    rewards = jax.random.normal(k3, (NUM_STATES, NUM_ACTIONS), dtype=jnp.float32) * 0.02
    return {"states": states, "actions": actions, "rewards": rewards}

def reference(states, actions, rewards):
    # Faithful translation of: torch.sigmoid(self.rewards[states, actions])
    gathered = rewards[states, actions]
    return jax.nn.sigmoid(gathered)

if __name__ == "__main__":
    import jax
    _d = setup_inputs()
    print(jax.jit(kernel)(*tuple(_d.values())))

</pallas_src>

<mosaic_0001>
#map = affine_map<(d0, d1) -> (0)>
#map1 = affine_map<(d0, d1) -> (0, 0)>
module attributes {stable_mosaic.version = 14 : i64} {
  func.func @_sc_body(%arg0: i32, %arg1: i32, %arg2: memref<16384xi32, #tpu.memory_space<hbm>>, %arg3: memref<16384xi32, #tpu.memory_space<hbm>>, %arg4: memref<64x1000000xf32, #tpu.memory_space<hbm>>, %arg5: memref<16384xf32, #tpu.memory_space<hbm>>, %arg6: memref<512xi32, #tpu.memory_space<vmem>>, %arg7: memref<512xi32, #tpu.memory_space<vmem>>, %arg8: memref<128x128xf32, #tpu.memory_space<vmem>>, %arg9: memref<128x128xf32, #tpu.memory_space<vmem>>, %arg10: memref<128x128xf32, #tpu.memory_space<vmem>>, %arg11: memref<128x128xf32, #tpu.memory_space<vmem>>, %arg12: memref<128x128xf32, #tpu.memory_space<vmem>>, %arg13: memref<128x128xf32, #tpu.memory_space<vmem>>, %arg14: memref<128x128xf32, #tpu.memory_space<vmem>>, %arg15: memref<512xf32, #tpu.memory_space<vmem>>, %arg16: memref<!tpu.dma_semaphore, #tpu.memory_space<semaphore_mem>>, %arg17: memref<!tpu.dma_semaphore, #tpu.memory_space<semaphore_mem>>, %arg18: memref<!tpu.dma_semaphore, #tpu.memory_space<semaphore_mem>>, %arg19: memref<!tpu.dma_semaphore, #tpu.memory_space<semaphore_mem>>, %arg20: memref<!tpu.dma_semaphore, #tpu.memory_space<semaphore_mem>>, %arg21: memref<!tpu.dma_semaphore, #tpu.memory_space<semaphore_mem>>, %arg22: memref<!tpu.dma_semaphore, #tpu.memory_space<semaphore_mem>>) attributes {dimension_semantics = [#tpu.dimension_semantics<core_parallel>, #tpu.dimension_semantics<subcore_parallel>], iteration_bounds = array<i64: 2, 16>, scalar_prefetch = 0 : i64, scratch_operands = 17 : i64, tpu.core_type = #tpu.core_type<sc_vector_subcore>, window_params = [{transform_indices = #map}, {transform_indices = #map}, {transform_indices = #map1}, {transform_indices = #map}]} {
    %mul3A = arith.constant 2 : i32
    %mul3A_0 = arith.muli %arg1, %mul3A : i32
    %add3A = arith.addi %mul3A_0, %arg0 : i32
    %mul3A_1 = arith.constant 512 : i32
    %mul3A_2 = arith.muli %add3A, %mul3A_1 : i32
    "tpu.region"() ({
      %run_scoped3A = tpu.sem_alloc : memref<!tpu.dma_semaphore, #tpu.memory_space<semaphore_mem>>
      %dma_start3A = tpu.memref_slice %arg2[%mul3A_2] : memref<16384xi32, #tpu.memory_space<hbm>> -> memref<512xi32, #tpu.memory_space<hbm>>
      %dma_start3A_7 = tpu.memref_slice %arg2[%mul3A_2] : memref<16384xi32, #tpu.memory_space<hbm>> -> memref<512xi32, #tpu.memory_space<hbm>>
      tpu.enqueue_dma source(%dma_start3A_7 : memref<512xi32, #tpu.memory_space<hbm>>) target(%arg6 : memref<512xi32, #tpu.memory_space<vmem>>) target_semaphore(%run_scoped3A : memref<!tpu.dma_semaphore, #tpu.memory_space<semaphore_mem>>)
      %dma_wait3A = tpu.memref_slice %arg2[%mul3A_2] : memref<16384xi32, #tpu.memory_space<hbm>> -> memref<512xi32, #tpu.memory_space<hbm>>
      %dma_wait3A_8 = tpu.memref_slice %arg2[%mul3A_2] : memref<16384xi32, #tpu.memory_space<hbm>> -> memref<512xi32, #tpu.memory_space<hbm>>
      tpu.wait_dma2 semaphore(%run_scoped3A : memref<!tpu.dma_semaphore, #tpu.memory_space<semaphore_mem>>) src(%dma_wait3A_8 : memref<512xi32, #tpu.memory_space<hbm>>) dst(%arg6 : memref<512xi32, #tpu.memory_space<vmem>>)
      tpu.yield
    }) : () -> ()
    "tpu.region"() ({
      %run_scoped3A = tpu.sem_alloc : memref<!tpu.dma_semaphore, #tpu.memory_space<semaphore_mem>>
      %dma_start3A = tpu.memref_slice %arg3[%mul3A_2] : memref<16384xi32, #tpu.memory_space<hbm>> -> memref<512xi32, #tpu.memory_space<hbm>>
      %dma_start3A_7 = tpu.memref_slice %arg3[%mul3A_2] : memref<16384xi32, #tpu.memory_space<hbm>> -> memref<512xi32, #tpu.memory_space<hbm>>
      tpu.enqueue_dma source(%dma_start3A_7 : memref<512xi32, #tpu.memory_space<hbm>>) target(%arg7 : memref<512xi32, #tpu.memory_space<vmem>>) target_semaphore(%run_scoped3A : memref<!tpu.dma_semaphore, #tpu.memory_space<semaphore_mem>>)
      %dma_wait3A = tpu.memref_slice %arg3[%mul3A_2] : memref<16384xi32, #tpu.memory_space<hbm>> -> memref<512xi32, #tpu.memory_space<hbm>>
      %dma_wait3A_8 = tpu.memref_slice %arg3[%mul3A_2] : memref<16384xi32, #tpu.memory_space<hbm>> -> memref<512xi32, #tpu.memory_space<hbm>>
      tpu.wait_dma2 semaphore(%run_scoped3A : memref<!tpu.dma_semaphore, #tpu.memory_space<semaphore_mem>>) src(%dma_wait3A_8 : memref<512xi32, #tpu.memory_space<hbm>>) dst(%arg7 : memref<512xi32, #tpu.memory_space<vmem>>)
      tpu.yield
    }) : () -> ()
    %iota3A = tpu.iota {dimensions = array<i32: 0>} : vector<16xi32>
    %scan3A = arith.constant 0 : i32
    %scan3A_3 = arith.constant 6 : i32
    %scan3A_4 = arith.addi %scan3A, %scan3A_3 : i32
    %scan3A_5 = arith.constant 1 : i32
    scf.for %scan3A_7 = %scan3A to %scan3A_4 step %scan3A_5  : i32 {
      %mul3A_8 = arith.constant 7 : i32
      %mul3A_9 = arith.muli %scan3A_7, %mul3A_8 : i32
      %add3A_10 = arith.constant -7 : i32
      %add3A_11 = arith.addi %add3A_10, %mul3A_9 : i32
      %add3A_12 = arith.constant 0 : i32
      %add3A_13 = arith.addi %add3A_11, %add3A_12 : i32
      %ge3A = arith.constant 0 : i32
      %ge3A_14 = arith.cmpi sge, %add3A_13, %ge3A : i32
      %lt3A = arith.constant 32 : i32
      %lt3A_15 = arith.cmpi slt, %add3A_13, %lt3A : i32
      %and3A = arith.andi %ge3A_14, %lt3A_15 : i1
      %convert_element_type3A = arith.extui %and3A : i1 to i32
      %cond3A = arith.constant 0 : i32
      %cond3A_16 = arith.cmpi ne, %convert_element_type3A, %cond3A : i32
      scf.if %cond3A_16 {
        %dma_wait3A = arith.constant 0 : i32
        %dma_wait3A_126 = arith.constant 0 : i32
        %dma_wait3A_127 = tpu.memref_slice %arg8[%dma_wait3A, %dma_wait3A_126] : memref<128x128xf32, #tpu.memory_space<vmem>> -> memref<64x128xf32, #tpu.memory_space<vmem>>
        %dma_wait3A_128 = arith.constant 0 : i32
        %dma_wait3A_129 = arith.constant 0 : i32
        %dma_wait3A_130 = tpu.memref_slice %arg4[%dma_wait3A_128, %dma_wait3A_129] : memref<64x1000000xf32, #tpu.memory_space<hbm>> -> memref<64x128xf32, #tpu.memory_space<hbm>>
        %dma_wait3A_131 = arith.constant 0 : i32
        %dma_wait3A_132 = arith.constant 0 : i32
        %dma_wait3A_133 = tpu.memref_slice %arg8[%dma_wait3A_131, %dma_wait3A_132] : memref<128x128xf32, #tpu.memory_space<vmem>> -> memref<64x128xf32, #tpu.memory_space<vmem>>
        %dma_wait3A_134 = arith.constant 0 : i32
        %dma_wait3A_135 = arith.constant 0 : i32
        %dma_wait3A_136 = tpu.memref_slice %arg4[%dma_wait3A_134, %dma_wait3A_135] : memref<64x1000000xf32, #tpu.memory_space<hbm>> -> memref<64x128xf32, #tpu.memory_space<hbm>>
        tpu.wait_dma2 semaphore(%arg16 : memref<!tpu.dma_semaphore, #tpu.memory_space<semaphore_mem>>) src(%dma_wait3A_136 : memref<64x128xf32, #tpu.memory_space<hbm>>) dst(%dma_wait3A_133 : memref<64x128xf32, #tpu.memory_space<vmem>>)
        %dma_wait3A_137 = arith.constant 64 : i32
        %dma_wait3A_138 = arith.constant 0 : i32
        %dma_wait3A_139 = tpu.memref_slice %arg8[%dma_wait3A_137, %dma_wait3A_138] : memref<128x128xf32, #tpu.memory_space<vmem>> -> memref<64x128xf32, #tpu.memory_space<vmem>>
        %dma_wait3A_140 = arith.constant 0 : i32
        %dma_wait3A_141 = arith.constant 0 : i32
        %dma_wait3A_142 = tpu.memref_slice %arg4[%dma_wait3A_140, %dma_wait3A_141] : memref<64x1000000xf32, #tpu.memory_space<hbm>> -> memref<64x128xf32, #tpu.memory_space<hbm>>
        %dma_wait3A_143 = arith.constant 64 : i32
        %dma_wait3A_144 = arith.constant 0 : i32
        %dma_wait3A_145 = tpu.memref_slice %arg8[%dma_wait3A_143, %dma_wait3A_144] : memref<128x128xf32, #tpu.memory_space<vmem>> -> memref<64x128xf32, #tpu.memory_space<vmem>>
        %dma_wait3A_146 = arith.constant 0 : i32
        %dma_wait3A_147 = arith.constant 0 : i32
        %dma_wait3A_148 = tpu.memref_slice %arg4[%dma_wait3A_146, %dma_wait3A_147] : memref<64x1000000xf32, #tpu.memory_space<hbm>> -> memref<64x128xf32, #tpu.memory_space<hbm>>
        tpu.wait_dma2 semaphore(%arg16 : memref<!tpu.dma_semaphore, #tpu.memory_space<semaphore_mem>>) src(%dma_wait3A_148 : memref<64x128xf32, #tpu.memory_space<hbm>>) dst(%dma_wait3A_145 : memref<64x128xf32, #tpu.memory_space<vmem>>)
        %mul3A_149 = arith.constant 16 : i32
        %mul3A_150 = arith.muli %add3A_13, %mul3A_149 : i32
        %get3A = arith.index_cast %mul3A_150 : i32 to index
        %get3A_151 = tpu.vector_load %arg6[%get3A] {strides = array<i32>} : memref<512xi32, #tpu.memory_space<vmem>>, vector<16xi32>,
        %get3A_152 = arith.index_cast %mul3A_150 : i32 to index
        %get3A_153 = tpu.vector_load %arg7[%get3A_152] {strides = array<i32>} : memref<512xi32, #tpu.memory_space<vmem>>, vector<16xi32>,
        %mul3A_154 = arith.constant 8 : i32
        %mul3A_155 = vector.broadcast %mul3A_154 : i32 to vector<16xi32>
        %mul3A_156 = arith.muli %iota3A, %mul3A_155 : vector<16xi32>
        %and3A_157 = arith.constant 7 : i32
        %and3A_158 = vector.broadcast %and3A_157 : i32 to vector<16xi32>
        %and3A_159 = arith.andi %get3A_153, %and3A_158 : vector<16xi32>
        %add3A_160 = arith.addi %mul3A_156, %and3A_159 : vector<16xi32>
        %and3A_161 = arith.constant 127 : i32
        %and3A_162 = vector.broadcast %and3A_161 : i32 to vector<16xi32>
        %and3A_163 = arith.andi %get3A_151, %and3A_162 : vector<16xi32>
        %gather3A = tpu.vector_load_idx %arg8[%add3A_160, %and3A_163] : memref<128x128xf32, #tpu.memory_space<vmem>>[vector<16xi32>, vector<16xi32>], vector<16xf32>,
        %neg3A = arith.constant 0.000000e+00 : f32
        %neg3A_164 = vector.broadcast %neg3A : f32 to vector<16xf32>
        %neg3A_165 = arith.subf %neg3A_164, %gather3A : vector<16xf32>
        %exp3A = math.exp %neg3A_165 : vector<16xf32>
        %add3A_166 = arith.constant 1.000000e+00 : f32
        %add3A_167 = vector.broadcast %add3A_166 : f32 to vector<16xf32>
        %add3A_168 = arith.addf %add3A_167, %exp3A : vector<16xf32>
        %div3A = arith.constant 1.000000e+00 : f32
        %div3A_169 = vector.broadcast %div3A : f32 to vector<16xf32>
        %div3A_170 = arith.divf %div3A_169, %add3A_168 : vector<16xf32>
        %swap3A = arith.index_cast %mul3A_150 : i32 to index
        %swap3A_171 = tpu.vector_load %arg15[%swap3A] {strides = array<i32>} : memref<512xf32, #tpu.memory_space<vmem>>, vector<16xf32>,
        tpu.vector_store %arg15[%swap3A], %div3A_170 {strides = array<i32>} : memref<512xf32, #tpu.memory_space<vmem>>, vector<16xf32>,
      } else {
      }
      %add3A_17 = arith.constant 7 : i32
      %add3A_18 = arith.addi %add3A_13, %add3A_17 : i32
      %lt3A_19 = arith.constant 32 : i32
      %lt3A_20 = arith.cmpi slt, %add3A_18, %lt3A_19 : i32
      %convert_element_type3A_21 = arith.extui %lt3A_20 : i1 to i32
      %cond3A_22 = arith.constant 0 : i32
      %cond3A_23 = arith.cmpi ne, %convert_element_type3A_21, %cond3A_22 : i32
      scf.if %cond3A_23 {
        %add3A_126 = arith.constant 7 : i32
        %add3A_127 = arith.addi %add3A_13, %add3A_126 : i32
        %mul3A_128 = arith.constant 16 : i32
        %mul3A_129 = arith.muli %add3A_127, %mul3A_128 : i32
        %get3A = arith.index_cast %mul3A_129 : i32 to index
        %get3A_130 = tpu.vector_load %arg6[%get3A] {strides = array<i32>} : memref<512xi32, #tpu.memory_space<vmem>>, vector<16xi32>,
        %mul3A_131 = arith.constant 16 : i32
        %mul3A_132 = arith.muli %add3A_127, %mul3A_131 : i32
        %get3A_133 = arith.index_cast %mul3A_132 : i32 to index
        %get3A_134 = tpu.vector_load %arg7[%get3A_133] {strides = array<i32>} : memref<512xi32, #tpu.memory_space<vmem>>, vector<16xi32>,
        %and3A_135 = arith.constant -8 : i32
        %and3A_136 = vector.broadcast %and3A_135 : i32 to vector<16xi32>
        %and3A_137 = arith.andi %get3A_134, %and3A_136 : vector<16xi32>
        %and3A_138 = arith.constant -128 : i32
        %and3A_139 = vector.broadcast %and3A_138 : i32 to vector<16xi32>
        %and3A_140 = arith.andi %get3A_130, %and3A_139 : vector<16xi32>
        %slice3A = vector.extract_strided_slice %and3A_137 {offsets = [0], sizes = [1], strides = [1]} : vector<16xi32> to vector<1xi32>
        %squeeze3A = vector.extract %slice3A[0] : i32 from vector<1xi32>
        %multiple_of3A = tpu.assume_multiple %squeeze3A, 8 : i32
        %slice3A_141 = vector.extract_strided_slice %and3A_140 {offsets = [0], sizes = [1], strides = [1]} : vector<16xi32> to vector<1xi32>
        %squeeze3A_142 = vector.extract %slice3A_141[0] : i32 from vector<1xi32>
        %multiple_of3A_143 = tpu.assume_multiple %squeeze3A_142, 128 : i32
        %dma_start3A = arith.constant 0 : i32
        %dma_start3A_144 = arith.constant 0 : i32
        %dma_start3A_145 = tpu.memref_slice %arg8[%dma_start3A, %dma_start3A_144] : memref<128x128xf32, #tpu.memory_space<vmem>> -> memref<8x128xf32, #tpu.memory_space<vmem>>
        %dma_start3A_146 = tpu.memref_slice %arg4[%multiple_of3A, %multiple_of3A_143] : memref<64x1000000xf32, #tpu.memory_space<hbm>> -> memref<8x128xf32, #tpu.memory_space<hbm>>
        %dma_start3A_147 = arith.constant 0 : i32
        %dma_start3A_148 = arith.constant 0 : i32
        %dma_start3A_149 = tpu.memref_slice %arg8[%dma_start3A_147, %dma_start3A_148] : memref<128x128xf32, #tpu.memory_space<vmem>> -> memref<8x128xf32, #tpu.memory_space<vmem>>
        %dma_start3A_150 = tpu.memref_slice %arg4[%multiple_of3A, %multiple_of3A_143] : memref<64x1000000xf32, #tpu.memory_space<hbm>> -> memref<8x128xf32, #tpu.memory_space<hbm>>
        tpu.enqueue_dma source(%dma_start3A_150 : memref<8x128xf32, #tpu.memory_space<hbm>>) target(%dma_start3A_149 : memref<8x128xf32, #tpu.memory_space<vmem>>) target_semaphore(%arg16 : memref<!tpu.dma_semaphore, #tpu.memory_space<semaphore_mem>>)
        %slice3A_151 = vector.extract_strided_slice %and3A_137 {offsets = [1], sizes = [1], strides = [1]} : vector<16xi32> to vector<1xi32>
        %squeeze3A_152 = vector.extract %slice3A_151[0] : i32 from vector<1xi32>
        %multiple_of3A_153 = tpu.assume_multiple %squeeze3A_152, 8 : i32
        %slice3A_154 = vector.extract_strided_slice %and3A_140 {offsets = [1], sizes = [1], strides = [1]} : vector<16xi32> to vector<1xi32>
        %squeeze3A_155 = vector.extract %slice3A_154[0] : i32 from vector<1xi32>
        %multiple_of3A_156 = tpu.assume_multiple %squeeze3A_155, 128 : i32
        %dma_start3A_157 = arith.constant 8 : i32
        %dma_start3A_158 = arith.constant 0 : i32
        %dma_start3A_159 = tpu.memref_slice %arg8[%dma_start3A_157, %dma_start3A_158] : memref<128x128xf32, #tpu.memory_space<vmem>> -> memref<8x128xf32, #tpu.memory_space<vmem>>
        %dma_start3A_160 = tpu.memref_slice %arg4[%multiple_of3A_153, %multiple_of3A_156] : memref<64x1000000xf32, #tpu.memory_space<hbm>> -> memref<8x128xf32, #tpu.memory_space<hbm>>
        %dma_start3A_161 = arith.constant 8 : i32
        %dma_start3A_162 = arith.constant 0 : i32
        %dma_start3A_163 = tpu.memref_slice %arg8[%dma_start3A_161, %dma_start3A_162] : memref<128x128xf32, #tpu.memory_space<vmem>> -> memref<8x128xf32, #tpu.memory_space<vmem>>
        %dma_start3A_164 = tpu.memref_slice %arg4[%multiple_of3A_153, %multiple_of3A_156] : memref<64x1000000xf32, #tpu.memory_space<hbm>> -> memref<8x128xf32, #tpu.memory_space<hbm>>
        tpu.enqueue_dma source(%dma_start3A_164 : memref<8x128xf32, #tpu.memory_space<hbm>>) target(%dma_start3A_163 : memref<8x128xf32, #tpu.memory_space<vmem>>) target_semaphore(%arg16 : memref<!tpu.dma_semaphore, #tpu.memory_space<semaphore_mem>>)
        %slice3A_165 = vector.extract_strided_slice %and3A_137 {offsets = [2], sizes = [1], strides = [1]} : vector<16xi32> to vector<1xi32>
        %squeeze3A_166 = vector.extract %slice3A_165[0] : i32 from vector<1xi32>
        %multiple_of3A_167 = tpu.assume_multiple %squeeze3A_166, 8 : i32
        %slice3A_168 = vector.extract_strided_slice %and3A_140 {offsets = [2], sizes = [1], strides = [1]} : vector<16xi32> to vector<1xi32>
        %squeeze3A_169 = vector.extract %slice3A_168[0] : i32 from vector<1xi32>
        %multiple_of3A_170 = tpu.assume_multiple %squeeze3A_169, 128 : i32
        %dma_start3A_171 = arith.constant 16 : i32
        %dma_start3A_172 = arith.constant 0 : i32
        %dma_start3A_173 = tpu.memref_slice %arg8[%dma_start3A_171, %dma_start3A_172] : memref<128x128xf32, #tpu.memory_space<vmem>> -> memref<8x128xf32, #tpu.memory_space<vmem>>
        %dma_start3A_174 = tpu.memref_slice %arg4[%multiple_of3A_167, %multiple_of3A_170] : memref<64x1000000xf32, #tpu.memory_space<hbm>> -> memref<8x128xf32, #tpu.memory_space<hbm>>
        %dma_start3A_175 = arith.constant 16 : i32
        %dma_start3A_176 = arith.constant 0 : i32
        %dma_start3A_177 = tpu.memref_slice %arg8[%dma_start3A_175, %dma_start3A_176] : memref<128x128xf32, #tpu.memory_space<vmem>> -> memref<8x128xf32, #tpu.memory_space<vmem>>
        %dma_start3A_178 = tpu.memref_slice %arg4[%multiple_of3A_167, %multiple_of3A_170] : memref<64x1000000xf32, #tpu.memory_space<hbm>> -> memref<8x128xf32, #tpu.memory_space<hbm>>
        tpu.enqueue_dma source(%dma_start3A_178 : memref<8x128xf32, #tpu.memory_space<hbm>>) target(%dma_start3A_177 : memref<8x128xf32, #tpu.memory_space<vmem>>) target_semaphore(%arg16 : memref<!tpu.dma_semaphore, #tpu.memory_space<semaphore_mem>>)
        %slice3A_179 = vector.extract_strided_slice %and3A_137 {offsets = [3], sizes = [1], strides = [1]} : vector<16xi32> to vector<1xi32>
        %squeeze3A_180 = vector.extract %slice3A_179[0] : i32 from vector<1xi32>
        %multiple_of3A_181 = tpu.assume_multiple %squeeze3A_180, 8 : i32
        %slice3A_182 = vector.extract_strided_slice %and3A_140 {offsets = [3], sizes = [1], strides = [1]} : vector<16xi32> to vector<1xi32>
        %squeeze3A_183 = vector.extract %slice3A_182[0] : i32 from vector<1xi32>
        %multiple_of3A_184 = tpu.assume_multiple %squeeze3A_183, 128 : i32
        %dma_start3A_185 = arith.constant 24 : i32
        %dma_start3A_186 = arith.constant 0 : i32
        %dma_start3A_187 = tpu.memref_slice %arg8[%dma_start3A_185, %dma_start3A_186] : memref<128x128xf32, #tpu.memory_space<vmem>> -> memref<8x128xf32, #tpu.memory_space<vmem>>
        %dma_start3A_188 = tpu.memref_slice %arg4[%multiple_of3A_181, %multiple_of3A_184] : memref<64x1000000xf32, #tpu.memory_space<hbm>> -> memref<8x128xf32, #tpu.memory_space<hbm>>
        %dma_start3A_189 = arith.constant 24 : i32
        %dma_start3A_190 = arith.constant 0 : i32
        %dma_start3A_191 = tpu.memref_slice %arg8[%dma_start3A_189, %dma_start3A_190] : memref<128x128xf32, #tpu.memory_space<vmem>> -> memref<8x128xf32, #tpu.memory_space<vmem>>
        %dma_start3A_192 = tpu.memref_slice %arg4[%multiple_of3A_181, %multiple_of3A_184] : memref<64x1000000xf32, #tpu.memory_space<hbm>> -> memref<8x128xf32, #tpu.memory_space<hbm>>
        tpu.enqueue_dma source(%dma_start3A_192 : memref<8x128xf32, #tpu.memory_space<hbm>>) target(%dma_start3A_191 : memref<8x128xf32, #tpu.memory_space<vmem>>) target_semaphore(%arg16 : memref<!tpu.dma_semaphore, #tpu.memory_space<semaphore_mem>>)
        %slice3A_193 = vector.extract_strided_slice %and3A_137 {offsets = [4], sizes = [1], strides = [1]} : vector<16xi32> to vector<1xi32>
        %squeeze3A_194 = vector.extract %slice3A_193[0] : i32 from vector<1xi32>
        %multiple_of3A_195 = tpu.assume_multiple %squeeze3A_194, 8 : i32
        %slice3A_196 = vector.extract_strided_slice %and3A_140 {offsets = [4], sizes = [1], strides = [1]} : vector<16xi32> to vector<1xi32>
        %squeeze3A_197 = vector.extract %slice3A_196[0] : i32 from vector<1xi32>
        %multiple_of3A_198 = tpu.assume_multiple %squeeze3A_197, 128 : i32
        %dma_start3A_199 = arith.constant 32 : i32
        %dma_start3A_200 = arith.constant 0 : i32
        %dma_start3A_201 = tpu.memref_slice %arg8[%dma_start3A_199, %dma_start3A_200] : memref<128x128xf32, #tpu.memory_space<vmem>> -> memref<8x128xf32, #tpu.memory_space<vmem>>
        %dma_start3A_202 = tpu.memref_slice %arg4[%multiple_of3A_195, %multiple_of3A_198] : memref<64x1000000xf32, #tpu.memory_space<hbm>> -> memref<8x128xf32, #tpu.memory_space<hbm>>
        %dma_start3A_203 = arith.constant 32 : i32
        %dma_start3A_204 = arith.constant 0 : i32
        %dma_start3A_205 = tpu.memref_slice %arg8[%dma_start3A_203, %dma_start3A_204] : memref<128x128xf32, #tpu.memory_space<vmem>> -> memref<8x128xf32, #tpu.memory_space<vmem>>
        %dma_start3A_206 = tpu.memref_slice %arg4[%multiple_of3A_195, %multiple_of3A_198] : memref<64x1000000xf32, #tpu.memory_space<hbm>> -> memref<8x128xf32, #tpu.memory_space<hbm>>
        tpu.enqueue_dma source(%dma_start3A_206 : memref<8x128xf32, #tpu.memory_space<hbm>>) target(%dma_start3A_205 : memref<8x128xf32, #tpu.memory_space<vmem>>) target_semaphore(%arg16 : memref<!tpu.dma_semaphore, #tpu.memory_space<semaphore_mem>>)
        %slice3A_207 = vector.extract_strided_slice %and3A_137 {offsets = [5], sizes = [1], strides = [1]} : vector<16xi32> to vector<1xi32>
        %squeeze3A_208 = vector.extract %slice3A_207[0] : i32 from vector<1xi32>
        %multiple_of3A_209 = tpu.assume_multiple %squeeze3A_208, 8 : i32
        %slice3A_210 = vector.extract_strided_slice %and3A_140 {offsets = [5], sizes = [1], strides = [1]} : vector<16xi32> to vector<1xi32>
        %squeeze3A_211 = vector.extract %slice3A_210[0] : i32 from vector<1xi32>
        %multiple_of3A_212 = tpu.assume_multiple %squeeze3A_211, 128 : i32
        %dma_start3A_213 = arith.constant 40 : i32
        %dma_start3A_214 = arith.constant 0 : i32
        %dma_start3A_215 = tpu.memref_slice %arg8[%dma_start3A_213, %dma_start3A_214] : memref<128x128xf32, #tpu.memory_space<vmem>> -> memref<8x128xf32, #tpu.memory_space<vmem>>
        %dma_start3A_216 = tpu.memref_slice %arg4[%multiple_of3A_209, %multiple_of3A_212] : memref<64x1000000xf32, #tpu.memory_space<hbm>> -> memref<8x128xf32, #tpu.memory_space<hbm>>
        %dma_start3A_217 = arith.constant 40 : i32
        %dma_start3A_218 = arith.constant 0 : i32
        %dma_start3A_219 = tpu.memref_slice %arg8[%dma_start3A_217, %dma_start3A_218] : memref<128x128xf32, #tpu.memory_space<vmem>> -> memref<8x128xf32, #tpu.memory_space<vmem>>
        %dma_start3A_220 = tpu.memref_slice %arg4[%multiple_of3A_209, %multiple_of3A_212] : memref<64x1000000xf32, #tpu.memory_space<hbm>> -> memref<8x128xf32, #tpu.memory_space<hbm>>
        tpu.enqueue_dma source(%dma_start3A_220 : memref<8x128xf32, #tpu.memory_space<hbm>>) target(%dma_start3A_219 : memref<8x128xf32, #tpu.memory_space<vmem>>) target_semaphore(%arg16 : memref<!tpu.dma_semaphore, #tpu.memory_space<semaphore_mem>>)
        %slice3A_221 = vector.extract_strided_slice %and3A_137 {offsets = [6], sizes = [1], strides = [1]} : vector<16xi32> to vector<1xi32>
        %squeeze3A_222 = vector.extract %slice3A_221[0] : i32 from vector<1xi32>
        %multiple_of3A_223 = tpu.assume_multiple %squeeze3A_222, 8 : i32
        %slice3A_224 = vector.extract_strided_slice %and3A_140 {offsets = [6], sizes = [1], strides = [1]} : vector<16xi32> to vector<1xi32>
        %squeeze3A_225 = vector.extract %slice3A_224[0] : i32 from vector<1xi32>
        %multiple_of3A_226 = tpu.assume_multiple %squeeze3A_225, 128 : i32
        %dma_start3A_227 = arith.constant 48 : i32
        %dma_start3A_228 = arith.constant 0 : i32
        %dma_start3A_229 = tpu.memref_slice %arg8[%dma_start3A_227, %dma_start3A_228] : memref<128x128xf32, #tpu.memory_space<vmem>> -> memref<8x128xf32, #tpu.memory_space<vmem>>
        %dma_start3A_230 = tpu.memref_slice %arg4[%multiple_of3A_223, %multiple_of3A_226] : memref<64x1000000xf32, #tpu.memory_space<hbm>> -> memref<8x128xf32, #tpu.memory_space<hbm>>
        %dma_start3A_231 = arith.constant 48 : i32
        %dma_start3A_232 = arith.constant 0 : i32
        %dma_start3A_233 = tpu.memref_slice %arg8[%dma_start3A_231, %dma_start3A_232] : memref<128x128xf32, #tpu.memory_space<vmem>> -> memref<8x128xf32, #tpu.memory_space<vmem>>
        %dma_start3A_234 = tpu.memref_slice %arg4[%multiple_of3A_223, %multiple_of3A_226] : memref<64x1000000xf32, #tpu.memory_space<hbm>> -> memref<8x128xf32, #tpu.memory_space<hbm>>
        tpu.enqueue_dma source(%dma_start3A_234 : memref<8x128xf32, #tpu.memory_space<hbm>>) target(%dma_start3A_233 : memref<8x128xf32, #tpu.memory_space<vmem>>) target_semaphore(%arg16 : memref<!tpu.dma_semaphore, #tpu.memory_space<semaphore_mem>>)
        %slice3A_235 = vector.extract_strided_slice %and3A_137 {offsets = [7], sizes = [1], strides = [1]} : vector<16xi32> to vector<1xi32>
        %squeeze3A_236 = vector.extract %slice3A_235[0] : i32 from vector<1xi32>
        %multiple_of3A_237 = tpu.assume_multiple %squeeze3A_236, 8 : i32
        %slice3A_238 = vector.extract_strided_slice %and3A_140 {offsets = [7], sizes = [1], strides = [1]} : vector<16xi32> to vector<1xi32>
        %squeeze3A_239 = vector.extract %slice3A_238[0] : i32 from vector<1xi32>
        %multiple_of3A_240 = tpu.assume_multiple %squeeze3A_239, 128 : i32
        %dma_start3A_241 = arith.constant 56 : i32
        %dma_start3A_242 = arith.constant 0 : i32
        %dma_start3A_243 = tpu.memref_slice %arg8[%dma_start3A_241, %dma_start3A_242] : memref<128x128xf32, #tpu.memory_space<vmem>> -> memref<8x128xf32, #tpu.memory_space<vmem>>
        %dma_start3A_244 = tpu.memref_slice %arg4[%multiple_of3A_237, %multiple_of3A_240] : memref<64x1000000xf32, #tpu.memory_space<hbm>> -> memref<8x128xf32, #tpu.memory_space<hbm>>
        %dma_start3A_245 = arith.constant 56 : i32
        %dma_start3A_246 = arith.constant 0 : i32
        %dma_start3A_247 = tpu.memref_slice %arg8[%dma_start3A_245, %dma_start3A_246] : memref<128x128xf32, #tpu.memory_space<vmem>> -> memref<8x128xf32, #tpu.memory_space<vmem>>
        %dma_start3A_248 = tpu.memref_slice %arg4[%multiple_of3A_237, %multiple_of3A_240] : memref<64x1000000xf32, #tpu.memory_space<hbm>> -> memref<8x128xf32, #tpu.memory_space<hbm>>
        tpu.enqueue_dma source(%dma_start3A_248 : memref<8x128xf32, #tpu.memory_space<hbm>>) target(%dma_start3A_247 : memref<8x128xf32, #tpu.memory_space<vmem>>) target_semaphore(%arg16 : memref<!tpu.dma_semaphore, #tpu.memory_space<semaphore_mem>>)
        %slice3A_249 = vector.extract_strided_slice %and3A_137 {offsets = [8], sizes = [1], strides = [1]} : vector<16xi32> to vector<1xi32>
        %squeeze3A_250 = vector.extract %slice3A_249[0] : i32 from vector<1xi32>
        %multiple_of3A_251 = tpu.assume_multiple %squeeze3A_250, 8 : i32
        %slice3A_252 = vector.extract_strided_slice %and3A_140 {offsets = [8], sizes = [1], strides = [1]} : vector<16xi32> to vector<1xi32>
        %squeeze3A_253 = vector.extract %slice3A_252[0] : i32 from vector<1xi32>
        %multiple_of3A_254 = tpu.assume_multiple %squeeze3A_253, 128 : i32
        %dma_start3A_255 = arith.constant 64 : i32
        %dma_start3A_256 = arith.constant 0 : i32
        %dma_start3A_257 = tpu.memref_slice %arg8[%dma_start3A_255, %dma_start3A_256] : memref<128x128xf32, #tpu.memory_space<vmem>> -> memref<8x128xf32, #tpu.memory_space<vmem>>
        %dma_start3A_258 = tpu.memref_slice %arg4[%multiple_of3A_251, %multiple_of3A_254] : memref<64x1000000xf32, #tpu.memory_space<hbm>> -> memref<8x128xf32, #tpu.memory_space<hbm>>
        %dma_start3A_259 = arith.constant 64 : i32
        %dma_start3A_260 = arith.constant 0 : i32
        %dma_start3A_261 = tpu.memref_slice %arg8[%dma_start3A_259, %dma_start3A_260] : memref<128x128xf32, #tpu.memory_space<vmem>> -> memref<8x128xf32, #tpu.memory_space<vmem>>
        %dma_start3A_262 = tpu.memref_slice %arg4[%multiple_of3A_251, %multiple_of3A_254] : memref<64x1000000xf32, #tpu.memory_space<hbm>> -> memref<8x128xf32, #tpu.memory_space<hbm>>
        tpu.enqueue_dma source(%dma_start3A_262 : memref<8x128xf32, #tpu.memory_space<hbm>>) target(%dma_start3A_261 : memref<8x128xf32, #tpu.memory_space<vmem>>) target_semaphore(%arg16 : memref<!tpu.dma_semaphore, #tpu.memory_space<semaphore_mem>>)
        %slice3A_263 = vector.extract_strided_slice %and3A_137 {offsets = [9], sizes = [1], strides = [1]} : vector<16xi32> to vector<1xi32>
        %squeeze3A_264 = vector.extract %slice3A_263[0] : i32 from vector<1xi32>
        %multiple_of3A_265 = tpu.assume_multiple %squeeze3A_264, 8 : i32
        %slice3A_266 = vector.extract_strided_slice %and3A_140 {offsets = [9], sizes = [1], strides = [1]} : vector<16xi32> to vector<1xi32>
        %squeeze3A_267 = vector.extract %slice3A_266[0] : i32 from vector<1xi32>
        %multiple_of3A_268 = tpu.assume_multiple %squeeze3A_267, 128 : i32
        %dma_start3A_269 = arith.constant 72 : i32
        %dma_start3A_270 = arith.constant 0 : i32
        %dma_start3A_271 = tpu.memref_slice %arg8[%dma_start3A_269, %dma_start3A_270] : memref<128x128xf32, #tpu.memory_space<vmem>> -> memref<8x128xf32, #tpu.memory_space<vmem>>
        %dma_start3A_272 = tpu.memref_slice %arg4[%multiple_of3A_265, %multiple_of3A_268] : memref<64x1000000xf32, #tpu.memory_space<hbm>> -> memref<8x128xf32, #tpu.memory_space<hbm>>
        %dma_start3A_273 = arith.constant 72 : i32
        %dma_start3A_274 = arith.constant 0 : i32
        %dma_start3A_275 = tpu.memref_slice %arg8[%dma_start3A_273, %dma_start3A_274] : memref<128x128xf32, #tpu.memory_space<vmem>> -> memref<8x128xf32, #tpu.memory_space<vmem>>
        %dma_start3A_276 = tpu.memref_slice %arg4[%multiple_of3A_265, %multiple_of3A_268] : memref<64x1000000xf32, #tpu.memory_space<hbm>> -> memref<8x128xf32, #tpu.memory_space<hbm>>
        tpu.enqueue_dma source(%dma_start3A_276 : memref<8x128xf32, #tpu.memory_space<hbm>>) target(%dma_start3A_275 : memref<8x128xf32, #tpu.memory_space<vmem>>) target_semaphore(%arg16 : memref<!tpu.dma_semaphore, #tpu.memory_space<semaphore_mem>>)
        %slice3A_277 = vector.extract_strided_slice %and3A_137 {offsets = [10], sizes = [1], strides = [1]} : vector<16xi32> to vector<1xi32>
        %squeeze3A_278 = vector.extract %slice3A_277[0] : i32 from vector<1xi32>
        %multiple_of3A_279 = tpu.assume_multiple %squeeze3A_278, 8 : i32
        %slice3A_280 = vector.extract_strided_slice %and3A_140 {offsets = [10], sizes = [1], strides = [1]} : vector<16xi32> to vector<1xi32>
        %squeeze3A_281 = vector.extract %slice3A_280[0] : i32 from vector<1xi32>
        %multiple_of3A_282 = tpu.assume_multiple %squeeze3A_281, 128 : i32
        %dma_start3A_283 = arith.constant 80 : i32
        %dma_start3A_284 = arith.constant 0 : i32
        %dma_start3A_285 = tpu.memref_slice %arg8[%dma_start3A_283, %dma_start3A_284] : memref<128x128xf32, #tpu.memory_space<vmem>> -> memref<8x128xf32, #tpu.memory_space<vmem>>
        %dma_start3A_286 = tpu.memref_slice %arg4[%multiple_of3A_279, %multiple_of3A_282] : memref<64x1000000xf32, #tpu.memory_space<hbm>> -> memref<8x128xf32, #tpu.memory_space<hbm>>
        %dma_start3A_287 = arith.constant 80 : i32
        %dma_start3A_288 = arith.constant 0 : i32
        %dma_start3A_289 = tpu.memref_slice %arg8[%dma_start3A_287, %dma_start3A_288] : memref<128x128xf32, #tpu.memory_space<vmem>> -> memref<8x128xf32, #tpu.memory_space<vmem>>
        %dma_start3A_290 = tpu.memref_slice %arg4[%multiple_of3A_279, %multiple_of3A_282] : memref<64x1000000xf32, #tpu.memory_space<hbm>> -> memref<8x128xf32, #tpu.memory_space<hbm>>
        tpu.enqueue_dma source(%dma_start3A_290 : memref<8x128xf32, #tpu.memory_space<hbm>>) target(%dma_start3A_289 : memref<8x128xf32, #tpu.memory_space<vmem>>) target_semaphore(%arg16 : memref<!tpu.dma_semaphore, #tpu.memory_space<semaphore_mem>>)
        %slice3A_291 = vector.extract_strided_slice %and3A_137 {offsets = [11], sizes = [1], strides = [1]} : vector<16xi32> to vector<1xi32>
        %squeeze3A_292 = vector.extract %slice3A_291[0] : i32 from vector<1xi32>
        %multiple_of3A_293 = tpu.assume_multiple %squeeze3A_292, 8 : i32
        %slice3A_294 = vector.extract_strided_slice %and3A_140 {offsets = [11], sizes = [1], strides = [1]} : vector<16xi32> to vector<1xi32>
        %squeeze3A_295 = vector.extract %slice3A_294[0] : i32 from vector<1xi32>
        %multiple_of3A_296 = tpu.assume_multiple %squeeze3A_295, 128 : i32
        %dma_start3A_297 = arith.constant 88 : i32
        %dma_start3A_298 = arith.constant 0 : i32
        %dma_start3A_299 = tpu.memref_slice %arg8[%dma_start3A_297, %dma_start3A_298] : memref<128x128xf32, #tpu.memory_space<vmem>> -> memref<8x128xf32, #tpu.memory_space<vmem>>
        %dma_start3A_300 = tpu.memref_slice %arg4[%multiple_of3A_293, %multiple_of3A_296] : memref<64x1000000xf32, #tpu.memory_space<hbm>> -> memref<8x128xf32, #tpu.memory_space<hbm>>
        %dma_start3A_301 = arith.constant 88 : i32
        %dma_start3A_302 = arith.constant 0 : i32
        %dma_start3A_303 = tpu.memref_slice %arg8[%dma_start3A_301, %dma_start3A_302] : memref<128x128xf32, #tpu.memory_space<vmem>> -> memref<8x128xf32, #tpu.memory_space<vmem>>
        %dma_start3A_304 = tpu.memref_slice %arg4[%multiple_of3A_293, %multiple_of3A_296] : memref<64x1000000xf32, #tpu.memory_space<hbm>> -> memref<8x128xf32, #tpu.memory_space<hbm>>
        tpu.enqueue_dma source(%dma_start3A_304 : memref<8x128xf32, #tpu.memory_space<hbm>>) target(%dma_start3A_303 : memref<8x128xf32, #tpu.memory_space<vmem>>) target_semaphore(%arg16 : memref<!tpu.dma_semaphore, #tpu.memory_space<semaphore_mem>>)
        %slice3A_305 = vector.extract_strided_slice %and3A_137 {offsets = [12], sizes = [1], strides = [1]} : vector<16xi32> to vector<1xi32>
        %squeeze3A_306 = vector.extract %slice3A_305[0] : i32 from vector<1xi32>
        %multiple_of3A_307 = tpu.assume_multiple %squeeze3A_306, 8 : i32
        %slice3A_308 = vector.extract_strided_slice %and3A_140 {offsets = [12], sizes = [1], strides = [1]} : vector<16xi32> to vector<1xi32>
        %squeeze3A_309 = vector.extract %slice3A_308[0] : i32 from vector<1xi32>
        %multiple_of3A_310 = tpu.assume_multiple %squeeze3A_309, 128 : i32
        %dma_start3A_311 = arith.constant 96 : i32
        %dma_start3A_312 = arith.constant 0 : i32
        %dma_start3A_313 = tpu.memref_slice %arg8[%dma_start3A_311, %dma_start3A_312] : memref<128x128xf32, #tpu.memory_space<vmem>> -> memref<8x128xf32, #tpu.memory_space<vmem>>
        %dma_start3A_314 = tpu.memref_slice %arg4[%multiple_of3A_307, %multiple_of3A_310] : memref<64x1000000xf32, #tpu.memory_space<hbm>> -> memref<8x128xf32, #tpu.memory_space<hbm>>
        %dma_start3A_315 = arith.constant 96 : i32
        %dma_start3A_316 = arith.constant 0 : i32
        %dma_start3A_317 = tpu.memref_slice %arg8[%dma_start3A_315, %dma_start3A_316] : memref<128x128xf32, #tpu.memory_space<vmem>> -> memref<8x128xf32, #tpu.memory_space<vmem>>
        %dma_start3A_318 = tpu.memref_slice %arg4[%multiple_of3A_307, %multiple_of3A_310] : memref<64x1000000xf32, #tpu.memory_space<hbm>> -> memref<8x128xf32, #tpu.memory_space<hbm>>
        tpu.enqueue_dma source(%dma_start3A_318 : memref<8x128xf32, #tpu.memory_space<hbm>>) target(%dma_start3A_317 : memref<8x128xf32, #tpu.memory_space<vmem>>) target_semaphore(%arg16 : memref<!tpu.dma_semaphore, #tpu.memory_space<semaphore_mem>>)
        %slice3A_319 = vector.extract_strided_slice %and3A_137 {offsets = [13], sizes = [1], strides = [1]} : vector<16xi32> to vector<1xi32>
        %squeeze3A_320 = vector.extract %slice3A_319[0] : i32 from vector<1xi32>
        %multiple_of3A_321 = tpu.assume_multiple %squeeze3A_320, 8 : i32
        %slice3A_322 = vector.extract_strided_slice %and3A_140 {offsets = [13], sizes = [1], strides = [1]} : vector<16xi32> to vector<1xi32>
        %squeeze3A_323 = vector.extract %slice3A_322[0] : i32 from vector<1xi32>
        %multiple_of3A_324 = tpu.assume_multiple %squeeze3A_323, 128 : i32
        %dma_start3A_325 = arith.constant 104 : i32
        %dma_start3A_326 = arith.constant 0 : i32
        %dma_start3A_327 = tpu.memref_slice %arg8[%dma_start3A_325, %dma_start3A_326] : memref<128x128xf32, #tpu.memory_space<vmem>> -> memref<8x128xf32, #tpu.memory_space<vmem>>
        %dma_start3A_328 = tpu.memref_slice %arg4[%multiple_of3A_321, %multiple_of3A_324] : memref<64x1000000xf32, #tpu.memory_space<hbm>> -> memref<8x128xf32, #tpu.memory_space<hbm>>
        %dma_start3A_329 = arith.constant 104 : i32
        %dma_start3A_330 = arith.constant 0 : i32
        %dma_start3A_331 = tpu.memref_slice %arg8[%dma_start3A_329, %dma_start3A_330] : memref<128x128xf32, #tpu.memory_space<vmem>> -> memref<8x128xf32, #tpu.memory_space<vmem>>
        %dma_start3A_332 = tpu.memref_slice %arg4[%multiple_of3A_321, %multiple_of3A_324] : memref<64x1000000xf32, #tpu.memory_space<hbm>> -> memref<8x128xf32, #tpu.memory_space<hbm>>
        tpu.enqueue_dma source(%dma_start3A_332 : memref<8x128xf32, #tpu.memory_space<hbm>>) target(%dma_start3A_331 : memref<8x128xf32, #tpu.memory_space<vmem>>) target_semaphore(%arg16 : memref<!tpu.dma_semaphore, #tpu.memory_space<semaphore_mem>>)
        %slice3A_333 = vector.extract_strided_slice %and3A_137 {offsets = [14], sizes = [1], strides = [1]} : vector<16xi32> to vector<1xi32>
        %squeeze3A_334 = vector.extract %slice3A_333[0] : i32 from vector<1xi32>
        %multiple_of3A_335 = tpu.assume_multiple %squeeze3A_334, 8 : i32
        %slice3A_336 = vector.extract_strided_slice %and3A_140 {offsets = [14], sizes = [1], strides = [1]} : vector<16xi32> to vector<1xi32>
        %squeeze3A_337 = vector.extract %slice3A_336[0] : i32 from vector<1xi32>
        %multiple_of3A_338 = tpu.assume_multiple %squeeze3A_337, 128 : i32
        %dma_start3A_339 = arith.constant 112 : i32
        %dma_start3A_340 = arith.constant 0 : i32
        %dma_start3A_341 = tpu.memref_slice %arg8[%dma_start3A_339, %dma_start3A_340] : memref<128x128xf32, #tpu.memory_space<vmem>> -> memref<8x128xf32, #tpu.memory_space<vmem>>
        %dma_start3A_342 = tpu.memref_slice %arg4[%multiple_of3A_335, %multiple_of3A_338] : memref<64x1000000xf32, #tpu.memory_space<hbm>> -> memref<8x128xf32, #tpu.memory_space<hbm>>
        %dma_start3A_343 = arith.constant 112 : i32
        %dma_start3A_344 = arith.constant 0 : i32
        %dma_start3A_345 = tpu.memref_slice %arg8[%dma_start3A_343, %dma_start3A_344] : memref<128x128xf32, #tpu.memory_space<vmem>> -> memref<8x128xf32, #tpu.memory_space<vmem>>
        %dma_start3A_346 = tpu.memref_slice %arg4[%multiple_of3A_335, %multiple_of3A_338] : memref<64x1000000xf32, #tpu.memory_space<hbm>> -> memref<8x128xf32, #tpu.memory_space<hbm>>
        tpu.enqueue_dma source(%dma_start3A_346 : memref<8x128xf32, #tpu.memory_space<hbm>>) target(%dma_start3A_345 : memref<8x128xf32, #tpu.memory_space<vmem>>) target_semaphore(%arg16 : memref<!tpu.dma_semaphore, #tpu.memory_space<semaphore_mem>>)
        %slice3A_347 = vector.extract_strided_slice %and3A_137 {offsets = [15], sizes = [1], strides = [1]} : vector<16xi32> to vector<1xi32>
        %squeeze3A_348 = vector.extract %slice3A_347[0] : i32 from vector<1xi32>
        %multiple_of3A_349 = tpu.assume_multiple %squeeze3A_348, 8 : i32
        %slice3A_350 = vector.extract_strided_slice %and3A_140 {offsets = [15], sizes = [1], strides = [1]} : vector<16xi32> to vector<1xi32>
        %squeeze3A_351 = vector.extract %slice3A_350[0] : i32 from vector<1xi32>
        %multiple_of3A_352 = tpu.assume_multiple %squeeze3A_351, 128 : i32
        %dma_start3A_353 = arith.constant 120 : i32
        %dma_start3A_354 = arith.constant 0 : i32
        %dma_start3A_355 = tpu.memref_slice %arg8[%dma_start3A_353, %dma_start3A_354] : memref<128x128xf32, #tpu.memory_space<vmem>> -> memref<8x128xf32, #tpu.memory_space<vmem>>
        %dma_start3A_356 = tpu.memref_slice %arg4[%multiple_of3A_349, %multiple_of3A_352] : memref<64x1000000xf32, #tpu.memory_space<hbm>> -> memref<8x128xf32, #tpu.memory_space<hbm>>
        %dma_start3A_357 = arith.constant 120 : i32
        %dma_start3A_358 = arith.constant 0 : i32
        %dma_start3A_359 = tpu.memref_slice %arg8[%dma_start3A_357, %dma_start3A_358] : memref<128x128xf32, #tpu.memory_space<vmem>> -> memref<8x128xf32, #tpu.memory_space<vmem>>
        %dma_start3A_360 = tpu.memref_slice %arg4[%multiple_of3A_349, %multiple_of3A_352] : memref<64x1000000xf32, #tpu.memory_space<hbm>> -> memref<8x128xf32, #tpu.memory_space<hbm>>
        tpu.enqueue_dma source(%dma_start3A_360 : memref<8x128xf32, #tpu.memory_space<hbm>>) target(%dma_start3A_359 : memref<8x128xf32, #tpu.memory_space<vmem>>) target_semaphore(%arg16 : memref<!tpu.dma_semaphore, #tpu.memory_space<semaphore_mem>>)
      } else {
      }
      %add3A_24 = arith.constant 1 : i32
      %add3A_25 = arith.addi %add3A_11, %add3A_24 : i32
      %ge3A_26 = arith.constant 0 : i32
      %ge3A_27 = arith.cmpi sge, %add3A_25, %ge3A_26 : i32
      %lt3A_28 = arith.constant 32 : i32
      %lt3A_29 = arith.cmpi slt, %add3A_25, %lt3A_28 : i32
      %and3A_30 = arith.andi %ge3A_27, %lt3A_29 : i1
      %convert_element_type3A_31 = arith.extui %and3A_30 : i1 to i32
      %cond3A_32 = arith.constant 0 : i32
      %cond3A_33 = arith.cmpi ne, %convert_element_type3A_31, %cond3A_32 : i32
      scf.if %cond3A_33 {
        %dma_wait3A = arith.constant 0 : i32
        %dma_wait3A_126 = arith.constant 0 : i32
        %dma_wait3A_127 = tpu.memref_slice %arg9[%dma_wait3A, %dma_wait3A_126] : memref<128x128xf32, #tpu.memory_space<vmem>> -> memref<64x128xf32, #tpu.memory_space<vmem>>
        %dma_wait3A_128 = arith.constant 0 : i32
        %dma_wait3A_129 = arith.constant 0 : i32
        %dma_wait3A_130 = tpu.memref_slice %arg4[%dma_wait3A_128, %dma_wait3A_129] : memref<64x1000000xf32, #tpu.memory_space<hbm>> -> memref<64x128xf32, #tpu.memory_space<hbm>>
        %dma_wait3A_131 = arith.constant 0 : i32
        %dma_wait3A_132 = arith.constant 0 : i32
        %dma_wait3A_133 = tpu.memref_slice %arg9[%dma_wait3A_131, %dma_wait3A_132] : memref<128x128xf32, #tpu.memory_space<vmem>> -> memref<64x128xf32, #tpu.memory_space<vmem>>
        %dma_wait3A_134 = arith.constant 0 : i32
        %dma_wait3A_135 = arith.constant 0 : i32
        %dma_wait3A_136 = tpu.memref_slice %arg4[%dma_wait3A_134, %dma_wait3A_135] : memref<64x1000000xf32, #tpu.memory_space<hbm>> -> memref<64x128xf32, #tpu.memory_space<hbm>>
        tpu.wait_dma2 semaphore(%arg17 : memref<!tpu.dma_semaphore, #tpu.memory_space<semaphore_mem>>) src(%dma_wait3A_136 : memref<64x128xf32, #tpu.memory_space<hbm>>) dst(%dma_wait3A_133 : memref<64x128xf32, #tpu.memory_space<vmem>>)
        %dma_wait3A_137 = arith.constant 64 : i32
        %dma_wait3A_138 = arith.constant 0 : i32
        %dma_wait3A_139 = tpu.memref_slice %arg9[%dma_wait3A_137, %dma_wait3A_138] : memref<128x128xf32, #tpu.memory_space<vmem>> -> memref<64x128xf32, #tpu.memory_space<vmem>>
        %dma_wait3A_140 = arith.constant 0 : i32
        %dma_wait3A_141 = arith.constant 0 : i32
        %dma_wait3A_142 = tpu.memref_slice %arg4[%dma_wait3A_140, %dma_wait3A_141] : memref<64x1000000xf32, #tpu.memory_space<hbm>> -> memref<64x128xf32, #tpu.memory_space<hbm>>
        %dma_wait3A_143 = arith.constant 64 : i32
        %dma_wait3A_144 = arith.constant 0 : i32
        %dma_wait3A_145 = tpu.memref_slice %arg9[%dma_wait3A_143, %dma_wait3A_144] : memref<128x128xf32, #tpu.memory_space<vmem>> -> memref<64x128xf32, #tpu.memory_space<vmem>>
        %dma_wait3A_146 = arith.constant 0 : i32
        %dma_wait3A_147 = arith.constant 0 : i32
        %dma_wait3A_148 = tpu.memref_slice %arg4[%dma_wait3A_146, %dma_wait3A_147] : memref<64x1000000xf32, #tpu.memory_space<hbm>> -> memref<64x128xf32, #tpu.memory_space<hbm>>
        tpu.wait_dma2 semaphore(%arg17 : memref<!tpu.dma_semaphore, #tpu.memory_space<semaphore_mem>>) src(%dma_wait3A_148 : memref<64x128xf32, #tpu.memory_space<hbm>>) dst(%dma_wait3A_145 : memref<64x128xf32, #tpu.memory_space<vmem>>)
        %mul3A_149 = arith.constant 16 : i32
        %mul3A_150 = arith.muli %add3A_25, %mul3A_149 : i32
        %get3A = arith.index_cast %mul3A_150 : i32 to index
        %get3A_151 = tpu.vector_load %arg6[%get3A] {strides = array<i32>} : memref<512xi32, #tpu.memory_space<vmem>>, vector<16xi32>,
        %get3A_152 = arith.index_cast %mul3A_150 : i32 to index
        %get3A_153 = tpu.vector_load %arg7[%get3A_152] {strides = array<i32>} : memref<512xi32, #tpu.memory_space<vmem>>, vector<16xi32>,
        %mul3A_154 = arith.constant 8 : i32
        %mul3A_155 = vector.broadcast %mul3A_154 : i32 to vector<16xi32>
        %mul3A_156 = arith.muli %iota3A, %mul3A_155 : vector<16xi32>
        %and3A_157 = arith.constant 7 : i32
        %and3A_158 = vector.broadcast %and3A_157 : i32 to vector<16xi32>
        %and3A_159 = arith.andi %get3A_153, %and3A_158 : vector<16xi32>
        %add3A_160 = arith.addi %mul3A_156, %and3A_159 : vector<16xi32>
        %and3A_161 = arith.constant 127 : i32
        %and3A_162 = vector.broadcast %and3A_161 : i32 to vector<16xi32>
        %and3A_163 = arith.andi %get3A_151, %and3A_162 : vector<16xi32>
        %gather3A = tpu.vector_load_idx %arg9[%add3A_160, %and3A_163] : memref<128x128xf32, #tpu.memory_space<vmem>>[vector<16xi32>, vector<16xi32>], vector<16xf32>,
        %neg3A = arith.constant 0.000000e+00 : f32
        %neg3A_164 = vector.broadcast %neg3A : f32 to vector<16xf32>
        %neg3A_165 = arith.subf %neg3A_164, %gather3A : vector<16xf32>
        %exp3A = math.exp %neg3A_165 : vector<16xf32>
        %add3A_166 = arith.constant 1.000000e+00 : f32
        %add3A_167 = vector.broadcast %add3A_166 : f32 to vector<16xf32>
        %add3A_168 = arith.addf %add3A_167, %exp3A : vector<16xf32>
        %div3A = arith.constant 1.000000e+00 : f32
        %div3A_169 = vector.broadcast %div3A : f32 to vector<16xf32>
        %div3A_170 = arith.divf %div3A_169, %add3A_168 : vector<16xf32>
        %swap3A = arith.index_cast %mul3A_150 : i32 to index
        %swap3A_171 = tpu.vector_load %arg15[%swap3A] {strides = array<i32>} : memref<512xf32, #tpu.memory_space<vmem>>, vector<16xf32>,
        tpu.vector_store %arg15[%swap3A], %div3A_170 {strides = array<i32>} : memref<512xf32, #tpu.memory_space<vmem>>, vector<16xf32>,
      } else {
      }
      %add3A_34 = arith.constant 7 : i32
      %add3A_35 = arith.addi %add3A_25, %add3A_34 : i32
      %lt3A_36 = arith.constant 32 : i32
      %lt3A_37 = arith.cmpi slt, %add3A_35, %lt3A_36 : i32
      %convert_element_type3A_38 = arith.extui %lt3A_37 : i1 to i32
      %cond3A_39 = arith.constant 0 : i32
      %cond3A_40 = arith.cmpi ne, %convert_element_type3A_38, %cond3A_39 : i32
      scf.if %cond3A_40 {
        %add3A_126 = arith.constant 7 : i32
        %add3A_127 = arith.addi %add3A_25, %add3A_126 : i32
        %mul3A_128 = arith.constant 16 : i32
        %mul3A_129 = arith.muli %add3A_127, %mul3A_128 : i32
        %get3A = arith.index_cast %mul3A_129 : i32 to index
        %get3A_130 = tpu.vector_load %arg6[%get3A] {strides = array<i32>} : memref<512xi32, #tpu.memory_space<vmem>>, vector<16xi32>,
        %mul3A_131 = arith.constant 16 : i32
        %mul3A_132 = arith.muli %add3A_127, %mul3A_131 : i32
        %get3A_133 = arith.index_cast %mul3A_132 : i32 to index
        %get3A_134 = tpu.vector_load %arg7[%get3A_133] {strides = array<i32>} : memref<512xi32, #tpu.memory_space<vmem>>, vector<16xi32>,
        %and3A_135 = arith.constant -8 : i32
        %and3A_136 = vector.broadcast %and3A_135 : i32 to vector<16xi32>
        %and3A_137 = arith.andi %get3A_134, %and3A_136 : vector<16xi32>
        %and3A_138 = arith.constant -128 : i32
        %and3A_139 = vector.broadcast %and3A_138 : i32 to vector<16xi32>
        %and3A_140 = arith.andi %get3A_130, %and3A_139 : vector<16xi32>
        %slice3A = vector.extract_strided_slice %and3A_137 {offsets = [0], sizes = [1], strides = [1]} : vector<16xi32> to vector<1xi32>
        %squeeze3A = vector.extract %slice3A[0] : i32 from vector<1xi32>
        %multiple_of3A = tpu.assume_multiple %squeeze3A, 8 : i32
        %slice3A_141 = vector.extract_strided_slice %and3A_140 {offsets = [0], sizes = [1], strides = [1]} : vector<16xi32> to vector<1xi32>
        %squeeze3A_142 = vector.extract %slice3A_141[0] : i32 from vector<1xi32>
        %multiple_of3A_143 = tpu.assume_multiple %squeeze3A_142, 128 : i32
        %dma_start3A = arith.constant 0 : i32
        %dma_start3A_144 = arith.constant 0 : i32
        %dma_start3A_145 = tpu.memref_slice %arg9[%dma_start3A, %dma_start3A_144] : memref<128x128xf32, #tpu.memory_space<vmem>> -> memref<8x128xf32, #tpu.memory_space<vmem>>
        %dma_start3A_146 = tpu.memref_slice %arg4[%multiple_of3A, %multiple_of3A_143] : memref<64x1000000xf32, #tpu.memory_space<hbm>> -> memref<8x128xf32, #tpu.memory_space<hbm>>
        %dma_start3A_147 = arith.constant 0 : i32
        %dma_start3A_148 = arith.constant 0 : i32
        %dma_start3A_149 = tpu.memref_slice %arg9[%dma_start3A_147, %dma_start3A_148] : memref<128x128xf32, #tpu.memory_space<vmem>> -> memref<8x128xf32, #tpu.memory_space<vmem>>
        %dma_start3A_150 = tpu.memref_slice %arg4[%multiple_of3A, %multiple_of3A_143] : memref<64x1000000xf32, #tpu.memory_space<hbm>> -> memref<8x128xf32, #tpu.memory_space<hbm>>
        tpu.enqueue_dma source(%dma_start3A_150 : memref<8x128xf32, #tpu.memory_space<hbm>>) target(%dma_start3A_149 : memref<8x128xf32, #tpu.memory_space<vmem>>) target_semaphore(%arg17 : memref<!tpu.dma_semaphore, #tpu.memory_space<semaphore_mem>>)
        %slice3A_151 = vector.extract_strided_slice %and3A_137 {offsets = [1], sizes = [1], strides = [1]} : vector<16xi32> to vector<1xi32>
        %squeeze3A_152 = vector.extract %slice3A_151[0] : i32 from vector<1xi32>
        %multiple_of3A_153 = tpu.assume_multiple %squeeze3A_152, 8 : i32
        %slice3A_154 = vector.extract_strided_slice %and3A_140 {offsets = [1], sizes = [1], strides = [1]} : vector<16xi32> to vector<1xi32>
        %squeeze3A_155 = vector.extract %slice3A_154[0] : i32 from vector<1xi32>
        %multiple_of3A_156 = tpu.assume_multiple %squeeze3A_155, 128 : i32
        %dma_start3A_157 = arith.constant 8 : i32
        %dma_start3A_158 = arith.constant 0 : i32
        %dma_start3A_159 = tpu.memref_slice %arg9[%dma_start3A_157, %dma_start3A_158] : memref<128x128xf32, #tpu.memory_space<vmem>> -> memref<8x128xf32, #tpu.memory_space<vmem>>
        %dma_start3A_160 = tpu.memref_slice %arg4[%multiple_of3A_153, %multiple_of3A_156] : memref<64x1000000xf32, #tpu.memory_space<hbm>> -> memref<8x128xf32, #tpu.memory_space<hbm>>
        %dma_start3A_161 = arith.constant 8 : i32
        %dma_start3A_162 = arith.constant 0 : i32
        %dma_start3A_163 = tpu.memref_slice %arg9[%dma_start3A_161, %dma_start3A_162] : memref<128x128xf32, #tpu.memory_space<vmem>> -> memref<8x128xf32, #tpu.memory_space<vmem>>
        %dma_start3A_164 = tpu.memref_slice %arg4[%multiple_of3A_153, %multiple_of3A_156] : memref<64x1000000xf32, #tpu.memory_space<hbm>> -> memref<8x128xf32, #tpu.memory_space<hbm>>
        tpu.enqueue_dma source(%dma_start3A_164 : memref<8x128xf32, #tpu.memory_space<hbm>>) target(%dma_start3A_163 : memref<8x128xf32, #tpu.memory_space<vmem>>) target_semaphore(%arg17 : memref<!tpu.dma_semaphore, #tpu.memory_space<semaphore_mem>>)
        %slice3A_165 = vector.extract_strided_slice %and3A_137 {offsets = [2], sizes = [1], strides = [1]} : vector<16xi32> to vector<1xi32>
        %squeeze3A_166 = vector.extract %slice3A_165[0] : i32 from vector<1xi32>
        %multiple_of3A_167 = tpu.assume_multiple %squeeze3A_166, 8 : i32
        %slice3A_168 = vector.extract_strided_slice %and3A_140 {offsets = [2], sizes = [1], strides = [1]} : vector<16xi32> to vector<1xi32>
        %squeeze3A_169 = vector.extract %slice3A_168[0] : i32 from vector<1xi32>
        %multiple_of3A_170 = tpu.assume_multiple %squeeze3A_169, 128 : i32
        %dma_start3A_171 = arith.constant 16 : i32
        %dma_start3A_172 = arith.constant 0 : i32
        %dma_start3A_173 = tpu.memref_slice %arg9[%dma_start3A_171, %dma_start3A_172] : memref<128x128xf32, #tpu.memory_space<vmem>> -> memref<8x128xf32, #tpu.memory_space<vmem>>
        %dma_start3A_174 = tpu.memref_slice %arg4[%multiple_of3A_167, %multiple_of3A_170] : memref<64x1000000xf32, #tpu.memory_space<hbm>> -> memref<8x128xf32, #tpu.memory_space<hbm>>
        %dma_start3A_175 = arith.constant 16 : i32
        %dma_start3A_176 = arith.constant 0 : i32
        %dma_start3A_177 = tpu.memref_slice %arg9[%dma_start3A_175, %dma_start3A_176] : memref<128x128xf32, #tpu.memory_space<vmem>> -> memref<8x128xf32, #tpu.memory_space<vmem>>
        %dma_start3A_178 = tpu.memref_slice %arg4[%multiple_of3A_167, %multiple_of3A_170] : memref<64x1000000xf32, #tpu.memory_space<hbm>> -> memref<8x128xf32, #tpu.memory_space<hbm>>
        tpu.enqueue_dma source(%dma_start3A_178 : memref<8x128xf32, #tpu.memory_space<hbm>>) target(%dma_start3A_177 : memref<8x128xf32, #tpu.memory_space<vmem>>) target_semaphore(%arg17 : memref<!tpu.dma_semaphore, #tpu.memory_space<semaphore_mem>>)
        %slice3A_179 = vector.extract_strided_slice %and3A_137 {offsets = [3], sizes = [1], strides = [1]} : vector<16xi32> to vector<1xi32>
        %squeeze3A_180 = vector.extract %slice3A_179[0] : i32 from vector<1xi32>
        %multiple_of3A_181 = tpu.assume_multiple %squeeze3A_180, 8 : i32
        %slice3A_182 = vector.extract_strided_slice %and3A_140 {offsets = [3], sizes = [1], strides = [1]} : vector<16xi32> to vector<1xi32>
        %squeeze3A_183 = vector.extract %slice3A_182[0] : i32 from vector<1xi32>
        %multiple_of3A_184 = tpu.assume_multiple %squeeze3A_183, 128 : i32
        %dma_start3A_185 = arith.constant 24 : i32
        %dma_start3A_186 = arith.constant 0 : i32
        %dma_start3A_187 = tpu.memref_slice %arg9[%dma_start3A_185, %dma_start3A_186] : memref<128x128xf32, #tpu.memory_space<vmem>> -> memref<8x128xf32, #tpu.memory_space<vmem>>
        %dma_start3A_188 = tpu.memref_slice %arg4[%multiple_of3A_181, %multiple_of3A_184] : memref<64x1000000xf32, #tpu.memory_space<hbm>> -> memref<8x128xf32, #tpu.memory_space<hbm>>
        %dma_start3A_189 = arith.constant 24 : i32
        %dma_start3A_190 = arith.constant 0 : i32
        %dma_start3A_191 = tpu.memref_slice %arg9[%dma_start3A_189, %dma_start3A_190] : memref<128x128xf32, #tpu.memory_space<vmem>> -> memref<8x128xf32, #tpu.memory_space<vmem>>
        %dma_start3A_192 = tpu.memref_slice %arg4[%multiple_of3A_181, %multiple_of3A_184] : memref<64x1000000xf32, #tpu.memory_space<hbm>> -> memref<8x128xf32, #tpu.memory_space<hbm>>
        tpu.enqueue_dma source(%dma_start3A_192 : memref<8x128xf32, #tpu.memory_space<hbm>>) target(%dma_start3A_191 : memref<8x128xf32, #tpu.memory_space<vmem>>) target_semaphore(%arg17 : memref<!tpu.dma_semaphore, #tpu.memory_space<semaphore_mem>>)
        %slice3A_193 = vector.extract_strided_slice %and3A_137 {offsets = [4], sizes = [1], strides = [1]} : vector<16xi32> to vector<1xi32>
        %squeeze3A_194 = vector.extract %slice3A_193[0] : i32 from vector<1xi32>
        %multiple_of3A_195 = tpu.assume_multiple %squeeze3A_194, 8 : i32
        %slice3A_196 = vector.extract_strided_slice %and3A_140 {offsets = [4], sizes = [1], strides = [1]} : vector<16xi32> to vector<1xi32>
        %squeeze3A_197 = vector.extract %slice3A_196[0] : i32 from vector<1xi32>
        %multiple_of3A_198 = tpu.assume_multiple %squeeze3A_197, 128 : i32
        %dma_start3A_199 = arith.constant 32 : i32
        %dma_start3A_200 = arith.constant 0 : i32
        %dma_start3A_201 = tpu.memref_slice %arg9[%dma_start3A_199, %dma_start3A_200] : memref<128x128xf32, #tpu.memory_space<vmem>> -> memref<8x128xf32, #tpu.memory_space<vmem>>
        %dma_start3A_202 = tpu.memref_slice %arg4[%multiple_of3A_195, %multiple_of3A_198] : memref<64x1000000xf32, #tpu.memory_space<hbm>> -> memref<8x128xf32, #tpu.memory_space<hbm>>
        %dma_start3A_203 = arith.constant 32 : i32
        %dma_start3A_204 = arith.constant 0 : i32
        %dma_start3A_205 = tpu.memref_slice %arg9[%dma_start3A_203, %dma_start3A_204] : memref<128x128xf32, #tpu.memory_space<vmem>> -> memref<8x128xf32, #tpu.memory_space<vmem>>
        %dma_start3A_206 = tpu.memref_slice %arg4[%multiple_of3A_195, %multiple_of3A_198] : memref<64x1000000xf32, #tpu.memory_space<hbm>> -> memref<8x128xf32, #tpu.memory_space<hbm>>
        tpu.enqueue_dma source(%dma_start3A_206 : memref<8x128xf32, #tpu.memory_space<hbm>>) target(%dma_start3A_205 : memref<8x128xf32, #tpu.memory_space<vmem>>) target_semaphore(%arg17 : memref<!tpu.dma_semaphore, #tpu.memory_space<semaphore_mem>>)
        %slice3A_207 = vector.extract_strided_slice %and3A_137 {offsets = [5], sizes = [1], strides = [1]} : vector<16xi32> to vector<1xi32>
        %squeeze3A_208 = vector.extract %slice3A_207[0] : i32 from vector<1xi32>
        %multiple_of3A_209 = tpu.assume_multiple %squeeze3A_208, 8 : i32
        %slice3A_210 = vector.extract_strided_slice %and3A_140 {offsets = [5], sizes = [1], strides = [1]} : vector<16xi32> to vector<1xi32>
        %squeeze3A_211 = vector.extract %slice3A_210[0] : i32 from vector<1xi32>
        %multiple_of3A_212 = tpu.assume_multiple %squeeze3A_211, 128 : i32
        %dma_start3A_213 = arith.constant 40 : i32
        %dma_start3A_214 = arith.constant 0 : i32
        %dma_start3A_215 = tpu.memref_slice %arg9[%dma_start3A_213, %dma_start3A_214] : memref<128x128xf32, #tpu.memory_space<vmem>> -> memref<8x128xf32, #tpu.memory_space<vmem>>
        %dma_start3A_216 = tpu.memref_slice %arg4[%multiple_of3A_209, %multiple_of3A_212] : memref<64x1000000xf32, #tpu.memory_space<hbm>> -> memref<8x128xf32, #tpu.memory_space<hbm>>
        %dma_start3A_217 = arith.constant 40 : i32
        %dma_start3A_218 = arith.constant 0 : i32
        %dma_start3A_219 = tpu.memref_slice %arg9[%dma_start3A_217, %dma_start3A_218] : memref<128x128xf32, #tpu.memory_space<vmem>> -> memref<8x128xf32, #tpu.memory_space<vmem>>
        %dma_start3A_220 = tpu.memref_slice %arg4[%multiple_of3A_209, %multiple_of3A_212] : memref<64x1000000xf32, #tpu.memory_space<hbm>> -> memref<8x128xf32, #tpu.memory_space<hbm>>
        tpu.enqueue_dma source(%dma_start3A_220 : memref<8x128xf32, #tpu.memory_space<hbm>>) target(%dma_start3A_219 : memref<8x128xf32, #tpu.memory_space<vmem>>) target_semaphore(%arg17 : memref<!tpu.dma_semaphore, #tpu.memory_space<semaphore_mem>>)
        %slice3A_221 = vector.extract_strided_slice %and3A_137 {offsets = [6], sizes = [1], strides = [1]} : vector<16xi32> to vector<1xi32>
        %squeeze3A_222 = vector.extract %slice3A_221[0] : i32 from vector<1xi32>
        %multiple_of3A_223 = tpu.assume_multiple %squeeze3A_222, 8 : i32
        %slice3A_224 = vector.extract_strided_slice %and3A_140 {offsets = [6], sizes = [1], strides = [1]} : vector<16xi32> to vector<1xi32>
        %squeeze3A_225 = vector.extract %slice3A_224[0] : i32 from vector<1xi32>
        %multiple_of3A_226 = tpu.assume_multiple %squeeze3A_225, 128 : i32
        %dma_start3A_227 = arith.constant 48 : i32
        %dma_start3A_228 = arith.constant 0 : i32
        %dma_start3A_229 = tpu.memref_slice %arg9[%dma_start3A_227, %dma_start3A_228] : memref<128x128xf32, #tpu.memory_space<vmem>> -> memref<8x128xf32, #tpu.memory_space<vmem>>
        %dma_start3A_230 = tpu.memref_slice %arg4[%multiple_of3A_223, %multiple_of3A_226] : memref<64x1000000xf32, #tpu.memory_space<hbm>> -> memref<8x128xf32, #tpu.memory_space<hbm>>
        %dma_start3A_231 = arith.constant 48 : i32
        %dma_start3A_232 = arith.constant 0 : i32
        %dma_start3A_233 = tpu.memref_slice %arg9[%dma_start3A_231, %dma_start3A_232] : memref<128x128xf32, #tpu.memory_space<vmem>> -> memref<8x128xf32, #tpu.memory_space<vmem>>
        %dma_start3A_234 = tpu.memref_slice %arg4[%multiple_of3A_223, %multiple_of3A_226] : memref<64x1000000xf32, #tpu.memory_space<hbm>> -> memref<8x128xf32, #tpu.memory_space<hbm>>
        tpu.enqueue_dma source(%dma_start3A_234 : memref<8x128xf32, #tpu.memory_space<hbm>>) target(%dma_start3A_233 : memref<8x128xf32, #tpu.memory_space<vmem>>) target_semaphore(%arg17 : memref<!tpu.dma_semaphore, #tpu.memory_space<semaphore_mem>>)
        %slice3A_235 = vector.extract_strided_slice %and3A_137 {offsets = [7], sizes = [1], strides = [1]} : vector<16xi32> to vector<1xi32>
        %squeeze3A_236 = vector.extract %slice3A_235[0] : i32 from vector<1xi32>
        %multiple_of3A_237 = tpu.assume_multiple %squeeze3A_236, 8 : i32
        %slice3A_238 = vector.extract_strided_slice %and3A_140 {offsets = [7], sizes = [1], strides = [1]} : vector<16xi32> to vector<1xi32>
        %squeeze3A_239 = vector.extract %slice3A_238[0] : i32 from vector<1xi32>
        %multiple_of3A_240 = tpu.assume_multiple %squeeze3A_239, 128 : i32
        %dma_start3A_241 = arith.constant 56 : i32
        %dma_start3A_242 = arith.constant 0 : i32
        %dma_start3A_243 = tpu.memref_slice %arg9[%dma_start3A_241, %dma_start3A_242] : memref<128x128xf32, #tpu.memory_space<vmem>> -> memref<8x128xf32, #tpu.memory_space<vmem>>
        %dma_start3A_244 = tpu.memref_slice %arg4[%multiple_of3A_237, %multiple_of3A_240] : memref<64x1000000xf32, #tpu.memory_space<hbm>> -> memref<8x128xf32, #tpu.memory_space<hbm>>
        %dma_start3A_245 = arith.constant 56 : i32
        %dma_start3A_246 = arith.constant 0 : i32
        %dma_start3A_247 = tpu.memref_slice %arg9[%dma_start3A_245, %dma_start3A_246] : memref<128x128xf32, #tpu.memory_space<vmem>> -> memref<8x128xf32, #tpu.memory_space<vmem>>
        %dma_start3A_248 = tpu.memref_slice %arg4[%multiple_of3A_237, %multiple_of3A_240] : memref<64x1000000xf32, #tpu.memory_space<hbm>> -> memref<8x128xf32, #tpu.memory_space<hbm>>
        tpu.enqueue_dma source(%dma_start3A_248 : memref<8x128xf32, #tpu.memory_space<hbm>>) target(%dma_start3A_247 : memref<8x128xf32, #tpu.memory_space<vmem>>) target_semaphore(%arg17 : memref<!tpu.dma_semaphore, #tpu.memory_space<semaphore_mem>>)
        %slice3A_249 = vector.extract_strided_slice %and3A_137 {offsets = [8], sizes = [1], strides = [1]} : vector<16xi32> to vector<1xi32>
        %squeeze3A_250 = vector.extract %slice3A_249[0] : i32 from vector<1xi32>
        %multiple_of3A_251 = tpu.assume_multiple %squeeze3A_250, 8 : i32
        %slice3A_252 = vector.extract_strided_slice %and3A_140 {offsets = [8], sizes = [1], strides = [1]} : vector<16xi32> to vector<1xi32>
        %squeeze3A_253 = vector.extract %slice3A_252[0] : i32 from vector<1xi32>
        %multiple_of3A_254 = tpu.assume_multiple %squeeze3A_253, 128 : i32
        %dma_start3A_255 = arith.constant 64 : i32
        %dma_start3A_256 = arith.constant 0 : i32
        %dma_start3A_257 = tpu.memref_slice %arg9[%dma_start3A_255, %dma_start3A_256] : memref<128x128xf32, #tpu.memory_space<vmem>> -> memref<8x128xf32, #tpu.memory_space<vmem>>
        %dma_start3A_258 = tpu.memref_slice %arg4[%multiple_of3A_251, %multiple_of3A_254] : memref<64x1000000xf32, #tpu.memory_space<hbm>> -> memref<8x128xf32, #tpu.memory_space<hbm>>
        %dma_start3A_259 = arith.constant 64 : i32
        %dma_start3A_260 = arith.constant 0 : i32
        %dma_start3A_261 = tpu.memref_slice %arg9[%dma_start3A_259, %dma_start3A_260] : memref<128x128xf32, #tpu.memory_space<vmem>> -> memref<8x128xf32, #tpu.memory_space<vmem>>
        %dma_start3A_262 = tpu.memref_slice %arg4[%multiple_of3A_251, %multiple_of3A_254] : memref<64x1000000xf32, #tpu.memory_space<hbm>> -> memref<8x128xf32, #tpu.memory_space<hbm>>
        tpu.enqueue_dma source(%dma_start3A_262 : memref<8x128xf32, #tpu.memory_space<hbm>>) target(%dma_start3A_261 : memref<8x128xf32, #tpu.memory_space<vmem>>) target_semaphore(%arg17 : memref<!tpu.dma_semaphore, #tpu.memory_space<semaphore_mem>>)
        %slice3A_263 = vector.extract_strided_slice %and3A_137 {offsets = [9], sizes = [1], strides = [1]} : vector<16xi32> to vector<1xi32>
        %squeeze3A_264 = vector.extract %slice3A_263[0] : i32 from vector<1xi32>
        %multiple_of3A_265 = tpu.assume_multiple %squeeze3A_264, 8 : i32
        %slice3A_266 = vector.extract_strided_slice %and3A_140 {offsets = [9], sizes = [1], strides = [1]} : vector<16xi32> to vector<1xi32>
        %squeeze3A_267 = vector.extract %slice3A_266[0] : i32 from vector<1xi32>
        %multiple_of3A_268 = tpu.assume_multiple %squeeze3A_267, 128 : i32
        %dma_start3A_269 = arith.constant 72 : i32
        %dma_start3A_270 = arith.constant 0 : i32
        %dma_start3A_271 = tpu.memref_slice %arg9[%dma_start3A_269, %dma_start3A_270] : memref<128x128xf32, #tpu.memory_space<vmem>> -> memref<8x128xf32, #tpu.memory_space<vmem>>
        %dma_start3A_272 = tpu.memref_slice %arg4[%multiple_of3A_265, %multiple_of3A_268] : memref<64x1000000xf32, #tpu.memory_space<hbm>> -> memref<8x128xf32, #tpu.memory_space<hbm>>
        %dma_start3A_273 = arith.constant 72 : i32
        %dma_start3A_274 = arith.constant 0 : i32
        %dma_start3A_275 = tpu.memref_slice %arg9[%dma_start3A_273, %dma_start3A_274] : memref<128x128xf32, #tpu.memory_space<vmem>> -> memref<8x128xf32, #tpu.memory_space<vmem>>
        %dma_start3A_276 = tpu.memref_slice %arg4[%multiple_of3A_265, %multiple_of3A_268] : memref<64x1000000xf32, #tpu.memory_space<hbm>> -> memref<8x128xf32, #tpu.memory_space<hbm>>
        tpu.enqueue_dma source(%dma_start3A_276 : memref<8x128xf32, #tpu.memory_space<hbm>>) target(%dma_start3A_275 : memref<8x128xf32, #tpu.memory_space<vmem>>) target_semaphore(%arg17 : memref<!tpu.dma_semaphore, #tpu.memory_space<semaphore_mem>>)
        %slice3A_277 = vector.extract_strided_slice %and3A_137 {offsets = [10], sizes = [1], strides = [1]} : vector<16xi32> to vector<1xi32>
        %squeeze3A_278 = vector.extract %slice3A_277[0] : i32 from vector<1xi32>
        %multiple_of3A_279 = tpu.assume_multiple %squeeze3A_278, 8 : i32
        %slice3A_280 = vector.extract_strided_slice %and3A_140 {offsets = [10], sizes = [1], strides = [1]} : vector<16xi32> to vector<1xi32>
        %squeeze3A_281 = vector.extract %slice3A_280[0] : i32 from vector<1xi32>
        %multiple_of3A_282 = tpu.assume_multiple %squeeze3A_281, 128 : i32
        %dma_start3A_283 = arith.constant 80 : i32
        %dma_start3A_284 = arith.constant 0 : i32
        %dma_start3A_285 = tpu.memref_slice %arg9[%dma_start3A_283, %dma_start3A_284] : memref<128x128xf32, #tpu.memory_space<vmem>> -> memref<8x128xf32, #tpu.memory_space<vmem>>
        %dma_start3A_286 = tpu.memref_slice %arg4[%multiple_of3A_279, %multiple_of3A_282] : memref<64x1000000xf32, #tpu.memory_space<hbm>> -> memref<8x128xf32, #tpu.memory_space<hbm>>
        %dma_start3A_287 = arith.constant 80 : i32
        %dma_start3A_288 = arith.constant 0 : i32
        %dma_start3A_289 = tpu.memref_slice %arg9[%dma_start3A_287, %dma_start3A_288] : memref<128x128xf32, #tpu.memory_space<vmem>> -> memref<8x128xf32, #tpu.memory_space<vmem>>
        %dma_start3A_290 = tpu.memref_slice %arg4[%multiple_of3A_279, %multiple_of3A_282] : memref<64x1000000xf32, #tpu.memory_space<hbm>> -> memref<8x128xf32, #tpu.memory_space<hbm>>
        tpu.enqueue_dma source(%dma_start3A_290 : memref<8x128xf32, #tpu.memory_space<hbm>>) target(%dma_start3A_289 : memref<8x128xf32, #tpu.memory_space<vmem>>) target_semaphore(%arg17 : memref<!tpu.dma_semaphore, #tpu.memory_space<semaphore_mem>>)
        %slice3A_291 = vector.extract_strided_slice %and3A_137 {offsets = [11], sizes = [1], strides = [1]} : vector<16xi32> to vector<1xi32>
        %squeeze3A_292 = vector.extract %slice3A_291[0] : i32 from vector<1xi32>
        %multiple_of3A_293 = tpu.assume_multiple %squeeze3A_292, 8 : i32
        %slice3A_294 = vector.extract_strided_slice %and3A_140 {offsets = [11], sizes = [1], strides = [1]} : vector<16xi32> to vector<1xi32>
        %squeeze3A_295 = vector.extract %slice3A_294[0] : i32 from vector<1xi32>
        %multiple_of3A_296 = tpu.assume_multiple %squeeze3A_295, 128 : i32
        %dma_start3A_297 = arith.constant 88 : i32
        %dma_start3A_298 = arith.constant 0 : i32
        %dma_start3A_299 = tpu.memref_slice %arg9[%dma_start3A_297, %dma_start3A_298] : memref<128x128xf32, #tpu.memory_space<vmem>> -> memref<8x128xf32, #tpu.memory_space<vmem>>
        %dma_start3A_300 = tpu.memref_slice %arg4[%multiple_of3A_293, %multiple_of3A_296] : memref<64x1000000xf32, #tpu.memory_space<hbm>> -> memref<8x128xf32, #tpu.memory_space<hbm>>
        %dma_start3A_301 = arith.constant 88 : i32
        %dma_start3A_302 = arith.constant 0 : i32
        %dma_start3A_303 = tpu.memref_slice %arg9[%dma_start3A_301, %dma_start3A_302] : memref<128x128xf32, #tpu.memory_space<vmem>> -> memref<8x128xf32, #tpu.memory_space<vmem>>
        %dma_start3A_304 = tpu.memref_slice %arg4[%multiple_of3A_293, %multiple_of3A_296] : memref<64x1000000xf32, #tpu.memory_space<hbm>> -> memref<8x128xf32, #tpu.memory_space<hbm>>
        tpu.enqueue_dma source(%dma_start3A_304 : memref<8x128xf32, #tpu.memory_space<hbm>>) target(%dma_start3A_303 : memref<8x128xf32, #tpu.memory_space<vmem>>) target_semaphore(%arg17 : memref<!tpu.dma_semaphore, #tpu.memory_space<semaphore_mem>>)
        %slice3A_305 = vector.extract_strided_slice %and3A_137 {offsets = [12], sizes = [1], strides = [1]} : vector<16xi32> to vector<1xi32>
        %squeeze3A_306 = vector.extract %slice3A_305[0] : i32 from vector<1xi32>
        %multiple_of3A_307 = tpu.assume_multiple %squeeze3A_306, 8 : i32
        %slice3A_308 = vector.extract_strided_slice %and3A_140 {offsets = [12], sizes = [1], strides = [1]} : vector<16xi32> to vector<1xi32>
        %squeeze3A_309 = vector.extract %slice3A_308[0] : i32 from vector<1xi32>
        %multiple_of3A_310 = tpu.assume_multiple %squeeze3A_309, 128 : i32
        %dma_start3A_311 = arith.constant 96 : i32
        %dma_start3A_312 = arith.constant 0 : i32
        %dma_start3A_313 = tpu.memref_slice %arg9[%dma_start3A_311, %dma_start3A_312] : memref<128x128xf32, #tpu.memory_space<vmem>> -> memref<8x128xf32, #tpu.memory_space<vmem>>
        %dma_start3A_314 = tpu.memref_slice %arg4[%multiple_of3A_307, %multiple_of3A_310] : memref<64x1000000xf32, #tpu.memory_space<hbm>> -> memref<8x128xf32, #tpu.memory_space<hbm>>
        %dma_start3A_315 = arith.constant 96 : i32
        %dma_start3A_316 = arith.constant 0 : i32
        %dma_start3A_317 = tpu.memref_slice %arg9[%dma_start3A_315, %dma_start3A_316] : memref<128x128xf32, #tpu.memory_space<vmem>> -> memref<8x128xf32, #tpu.memory_space<vmem>>
        %dma_start3A_318 = tpu.memref_slice %arg4[%multiple_of3A_307, %multiple_of3A_310] : memref<64x1000000xf32, #tpu.memory_space<hbm>> -> memref<8x128xf32, #tpu.memory_space<hbm>>
        tpu.enqueue_dma source(%dma_start3A_318 : memref<8x128xf32, #tpu.memory_space<hbm>>) target(%dma_start3A_317 : memref<8x128xf32, #tpu.memory_space<vmem>>) target_semaphore(%arg17 : memref<!tpu.dma_semaphore, #tpu.memory_space<semaphore_mem>>)
        %slice3A_319 = vector.extract_strided_slice %and3A_137 {offsets = [13], sizes = [1], strides = [1]} : vector<16xi32> to vector<1xi32>
        %squeeze3A_320 = vector.extract %slice3A_319[0] : i32 from vector<1xi32>
        %multiple_of3A_321 = tpu.assume_multiple %squeeze3A_320, 8 : i32
        %slice3A_322 = vector.extract_strided_slice %and3A_140 {offsets = [13], sizes = [1], strides = [1]} : vector<16xi32> to vector<1xi32>
        %squeeze3A_323 = vector.extract %slice3A_322[0] : i32 from vector<1xi32>
        %multiple_of3A_324 = tpu.assume_multiple %squeeze3A_323, 128 : i32
        %dma_start3A_325 = arith.constant 104 : i32
        %dma_start3A_326 = arith.constant 0 : i32
        %dma_start3A_327 = tpu.memref_slice %arg9[%dma_start3A_325, %dma_start3A_326] : memref<128x128xf32, #tpu.memory_space<vmem>> -> memref<8x128xf32, #tpu.memory_space<vmem>>
        %dma_start3A_328 = tpu.memref_slice %arg4[%multiple_of3A_321, %multiple_of3A_324] : memref<64x1000000xf32, #tpu.memory_space<hbm>> -> memref<8x128xf32, #tpu.memory_space<hbm>>
        %dma_start3A_329 = arith.constant 104 : i32
        %dma_start3A_330 = arith.constant 0 : i32
        %dma_start3A_331 = tpu.memref_slice %arg9[%dma_start3A_329, %dma_start3A_330] : memref<128x128xf32, #tpu.memory_space<vmem>> -> memref<8x128xf32, #tpu.memory_space<vmem>>
        %dma_start3A_332 = tpu.memref_slice %arg4[%multiple_of3A_321, %multiple_of3A_324] : memref<64x1000000xf32, #tpu.memory_space<hbm>> -> memref<8x128xf32, #tpu.memory_space<hbm>>
        tpu.enqueue_dma source(%dma_start3A_332 : memref<8x128xf32, #tpu.memory_space<hbm>>) target(%dma_start3A_331 : memref<8x128xf32, #tpu.memory_space<vmem>>) target_semaphore(%arg17 : memref<!tpu.dma_semaphore, #tpu.memory_space<semaphore_mem>>)
        %slice3A_333 = vector.extract_strided_slice %and3A_137 {offsets = [14], sizes = [1], strides = [1]} : vector<16xi32> to vector<1xi32>
        %squeeze3A_334 = vector.extract %slice3A_333[0] : i32 from vector<1xi32>
        %multiple_of3A_335 = tpu.assume_multiple %squeeze3A_334, 8 : i32
        %slice3A_336 = vector.extract_strided_slice %and3A_140 {offsets = [14], sizes = [1], strides = [1]} : vector<16xi32> to vector<1xi32>
        %squeeze3A_337 = vector.extract %slice3A_336[0] : i32 from vector<1xi32>
        %multiple_of3A_338 = tpu.assume_multiple %squeeze3A_337, 128 : i32
        %dma_start3A_339 = arith.constant 112 : i32
        %dma_start3A_340 = arith.constant 0 : i32
        %dma_start3A_341 = tpu.memref_slice %arg9[%dma_start3A_339, %dma_start3A_340] : memref<128x128xf32, #tpu.memory_space<vmem>> -> memref<8x128xf32, #tpu.memory_space<vmem>>
        %dma_start3A_342 = tpu.memref_slice %arg4[%multiple_of3A_335, %multiple_of3A_338] : memref<64x1000000xf32, #tpu.memory_space<hbm>> -> memref<8x128xf32, #tpu.memory_space<hbm>>
        %dma_start3A_343 = arith.constant 112 : i32
        %dma_start3A_344 = arith.constant 0 : i32
        %dma_start3A_345 = tpu.memref_slice %arg9[%dma_start3A_343, %dma_start3A_344] : memref<128x128xf32, #tpu.memory_space<vmem>> -> memref<8x128xf32, #tpu.memory_space<vmem>>
        %dma_start3A_346 = tpu.memref_slice %arg4[%multiple_of3A_335, %multiple_of3A_338] : memref<64x1000000xf32, #tpu.memory_space<hbm>> -> memref<8x128xf32, #tpu.memory_space<hbm>>
        tpu.enqueue_dma source(%dma_start3A_346 : memref<8x128xf32, #tpu.memory_space<hbm>>) target(%dma_start3A_345 : memref<8x128xf32, #tpu.memory_space<vmem>>) target_semaphore(%arg17 : memref<!tpu.dma_semaphore, #tpu.memory_space<semaphore_mem>>)
        %slice3A_347 = vector.extract_strided_slice %and3A_137 {offsets = [15], sizes = [1], strides = [1]} : vector<16xi32> to vector<1xi32>
        %squeeze3A_348 = vector.extract %slice3A_347[0] : i32 from vector<1xi32>
        %multiple_of3A_349 = tpu.assume_multiple %squeeze3A_348, 8 : i32
        %slice3A_350 = vector.extract_strided_slice %and3A_140 {offsets = [15], sizes = [1], strides = [1]} : vector<16xi32> to vector<1xi32>
        %squeeze3A_351 = vector.extract %slice3A_350[0] : i32 from vector<1xi32>
        %multiple_of3A_352 = tpu.assume_multiple %squeeze3A_351, 128 : i32
        %dma_start3A_353 = arith.constant 120 : i32
        %dma_start3A_354 = arith.constant 0 : i32
        %dma_start3A_355 = tpu.memref_slice %arg9[%dma_start3A_353, %dma_start3A_354] : memref<128x128xf32, #tpu.memory_space<vmem>> -> memref<8x128xf32, #tpu.memory_space<vmem>>
        %dma_start3A_356 = tpu.memref_slice %arg4[%multiple_of3A_349, %multiple_of3A_352] : memref<64x1000000xf32, #tpu.memory_space<hbm>> -> memref<8x128xf32, #tpu.memory_space<hbm>>
        %dma_start3A_357 = arith.constant 120 : i32
        %dma_start3A_358 = arith.constant 0 : i32
        %dma_start3A_359 = tpu.memref_slice %arg9[%dma_start3A_357, %dma_start3A_358] : memref<128x128xf32, #tpu.memory_space<vmem>> -> memref<8x128xf32, #tpu.memory_space<vmem>>
        %dma_start3A_360 = tpu.memref_slice %arg4[%multiple_of3A_349, %multiple_of3A_352] : memref<64x1000000xf32, #tpu.memory_space<hbm>> -> memref<8x128xf32, #tpu.memory_space<hbm>>
        tpu.enqueue_dma source(%dma_start3A_360 : memref<8x128xf32, #tpu.memory_space<hbm>>) target(%dma_start3A_359 : memref<8x128xf32, #tpu.memory_space<vmem>>) target_semaphore(%arg17 : memref<!tpu.dma_semaphore, #tpu.memory_space<semaphore_mem>>)
      } else {
      }
      %add3A_41 = arith.constant 2 : i32
      %add3A_42 = arith.addi %add3A_11, %add3A_41 : i32
      %ge3A_43 = arith.constant 0 : i32
      %ge3A_44 = arith.cmpi sge, %add3A_42, %ge3A_43 : i32
      %lt3A_45 = arith.constant 32 : i32
      %lt3A_46 = arith.cmpi slt, %add3A_42, %lt3A_45 : i32
      %and3A_47 = arith.andi %ge3A_44, %lt3A_46 : i1
      %convert_element_type3A_48 = arith.extui %and3A_47 : i1 to i32
      %cond3A_49 = arith.constant 0 : i32
      %cond3A_50 = arith.cmpi ne, %convert_element_type3A_48, %cond3A_49 : i32
      scf.if %cond3A_50 {
        %dma_wait3A = arith.constant 0 : i32
        %dma_wait3A_126 = arith.constant 0 : i32
        %dma_wait3A_127 = tpu.memref_slice %arg10[%dma_wait3A, %dma_wait3A_126] : memref<128x128xf32, #tpu.memory_space<vmem>> -> memref<64x128xf32, #tpu.memory_space<vmem>>
        %dma_wait3A_128 = arith.constant 0 : i32
        %dma_wait3A_129 = arith.constant 0 : i32
        %dma_wait3A_130 = tpu.memref_slice %arg4[%dma_wait3A_128, %dma_wait3A_129] : memref<64x1000000xf32, #tpu.memory_space<hbm>> -> memref<64x128xf32, #tpu.memory_space<hbm>>
        %dma_wait3A_131 = arith.constant 0 : i32
        %dma_wait3A_132 = arith.constant 0 : i32
        %dma_wait3A_133 = tpu.memref_slice %arg10[%dma_wait3A_131, %dma_wait3A_132] : memref<128x128xf32, #tpu.memory_space<vmem>> -> memref<64x128xf32, #tpu.memory_space<vmem>>
        %dma_wait3A_134 = arith.constant 0 : i32
        %dma_wait3A_135 = arith.constant 0 : i32
        %dma_wait3A_136 = tpu.memref_slice %arg4[%dma_wait3A_134, %dma_wait3A_135] : memref<64x1000000xf32, #tpu.memory_space<hbm>> -> memref<64x128xf32, #tpu.memory_space<hbm>>
        tpu.wait_dma2 semaphore(%arg18 : memref<!tpu.dma_semaphore, #tpu.memory_space<semaphore_mem>>) src(%dma_wait3A_136 : memref<64x128xf32, #tpu.memory_space<hbm>>) dst(%dma_wait3A_133 : memref<64x128xf32, #tpu.memory_space<vmem>>)
        %dma_wait3A_137 = arith.constant 64 : i32
        %dma_wait3A_138 = arith.constant 0 : i32
        %dma_wait3A_139 = tpu.memref_slice %arg10[%dma_wait3A_137, %dma_wait3A_138] : memref<128x128xf32, #tpu.memory_space<vmem>> -> memref<64x128xf32, #tpu.memory_space<vmem>>
        %dma_wait3A_140 = arith.constant 0 : i32
        %dma_wait3A_141 = arith.constant 0 : i32
        %dma_wait3A_142 = tpu.memref_slice %arg4[%dma_wait3A_140, %dma_wait3A_141] : memref<64x1000000xf32, #tpu.memory_space<hbm>> -> memref<64x128xf32, #tpu.memory_space<hbm>>
        %dma_wait3A_143 = arith.constant 64 : i32
        %dma_wait3A_144 = arith.constant 0 : i32
        %dma_wait3A_145 = tpu.memref_slice %arg10[%dma_wait3A_143, %dma_wait3A_144] : memref<128x128xf32, #tpu.memory_space<vmem>> -> memref<64x128xf32, #tpu.memory_space<vmem>>
        %dma_wait3A_146 = arith.constant 0 : i32
        %dma_wait3A_147 = arith.constant 0 : i32
        %dma_wait3A_148 = tpu.memref_slice %arg4[%dma_wait3A_146, %dma_wait3A_147] : memref<64x1000000xf32, #tpu.memory_space<hbm>> -> memref<64x128xf32, #tpu.memory_space<hbm>>
        tpu.wait_dma2 semaphore(%arg18 : memref<!tpu.dma_semaphore, #tpu.memory_space<semaphore_mem>>) src(%dma_wait3A_148 : memref<64x128xf32, #tpu.memory_space<hbm>>) dst(%dma_wait3A_145 : memref<64x128xf32, #tpu.memory_space<vmem>>)
        %mul3A_149 = arith.constant 16 : i32
        %mul3A_150 = arith.muli %add3A_42, %mul3A_149 : i32
        %get3A = arith.index_cast %mul3A_150 : i32 to index
        %get3A_151 = tpu.vector_load %arg6[%get3A] {strides = array<i32>} : memref<512xi32, #tpu.memory_space<vmem>>, vector<16xi32>,
        %get3A_152 = arith.index_cast %mul3A_150 : i32 to index
        %get3A_153 = tpu.vector_load %arg7[%get3A_152] {strides = array<i32>} : memref<512xi32, #tpu.memory_space<vmem>>, vector<16xi32>,
        %mul3A_154 = arith.constant 8 : i32
        %mul3A_155 = vector.broadcast %mul3A_154 : i32 to vector<16xi32>
        %mul3A_156 = arith.muli %iota3A, %mul3A_155 : vector<16xi32>
        %and3A_157 = arith.constant 7 : i32
        %and3A_158 = vector.broadcast %and3A_157 : i32 to vector<16xi32>
        %and3A_159 = arith.andi %get3A_153, %and3A_158 : vector<16xi32>
        %add3A_160 = arith.addi %mul3A_156, %and3A_159 : vector<16xi32>
        %and3A_161 = arith.constant 127 : i32
        %and3A_162 = vector.broadcast %and3A_161 : i32 to vector<16xi32>
        %and3A_163 = arith.andi %get3A_151, %and3A_162 : vector<16xi32>
        %gather3A = tpu.vector_load_idx %arg10[%add3A_160, %and3A_163] : memref<128x128xf32, #tpu.memory_space<vmem>>[vector<16xi32>, vector<16xi32>], vector<16xf32>,
        %neg3A = arith.constant 0.000000e+00 : f32
        %neg3A_164 = vector.broadcast %neg3A : f32 to vector<16xf32>
        %neg3A_165 = arith.subf %neg3A_164, %gather3A : vector<16xf32>
        %exp3A = math.exp %neg3A_165 : vector<16xf32>
        %add3A_166 = arith.constant 1.000000e+00 : f32
        %add3A_167 = vector.broadcast %add3A_166 : f32 to vector<16xf32>
        %add3A_168 = arith.addf %add3A_167, %exp3A : vector<16xf32>
        %div3A = arith.constant 1.000000e+00 : f32
        %div3A_169 = vector.broadcast %div3A : f32 to vector<16xf32>
        %div3A_170 = arith.divf %div3A_169, %add3A_168 : vector<16xf32>
        %swap3A = arith.index_cast %mul3A_150 : i32 to index
        %swap3A_171 = tpu.vector_load %arg15[%swap3A] {strides = array<i32>} : memref<512xf32, #tpu.memory_space<vmem>>, vector<16xf32>,
        tpu.vector_store %arg15[%swap3A], %div3A_170 {strides = array<i32>} : memref<512xf32, #tpu.memory_space<vmem>>, vector<16xf32>,
      } else {
      }
      %add3A_51 = arith.constant 7 : i32
      %add3A_52 = arith.addi %add3A_42, %add3A_51 : i32
      %lt3A_53 = arith.constant 32 : i32
      %lt3A_54 = arith.cmpi slt, %add3A_52, %lt3A_53 : i32
      %convert_element_type3A_55 = arith.extui %lt3A_54 : i1 to i32
      %cond3A_56 = arith.constant 0 : i32
      %cond3A_57 = arith.cmpi ne, %convert_element_type3A_55, %cond3A_56 : i32
      scf.if %cond3A_57 {
        %add3A_126 = arith.constant 7 : i32
        %add3A_127 = arith.addi %add3A_42, %add3A_126 : i32
        %mul3A_128 = arith.constant 16 : i32
        %mul3A_129 = arith.muli %add3A_127, %mul3A_128 : i32
        %get3A = arith.index_cast %mul3A_129 : i32 to index
        %get3A_130 = tpu.vector_load %arg6[%get3A] {strides = array<i32>} : memref<512xi32, #tpu.memory_space<vmem>>, vector<16xi32>,
        %mul3A_131 = arith.constant 16 : i32
        %mul3A_132 = arith.muli %add3A_127, %mul3A_131 : i32
        %get3A_133 = arith.index_cast %mul3A_132 : i32 to index
        %get3A_134 = tpu.vector_load %arg7[%get3A_133] {strides = array<i32>} : memref<512xi32, #tpu.memory_space<vmem>>, vector<16xi32>,
        %and3A_135 = arith.constant -8 : i32
        %and3A_136 = vector.broadcast %and3A_135 : i32 to vector<16xi32>
        %and3A_137 = arith.andi %get3A_134, %and3A_136 : vector<16xi32>
        %and3A_138 = arith.constant -128 : i32
        %and3A_139 = vector.broadcast %and3A_138 : i32 to vector<16xi32>
        %and3A_140 = arith.andi %get3A_130, %and3A_139 : vector<16xi32>
        %slice3A = vector.extract_strided_slice %and3A_137 {offsets = [0], sizes = [1], strides = [1]} : vector<16xi32> to vector<1xi32>
        %squeeze3A = vector.extract %slice3A[0] : i32 from vector<1xi32>
        %multiple_of3A = tpu.assume_multiple %squeeze3A, 8 : i32
        %slice3A_141 = vector.extract_strided_slice %and3A_140 {offsets = [0], sizes = [1], strides = [1]} : vector<16xi32> to vector<1xi32>
        %squeeze3A_142 = vector.extract %slice3A_141[0] : i32 from vector<1xi32>
        %multiple_of3A_143 = tpu.assume_multiple %squeeze3A_142, 128 : i32
        %dma_start3A = arith.constant 0 : i32
        %dma_start3A_144 = arith.constant 0 : i32
        %dma_start3A_145 = tpu.memref_slice %arg10[%dma_start3A, %dma_start3A_144] : memref<128x128xf32, #tpu.memory_space<vmem>> -> memref<8x128xf32, #tpu.memory_space<vmem>>
        %dma_start3A_146 = tpu.memref_slice %arg4[%multiple_of3A, %multiple_of3A_143] : memref<64x1000000xf32, #tpu.memory_space<hbm>> -> memref<8x128xf32, #tpu.memory_space<hbm>>
        %dma_start3A_147 = arith.constant 0 : i32
        %dma_start3A_148 = arith.constant 0 : i32
        %dma_start3A_149 = tpu.memref_slice %arg10[%dma_start3A_147, %dma_start3A_148] : memref<128x128xf32, #tpu.memory_space<vmem>> -> memref<8x128xf32, #tpu.memory_space<vmem>>
        %dma_start3A_150 = tpu.memref_slice %arg4[%multiple_of3A, %multiple_of3A_143] : memref<64x1000000xf32, #tpu.memory_space<hbm>> -> memref<8x128xf32, #tpu.memory_space<hbm>>
        tpu.enqueue_dma source(%dma_start3A_150 : memref<8x128xf32, #tpu.memory_space<hbm>>) target(%dma_start3A_149 : memref<8x128xf32, #tpu.memory_space<vmem>>) target_semaphore(%arg18 : memref<!tpu.dma_semaphore, #tpu.memory_space<semaphore_mem>>)
        %slice3A_151 = vector.extract_strided_slice %and3A_137 {offsets = [1], sizes = [1], strides = [1]} : vector<16xi32> to vector<1xi32>
        %squeeze3A_152 = vector.extract %slice3A_151[0] : i32 from vector<1xi32>
        %multiple_of3A_153 = tpu.assume_multiple %squeeze3A_152, 8 : i32
        %slice3A_154 = vector.extract_strided_slice %and3A_140 {offsets = [1], sizes = [1], strides = [1]} : vector<16xi32> to vector<1xi32>
        %squeeze3A_155 = vector.extract %slice3A_154[0] : i32 from vector<1xi32>
        %multiple_of3A_156 = tpu.assume_multiple %squeeze3A_155, 128 : i32
        %dma_start3A_157 = arith.constant 8 : i32
        %dma_start3A_158 = arith.constant 0 : i32
        %dma_start3A_159 = tpu.memref_slice %arg10[%dma_start3A_157, %dma_start3A_158] : memref<128x128xf32, #tpu.memory_space<vmem>> -> memref<8x128xf32, #tpu.memory_space<vmem>>
        %dma_start3A_160 = tpu.memref_slice %arg4[%multiple_of3A_153, %multiple_of3A_156] : memref<64x1000000xf32, #tpu.memory_space<hbm>> -> memref<8x128xf32, #tpu.memory_space<hbm>>
        %dma_start3A_161 = arith.constant 8 : i32
        %dma_start3A_162 = arith.constant 0 : i32
        %dma_start3A_163 = tpu.memref_slice %arg10[%dma_start3A_161, %dma_start3A_162] : memref<128x128xf32, #tpu.memory_space<vmem>> -> memref<8x128xf32, #tpu.memory_space<vmem>>
        %dma_start3A_164 = tpu.memref_slice %arg4[%multiple_of3A_153, %multiple_of3A_156] : memref<64x1000000xf32, #tpu.memory_space<hbm>> -> memref<8x128xf32, #tpu.memory_space<hbm>>
        tpu.enqueue_dma source(%dma_start3A_164 : memref<8x128xf32, #tpu.memory_space<hbm>>) target(%dma_start3A_163 : memref<8x128xf32, #tpu.memory_space<vmem>>) target_semaphore(%arg18 : memref<!tpu.dma_semaphore, #tpu.memory_space<semaphore_mem>>)
        %slice3A_165 = vector.extract_strided_slice %and3A_137 {offsets = [2], sizes = [1], strides = [1]} : vector<16xi32> to vector<1xi32>
        %squeeze3A_166 = vector.extract %slice3A_165[0] : i32 from vector<1xi32>
        %multiple_of3A_167 = tpu.assume_multiple %squeeze3A_166, 8 : i32
        %slice3A_168 = vector.extract_strided_slice %and3A_140 {offsets = [2], sizes = [1], strides = [1]} : vector<16xi32> to vector<1xi32>
        %squeeze3A_169 = vector.extract %slice3A_168[0] : i32 from vector<1xi32>
        %multiple_of3A_170 = tpu.assume_multiple %squeeze3A_169, 128 : i32
        %dma_start3A_171 = arith.constant 16 : i32
        %dma_start3A_172 = arith.constant 0 : i32
        %dma_start3A_173 = tpu.memref_slice %arg10[%dma_start3A_171, %dma_start3A_172] : memref<128x128xf32, #tpu.memory_space<vmem>> -> memref<8x128xf32, #tpu.memory_space<vmem>>
        %dma_start3A_174 = tpu.memref_slice %arg4[%multiple_of3A_167, %multiple_of3A_170] : memref<64x1000000xf32, #tpu.memory_space<hbm>> -> memref<8x128xf32, #tpu.memory_space<hbm>>
        %dma_start3A_175 = arith.constant 16 : i32
        %dma_start3A_176 = arith.constant 0 : i32
        %dma_start3A_177 = tpu.memref_slice %arg10[%dma_start3A_175, %dma_start3A_176] : memref<128x128xf32, #tpu.memory_space<vmem>> -> memref<8x128xf32, #tpu.memory_space<vmem>>
        %dma_start3A_178 = tpu.memref_slice %arg4[%multiple_of3A_167, %multiple_of3A_170] : memref<64x1000000xf32, #tpu.memory_space<hbm>> -> memref<8x128xf32, #tpu.memory_space<hbm>>
        tpu.enqueue_dma source(%dma_start3A_178 : memref<8x128xf32, #tpu.memory_space<hbm>>) target(%dma_start3A_177 : memref<8x128xf32, #tpu.memory_space<vmem>>) target_semaphore(%arg18 : memref<!tpu.dma_semaphore, #tpu.memory_space<semaphore_mem>>)
        %slice3A_179 = vector.extract_strided_slice %and3A_137 {offsets = [3], sizes = [1], strides = [1]} : vector<16xi32> to vector<1xi32>
        %squeeze3A_180 = vector.extract %slice3A_179[0] : i32 from vector<1xi32>
        %multiple_of3A_181 = tpu.assume_multiple %squeeze3A_180, 8 : i32
        %slice3A_182 = vector.extract_strided_slice %and3A_140 {offsets = [3], sizes = [1], strides = [1]} : vector<16xi32> to vector<1xi32>
        %squeeze3A_183 = vector.extract %slice3A_182[0] : i32 from vector<1xi32>
        %multiple_of3A_184 = tpu.assume_multiple %squeeze3A_183, 128 : i32
        %dma_start3A_185 = arith.constant 24 : i32
        %dma_start3A_186 = arith.constant 0 : i32
        %dma_start3A_187 = tpu.memref_slice %arg10[%dma_start3A_185, %dma_start3A_186] : memref<128x128xf32, #tpu.memory_space<vmem>> -> memref<8x128xf32, #tpu.memory_space<vmem>>
        %dma_start3A_188 = tpu.memref_slice %arg4[%multiple_of3A_181, %multiple_of3A_184] : memref<64x1000000xf32, #tpu.memory_space<hbm>> -> memref<8x128xf32, #tpu.memory_space<hbm>>
        %dma_start3A_189 = arith.constant 24 : i32
        %dma_start3A_190 = arith.constant 0 : i32
        %dma_start3A_191 = tpu.memref_slice %arg10[%dma_start3A_189, %dma_start3A_190] : memref<128x128xf32, #tpu.memory_space<vmem>> -> memref<8x128xf32, #tpu.memory_space<vmem>>
        %dma_start3A_192 = tpu.memref_slice %arg4[%multiple_of3A_181, %multiple_of3A_184] : memref<64x1000000xf32, #tpu.memory_space<hbm>> -> memref<8x128xf32, #tpu.memory_space<hbm>>
        tpu.enqueue_dma source(%dma_start3A_192 : memref<8x128xf32, #tpu.memory_space<hbm>>) target(%dma_start3A_191 : memref<8x128xf32, #tpu.memory_space<vmem>>) target_semaphore(%arg18 : memref<!tpu.dma_semaphore, #tpu.memory_space<semaphore_mem>>)
        %slice3A_193 = vector.extract_strided_slice %and3A_137 {offsets = [4], sizes = [1], strides = [1]} : vector<16xi32> to vector<1xi32>
        %squeeze3A_194 = vector.extract %slice3A_193[0] : i32 from vector<1xi32>
        %multiple_of3A_195 = tpu.assume_multiple %squeeze3A_194, 8 : i32
        %slice3A_196 = vector.extract_strided_slice %and3A_140 {offsets = [4], sizes = [1], strides = [1]} : vector<16xi32> to vector<1xi32>
        %squeeze3A_197 = vector.extract %slice3A_196[0] : i32 from vector<1xi32>
        %multiple_of3A_198 = tpu.assume_multiple %squeeze3A_197, 128 : i32
        %dma_start3A_199 = arith.constant 32 : i32
        %dma_start3A_200 = arith.constant 0 : i32
        %dma_start3A_201 = tpu.memref_slice %arg10[%dma_start3A_199, %dma_start3A_200] : memref<128x128xf32, #tpu.memory_space<vmem>> -> memref<8x128xf32, #tpu.memory_space<vmem>>
        %dma_start3A_202 = tpu.memref_slice %arg4[%multiple_of3A_195, %multiple_of3A_198] : memref<64x1000000xf32, #tpu.memory_space<hbm>> -> memref<8x128xf32, #tpu.memory_space<hbm>>
        %dma_start3A_203 = arith.constant 32 : i32
        %dma_start3A_204 = arith.constant 0 : i32
        %dma_start3A_205 = tpu.memref_slice %arg10[%dma_start3A_203, %dma_start3A_204] : memref<128x128xf32, #tpu.memory_space<vmem>> -> memref<8x128xf32, #tpu.memory_space<vmem>>
        %dma_start3A_206 = tpu.memref_slice %arg4[%multiple_of3A_195, %multiple_of3A_198] : memref<64x1000000xf32, #tpu.memory_space<hbm>> -> memref<8x128xf32, #tpu.memory_space<hbm>>
        tpu.enqueue_dma source(%dma_start3A_206 : memref<8x128xf32, #tpu.memory_space<hbm>>) target(%dma_start3A_205 : memref<8x128xf32, #tpu.memory_space<vmem>>) target_semaphore(%arg18 : memref<!tpu.dma_semaphore, #tpu.memory_space<semaphore_mem>>)
        %slice3A_207 = vector.extract_strided_slice %and3A_137 {offsets = [5], sizes = [1], strides = [1]} : vector<16xi32> to vector<1xi32>
        %squeeze3A_208 = vector.extract %slice3A_207[0] : i32 from vector<1xi32>
        %multiple_of3A_209 = tpu.assume_multiple %squeeze3A_208, 8 : i32
        %slice3A_210 = vector.extract_strided_slice %and3A_140 {offsets = [5], sizes = [1], strides = [1]} : vector<16xi32> to vector<1xi32>
        %squeeze3A_211 = vector.extract %slice3A_210[0] : i32 from vector<1xi32>
        %multiple_of3A_212 = tpu.assume_multiple %squeeze3A_211, 128 : i32
        %dma_start3A_213 = arith.constant 40 : i32
        %dma_start3A_214 = arith.constant 0 : i32
        %dma_start3A_215 = tpu.memref_slice %arg10[%dma_start3A_213, %dma_start3A_214] : memref<128x128xf32, #tpu.memory_space<vmem>> -> memref<8x128xf32, #tpu.memory_space<vmem>>
        %dma_start3A_216 = tpu.memref_slice %arg4[%multiple_of3A_209, %multiple_of3A_212] : memref<64x1000000xf32, #tpu.memory_space<hbm>> -> memref<8x128xf32, #tpu.memory_space<hbm>>
        %dma_start3A_217 = arith.constant 40 : i32
        %dma_start3A_218 = arith.constant 0 : i32
        %dma_start3A_219 = tpu.memref_slice %arg10[%dma_start3A_217, %dma_start3A_218] : memref<128x128xf32, #tpu.memory_space<vmem>> -> memref<8x128xf32, #tpu.memory_space<vmem>>
        %dma_start3A_220 = tpu.memref_slice %arg4[%multiple_of3A_209, %multiple_of3A_212] : memref<64x1000000xf32, #tpu.memory_space<hbm>> -> memref<8x128xf32, #tpu.memory_space<hbm>>
        tpu.enqueue_dma source(%dma_start3A_220 : memref<8x128xf32, #tpu.memory_space<hbm>>) target(%dma_start3A_219 : memref<8x128xf32, #tpu.memory_space<vmem>>) target_semaphore(%arg18 : memref<!tpu.dma_semaphore, #tpu.memory_space<semaphore_mem>>)
        %slice3A_221 = vector.extract_strided_slice %and3A_137 {offsets = [6], sizes = [1], strides = [1]} : vector<16xi32> to vector<1xi32>
        %squeeze3A_222 = vector.extract %slice3A_221[0] : i32 from vector<1xi32>
        %multiple_of3A_223 = tpu.assume_multiple %squeeze3A_222, 8 : i32
        %slice3A_224 = vector.extract_strided_slice %and3A_140 {offsets = [6], sizes = [1], strides = [1]} : vector<16xi32> to vector<1xi32>
        %squeeze3A_225 = vector.extract %slice3A_224[0] : i32 from vector<1xi32>
        %multiple_of3A_226 = tpu.assume_multiple %squeeze3A_225, 128 : i32
        %dma_start3A_227 = arith.constant 48 : i32
        %dma_start3A_228 = arith.constant 0 : i32
        %dma_start3A_229 = tpu.memref_slice %arg10[%dma_start3A_227, %dma_start3A_228] : memref<128x128xf32, #tpu.memory_space<vmem>> -> memref<8x128xf32, #tpu.memory_space<vmem>>
        %dma_start3A_230 = tpu.memref_slice %arg4[%multiple_of3A_223, %multiple_of3A_226] : memref<64x1000000xf32, #tpu.memory_space<hbm>> -> memref<8x128xf32, #tpu.memory_space<hbm>>
        %dma_start3A_231 = arith.constant 48 : i32
        %dma_start3A_232 = arith.constant 0 : i32
        %dma_start3A_233 = tpu.memref_slice %arg10[%dma_start3A_231, %dma_start3A_232] : memref<128x128xf32, #tpu.memory_space<vmem>> -> memref<8x128xf32, #tpu.memory_space<vmem>>
        %dma_start3A_234 = tpu.memref_slice %arg4[%multiple_of3A_223, %multiple_of3A_226] : memref<64x1000000xf32, #tpu.memory_space<hbm>> -> memref<8x128xf32, #tpu.memory_space<hbm>>
        tpu.enqueue_dma source(%dma_start3A_234 : memref<8x128xf32, #tpu.memory_space<hbm>>) target(%dma_start3A_233 : memref<8x128xf32, #tpu.memory_space<vmem>>) target_semaphore(%arg18 : memref<!tpu.dma_semaphore, #tpu.memory_space<semaphore_mem>>)
        %slice3A_235 = vector.extract_strided_slice %and3A_137 {offsets = [7], sizes = [1], strides = [1]} : vector<16xi32> to vector<1xi32>
        %squeeze3A_236 = vector.extract %slice3A_235[0] : i32 from vector<1xi32>
        %multiple_of3A_237 = tpu.assume_multiple %squeeze3A_236, 8 : i32
        %slice3A_238 = vector.extract_strided_slice %and3A_140 {offsets = [7], sizes = [1], strides = [1]} : vector<16xi32> to vector<1xi32>
        %squeeze3A_239 = vector.extract %slice3A_238[0] : i32 from vector<1xi32>
        %multiple_of3A_240 = tpu.assume_multiple %squeeze3A_239, 128 : i32
        %dma_start3A_241 = arith.constant 56 : i32
        %dma_start3A_242 = arith.constant 0 : i32
        %dma_start3A_243 = tpu.memref_slice %arg10[%dma_start3A_241, %dma_start3A_242] : memref<128x128xf32, #tpu.memory_space<vmem>> -> memref<8x128xf32, #tpu.memory_space<vmem>>
        %dma_start3A_244 = tpu.memref_slice %arg4[%multiple_of3A_237, %multiple_of3A_240] : memref<64x1000000xf32, #tpu.memory_space<hbm>> -> memref<8x128xf32, #tpu.memory_space<hbm>>
        %dma_start3A_245 = arith.constant 56 : i32
        %dma_start3A_246 = arith.constant 0 : i32
        %dma_start3A_247 = tpu.memref_slice %arg10[%dma_start3A_245, %dma_start3A_246] : memref<128x128xf32, #tpu.memory_space<vmem>> -> memref<8x128xf32, #tpu.memory_space<vmem>>
        %dma_start3A_248 = tpu.memref_slice %arg4[%multiple_of3A_237, %multiple_of3A_240] : memref<64x1000000xf32, #tpu.memory_space<hbm>> -> memref<8x128xf32, #tpu.memory_space<hbm>>
        tpu.enqueue_dma source(%dma_start3A_248 : memref<8x128xf32, #tpu.memory_space<hbm>>) target(%dma_start3A_247 : memref<8x128xf32, #tpu.memory_space<vmem>>) target_semaphore(%arg18 : memref<!tpu.dma_semaphore, #tpu.memory_space<semaphore_mem>>)
        %slice3A_249 = vector.extract_strided_slice %and3A_137 {offsets = [8], sizes = [1], strides = [1]} : vector<16xi32> to vector<1xi32>
        %squeeze3A_250 = vector.extract %slice3A_249[0] : i32 from vector<1xi32>
        %multiple_of3A_251 = tpu.assume_multiple %squeeze3A_250, 8 : i32
        %slice3A_252 = vector.extract_strided_slice %and3A_140 {offsets = [8], sizes = [1], strides = [1]} : vector<16xi32> to vector<1xi32>
        %squeeze3A_253 = vector.extract %slice3A_252[0] : i32 from vector<1xi32>
        %multiple_of3A_254 = tpu.assume_multiple %squeeze3A_253, 128 : i32
        %dma_start3A_255 = arith.constant 64 : i32
        %dma_start3A_256 = arith.constant 0 : i32
        %dma_start3A_257 = tpu.memref_slice %arg10[%dma_start3A_255, %dma_start3A_256] : memref<128x128xf32, #tpu.memory_space<vmem>> -> memref<8x128xf32, #tpu.memory_space<vmem>>
        %dma_start3A_258 = tpu.memref_slice %arg4[%multiple_of3A_251, %multiple_of3A_254] : memref<64x1000000xf32, #tpu.memory_space<hbm>> -> memref<8x128xf32, #tpu.memory_space<hbm>>
        %dma_start3A_259 = arith.constant 64 : i32
        %dma_start3A_260 = arith.constant 0 : i32
        %dma_start3A_261 = tpu.memref_slice %arg10[%dma_start3A_259, %dma_start3A_260] : memref<128x128xf32, #tpu.memory_space<vmem>> -> memref<8x128xf32, #tpu.memory_space<vmem>>
        %dma_start3A_262 = tpu.memref_slice %arg4[%multiple_of3A_251, %multiple_of3A_254] : memref<64x1000000xf32, #tpu.memory_space<hbm>> -> memref<8x128xf32, #tpu.memory_space<hbm>>
        tpu.enqueue_dma source(%dma_start3A_262 : memref<8x128xf32, #tpu.memory_space<hbm>>) target(%dma_start3A_261 : memref<8x128xf32, #tpu.memory_space<vmem>>) target_semaphore(%arg18 : memref<!tpu.dma_semaphore, #tpu.memory_space<semaphore_mem>>)
        %slice3A_263 = vector.extract_strided_slice %and3A_137 {offsets = [9], sizes = [1], strides = [1]} : vector<16xi32> to vector<1xi32>
        %squeeze3A_264 = vector.extract %slice3A_263[0] : i32 from vector<1xi32>
        %multiple_of3A_265 = tpu.assume_multiple %squeeze3A_264, 8 : i32
        %slice3A_266 = vector.extract_strided_slice %and3A_140 {offsets = [9], sizes = [1], strides = [1]} : vector<16xi32> to vector<1xi32>
        %squeeze3A_267 = vector.extract %slice3A_266[0] : i32 from vector<1xi32>
        %multiple_of3A_268 = tpu.assume_multiple %squeeze3A_267, 128 : i32
        %dma_start3A_269 = arith.constant 72 : i32
        %dma_start3A_270 = arith.constant 0 : i32
        %dma_start3A_271 = tpu.memref_slice %arg10[%dma_start3A_269, %dma_start3A_270] : memref<128x128xf32, #tpu.memory_space<vmem>> -> memref<8x128xf32, #tpu.memory_space<vmem>>
        %dma_start3A_272 = tpu.memref_slice %arg4[%multiple_of3A_265, %multiple_of3A_268] : memref<64x1000000xf32, #tpu.memory_space<hbm>> -> memref<8x128xf32, #tpu.memory_space<hbm>>
        %dma_start3A_273 = arith.constant 72 : i32
        %dma_start3A_274 = arith.constant 0 : i32
        %dma_start3A_275 = tpu.memref_slice %arg10[%dma_start3A_273, %dma_start3A_274] : memref<128x128xf32, #tpu.memory_space<vmem>> -> memref<8x128xf32, #tpu.memory_space<vmem>>
        %dma_start3A_276 = tpu.memref_slice %arg4[%multiple_of3A_265, %multiple_of3A_268] : memref<64x1000000xf32, #tpu.memory_space<hbm>> -> memref<8x128xf32, #tpu.memory_space<hbm>>
        tpu.enqueue_dma source(%dma_start3A_276 : memref<8x128xf32, #tpu.memory_space<hbm>>) target(%dma_start3A_275 : memref<8x128xf32, #tpu.memory_space<vmem>>) target_semaphore(%arg18 : memref<!tpu.dma_semaphore, #tpu.memory_space<semaphore_mem>>)
        %slice3A_277 = vector.extract_strided_slice %and3A_137 {offsets = [10], sizes = [1], strides = [1]} : vector<16xi32> to vector<1xi32>
        %squeeze3A_278 = vector.extract %slice3A_277[0] : i32 from vector<1xi32>
        %multiple_of3A_279 = tpu.assume_multiple %squeeze3A_278, 8 : i32
        %slice3A_280 = vector.extract_strided_slice %and3A_140 {offsets = [10], sizes = [1], strides = [1]} : vector<16xi32> to vector<1xi32>
        %squeeze3A_281 = vector.extract %slice3A_280[0] : i32 from vector<1xi32>
        %multiple_of3A_282 = tpu.assume_multiple %squeeze3A_281, 128 : i32
        %dma_start3A_283 = arith.constant 80 : i32
        %dma_start3A_284 = arith.constant 0 : i32
        %dma_start3A_285 = tpu.memref_slice %arg10[%dma_start3A_283, %dma_start3A_284] : memref<128x128xf32, #tpu.memory_space<vmem>> -> memref<8x128xf32, #tpu.memory_space<vmem>>
        %dma_start3A_286 = tpu.memref_slice %arg4[%multiple_of3A_279, %multiple_of3A_282] : memref<64x1000000xf32, #tpu.memory_space<hbm>> -> memref<8x128xf32, #tpu.memory_space<hbm>>
        %dma_start3A_287 = arith.constant 80 : i32
        %dma_start3A_288 = arith.constant 0 : i32
        %dma_start3A_289 = tpu.memref_slice %arg10[%dma_start3A_287, %dma_start3A_288] : memref<128x128xf32, #tpu.memory_space<vmem>> -> memref<8x128xf32, #tpu.memory_space<vmem>>
        %dma_start3A_290 = tpu.memref_slice %arg4[%multiple_of3A_279, %multiple_of3A_282] : memref<64x1000000xf32, #tpu.memory_space<hbm>> -> memref<8x128xf32, #tpu.memory_space<hbm>>
        tpu.enqueue_dma source(%dma_start3A_290 : memref<8x128xf32, #tpu.memory_space<hbm>>) target(%dma_start3A_289 : memref<8x128xf32, #tpu.memory_space<vmem>>) target_semaphore(%arg18 : memref<!tpu.dma_semaphore, #tpu.memory_space<semaphore_mem>>)
        %slice3A_291 = vector.extract_strided_slice %and3A_137 {offsets = [11], sizes = [1], strides = [1]} : vector<16xi32> to vector<1xi32>
        %squeeze3A_292 = vector.extract %slice3A_291[0] : i32 from vector<1xi32>
        %multiple_of3A_293 = tpu.assume_multiple %squeeze3A_292, 8 : i32
        %slice3A_294 = vector.extract_strided_slice %and3A_140 {offsets = [11], sizes = [1], strides = [1]} : vector<16xi32> to vector<1xi32>
        %squeeze3A_295 = vector.extract %slice3A_294[0] : i32 from vector<1xi32>
        %multiple_of3A_296 = tpu.assume_multiple %squeeze3A_295, 128 : i32
        %dma_start3A_297 = arith.constant 88 : i32
        %dma_start3A_298 = arith.constant 0 : i32
        %dma_start3A_299 = tpu.memref_slice %arg10[%dma_start3A_297, %dma_start3A_298] : memref<128x128xf32, #tpu.memory_space<vmem>> -> memref<8x128xf32, #tpu.memory_space<vmem>>
        %dma_start3A_300 = tpu.memref_slice %arg4[%multiple_of3A_293, %multiple_of3A_296] : memref<64x1000000xf32, #tpu.memory_space<hbm>> -> memref<8x128xf32, #tpu.memory_space<hbm>>
        %dma_start3A_301 = arith.constant 88 : i32
        %dma_start3A_302 = arith.constant 0 : i32
        %dma_start3A_303 = tpu.memref_slice %arg10[%dma_start3A_301, %dma_start3A_302] : memref<128x128xf32, #tpu.memory_space<vmem>> -> memref<8x128xf32, #tpu.memory_space<vmem>>
        %dma_start3A_304 = tpu.memref_slice %arg4[%multiple_of3A_293, %multiple_of3A_296] : memref<64x1000000xf32, #tpu.memory_space<hbm>> -> memref<8x128xf32, #tpu.memory_space<hbm>>
        tpu.enqueue_dma source(%dma_start3A_304 : memref<8x128xf32, #tpu.memory_space<hbm>>) target(%dma_start3A_303 : memref<8x128xf32, #tpu.memory_space<vmem>>) target_semaphore(%arg18 : memref<!tpu.dma_semaphore, #tpu.memory_space<semaphore_mem>>)
        %slice3A_305 = vector.extract_strided_slice %and3A_137 {offsets = [12], sizes = [1], strides = [1]} : vector<16xi32> to vector<1xi32>
        %squeeze3A_306 = vector.extract %slice3A_305[0] : i32 from vector<1xi32>
        %multiple_of3A_307 = tpu.assume_multiple %squeeze3A_306, 8 : i32
        %slice3A_308 = vector.extract_strided_slice %and3A_140 {offsets = [12], sizes = [1], strides = [1]} : vector<16xi32> to vector<1xi32>
        %squeeze3A_309 = vector.extract %slice3A_308[0] : i32 from vector<1xi32>
        %multiple_of3A_310 = tpu.assume_multiple %squeeze3A_309, 128 : i32
        %dma_start3A_311 = arith.constant 96 : i32
        %dma_start3A_312 = arith.constant 0 : i32
        %dma_start3A_313 = tpu.memref_slice %arg10[%dma_start3A_311, %dma_start3A_312] : memref<128x128xf32, #tpu.memory_space<vmem>> -> memref<8x128xf32, #tpu.memory_space<vmem>>
        %dma_start3A_314 = tpu.memref_slice %arg4[%multiple_of3A_307, %multiple_of3A_310] : memref<64x1000000xf32, #tpu.memory_space<hbm>> -> memref<8x128xf32, #tpu.memory_space<hbm>>
        %dma_start3A_315 = arith.constant 96 : i32
        %dma_start3A_316 = arith.constant 0 : i32
        %dma_start3A_317 = tpu.memref_slice %arg10[%dma_start3A_315, %dma_start3A_316] : memref<128x128xf32, #tpu.memory_space<vmem>> -> memref<8x128xf32, #tpu.memory_space<vmem>>
        %dma_start3A_318 = tpu.memref_slice %arg4[%multiple_of3A_307, %multiple_of3A_310] : memref<64x1000000xf32, #tpu.memory_space<hbm>> -> memref<8x128xf32, #tpu.memory_space<hbm>>
        tpu.enqueue_dma source(%dma_start3A_318 : memref<8x128xf32, #tpu.memory_space<hbm>>) target(%dma_start3A_317 : memref<8x128xf32, #tpu.memory_space<vmem>>) target_semaphore(%arg18 : memref<!tpu.dma_semaphore, #tpu.memory_space<semaphore_mem>>)
        %slice3A_319 = vector.extract_strided_slice %and3A_137 {offsets = [13], sizes = [1], strides = [1]} : vector<16xi32> to vector<1xi32>
        %squeeze3A_320 = vector.extract %slice3A_319[0] : i32 from vector<1xi32>
        %multiple_of3A_321 = tpu.assume_multiple %squeeze3A_320, 8 : i32
        %slice3A_322 = vector.extract_strided_slice %and3A_140 {offsets = [13], sizes = [1], strides = [1]} : vector<16xi32> to vector<1xi32>
        %squeeze3A_323 = vector.extract %slice3A_322[0] : i32 from vector<1xi32>
        %multiple_of3A_324 = tpu.assume_multiple %squeeze3A_323, 128 : i32
        %dma_start3A_325 = arith.constant 104 : i32
        %dma_start3A_326 = arith.constant 0 : i32
        %dma_start3A_327 = tpu.memref_slice %arg10[%dma_start3A_325, %dma_start3A_326] : memref<128x128xf32, #tpu.memory_space<vmem>> -> memref<8x128xf32, #tpu.memory_space<vmem>>
        %dma_start3A_328 = tpu.memref_slice %arg4[%multiple_of3A_321, %multiple_of3A_324] : memref<64x1000000xf32, #tpu.memory_space<hbm>> -> memref<8x128xf32, #tpu.memory_space<hbm>>
        %dma_start3A_329 = arith.constant 104 : i32
        %dma_start3A_330 = arith.constant 0 : i32
        %dma_start3A_331 = tpu.memref_slice %arg10[%dma_start3A_329, %dma_start3A_330] : memref<128x128xf32, #tpu.memory_space<vmem>> -> memref<8x128xf32, #tpu.memory_space<vmem>>
        %dma_start3A_332 = tpu.memref_slice %arg4[%multiple_of3A_321, %multiple_of3A_324] : memref<64x1000000xf32, #tpu.memory_space<hbm>> -> memref<8x128xf32, #tpu.memory_space<hbm>>
        tpu.enqueue_dma source(%dma_start3A_332 : memref<8x128xf32, #tpu.memory_space<hbm>>) target(%dma_start3A_331 : memref<8x128xf32, #tpu.memory_space<vmem>>) target_semaphore(%arg18 : memref<!tpu.dma_semaphore, #tpu.memory_space<semaphore_mem>>)
        %slice3A_333 = vector.extract_strided_slice %and3A_137 {offsets = [14], sizes = [1], strides = [1]} : vector<16xi32> to vector<1xi32>
        %squeeze3A_334 = vector.extract %slice3A_333[0] : i32 from vector<1xi32>
        %multiple_of3A_335 = tpu.assume_multiple %squeeze3A_334, 8 : i32
        %slice3A_336 = vector.extract_strided_slice %and3A_140 {offsets = [14], sizes = [1], strides = [1]} : vector<16xi32> to vector<1xi32>
        %squeeze3A_337 = vector.extract %slice3A_336[0] : i32 from vector<1xi32>
        %multiple_of3A_338 = tpu.assume_multiple %squeeze3A_337, 128 : i32
        %dma_start3A_339 = arith.constant 112 : i32
        %dma_start3A_340 = arith.constant 0 : i32
        %dma_start3A_341 = tpu.memref_slice %arg10[%dma_start3A_339, %dma_start3A_340] : memref<128x128xf32, #tpu.memory_space<vmem>> -> memref<8x128xf32, #tpu.memory_space<vmem>>
        %dma_start3A_342 = tpu.memref_slice %arg4[%multiple_of3A_335, %multiple_of3A_338] : memref<64x1000000xf32, #tpu.memory_space<hbm>> -> memref<8x128xf32, #tpu.memory_space<hbm>>
        %dma_start3A_343 = arith.constant 112 : i32
        %dma_start3A_344 = arith.constant 0 : i32
        %dma_start3A_345 = tpu.memref_slice %arg10[%dma_start3A_343, %dma_start3A_344] : memref<128x128xf32, #tpu.memory_space<vmem>> -> memref<8x128xf32, #tpu.memory_space<vmem>>
        %dma_start3A_346 = tpu.memref_slice %arg4[%multiple_of3A_335, %multiple_of3A_338] : memref<64x1000000xf32, #tpu.memory_space<hbm>> -> memref<8x128xf32, #tpu.memory_space<hbm>>
        tpu.enqueue_dma source(%dma_start3A_346 : memref<8x128xf32, #tpu.memory_space<hbm>>) target(%dma_start3A_345 : memref<8x128xf32, #tpu.memory_space<vmem>>) target_semaphore(%arg18 : memref<!tpu.dma_semaphore, #tpu.memory_space<semaphore_mem>>)
        %slice3A_347 = vector.extract_strided_slice %and3A_137 {offsets = [15], sizes = [1], strides = [1]} : vector<16xi32> to vector<1xi32>
        %squeeze3A_348 = vector.extract %slice3A_347[0] : i32 from vector<1xi32>
        %multiple_of3A_349 = tpu.assume_multiple %squeeze3A_348, 8 : i32
        %slice3A_350 = vector.extract_strided_slice %and3A_140 {offsets = [15], sizes = [1], strides = [1]} : vector<16xi32> to vector<1xi32>
        %squeeze3A_351 = vector.extract %slice3A_350[0] : i32 from vector<1xi32>
        %multiple_of3A_352 = tpu.assume_multiple %squeeze3A_351, 128 : i32
        %dma_start3A_353 = arith.constant 120 : i32
        %dma_start3A_354 = arith.constant 0 : i32
        %dma_start3A_355 = tpu.memref_slice %arg10[%dma_start3A_353, %dma_start3A_354] : memref<128x128xf32, #tpu.memory_space<vmem>> -> memref<8x128xf32, #tpu.memory_space<vmem>>
        %dma_start3A_356 = tpu.memref_slice %arg4[%multiple_of3A_349, %multiple_of3A_352] : memref<64x1000000xf32, #tpu.memory_space<hbm>> -> memref<8x128xf32, #tpu.memory_space<hbm>>
        %dma_start3A_357 = arith.constant 120 : i32
        %dma_start3A_358 = arith.constant 0 : i32
        %dma_start3A_359 = tpu.memref_slice %arg10[%dma_start3A_357, %dma_start3A_358] : memref<128x128xf32, #tpu.memory_space<vmem>> -> memref<8x128xf32, #tpu.memory_space<vmem>>
        %dma_start3A_360 = tpu.memref_slice %arg4[%multiple_of3A_349, %multiple_of3A_352] : memref<64x1000000xf32, #tpu.memory_space<hbm>> -> memref<8x128xf32, #tpu.memory_space<hbm>>
        tpu.enqueue_dma source(%dma_start3A_360 : memref<8x128xf32, #tpu.memory_space<hbm>>) target(%dma_start3A_359 : memref<8x128xf32, #tpu.memory_space<vmem>>) target_semaphore(%arg18 : memref<!tpu.dma_semaphore, #tpu.memory_space<semaphore_mem>>)
      } else {
      }
      %add3A_58 = arith.constant 3 : i32
      %add3A_59 = arith.addi %add3A_11, %add3A_58 : i32
      %ge3A_60 = arith.constant 0 : i32
      %ge3A_61 = arith.cmpi sge, %add3A_59, %ge3A_60 : i32
      %lt3A_62 = arith.constant 32 : i32
      %lt3A_63 = arith.cmpi slt, %add3A_59, %lt3A_62 : i32
      %and3A_64 = arith.andi %ge3A_61, %lt3A_63 : i1
      %convert_element_type3A_65 = arith.extui %and3A_64 : i1 to i32
      %cond3A_66 = arith.constant 0 : i32
      %cond3A_67 = arith.cmpi ne, %convert_element_type3A_65, %cond3A_66 : i32
      scf.if %cond3A_67 {
        %dma_wait3A = arith.constant 0 : i32
        %dma_wait3A_126 = arith.constant 0 : i32
        %dma_wait3A_127 = tpu.memref_slice %arg11[%dma_wait3A, %dma_wait3A_126] : memref<128x128xf32, #tpu.memory_space<vmem>> -> memref<64x128xf32, #tpu.memory_space<vmem>>
        %dma_wait3A_128 = arith.constant 0 : i32
        %dma_wait3A_129 = arith.constant 0 : i32
        %dma_wait3A_130 = tpu.memref_slice %arg4[%dma_wait3A_128, %dma_wait3A_129] : memref<64x1000000xf32, #tpu.memory_space<hbm>> -> memref<64x128xf32, #tpu.memory_space<hbm>>
        %dma_wait3A_131 = arith.constant 0 : i32
        %dma_wait3A_132 = arith.constant 0 : i32
        %dma_wait3A_133 = tpu.memref_slice %arg11[%dma_wait3A_131, %dma_wait3A_132] : memref<128x128xf32, #tpu.memory_space<vmem>> -> memref<64x128xf32, #tpu.memory_space<vmem>>
        %dma_wait3A_134 = arith.constant 0 : i32
        %dma_wait3A_135 = arith.constant 0 : i32
        %dma_wait3A_136 = tpu.memref_slice %arg4[%dma_wait3A_134, %dma_wait3A_135] : memref<64x1000000xf32, #tpu.memory_space<hbm>> -> memref<64x128xf32, #tpu.memory_space<hbm>>
        tpu.wait_dma2 semaphore(%arg19 : memref<!tpu.dma_semaphore, #tpu.memory_space<semaphore_mem>>) src(%dma_wait3A_136 : memref<64x128xf32, #tpu.memory_space<hbm>>) dst(%dma_wait3A_133 : memref<64x128xf32, #tpu.memory_space<vmem>>)
        %dma_wait3A_137 = arith.constant 64 : i32
        %dma_wait3A_138 = arith.constant 0 : i32
        %dma_wait3A_139 = tpu.memref_slice %arg11[%dma_wait3A_137, %dma_wait3A_138] : memref<128x128xf32, #tpu.memory_space<vmem>> -> memref<64x128xf32, #tpu.memory_space<vmem>>
        %dma_wait3A_140 = arith.constant 0 : i32
        %dma_wait3A_141 = arith.constant 0 : i32
        %dma_wait3A_142 = tpu.memref_slice %arg4[%dma_wait3A_140, %dma_wait3A_141] : memref<64x1000000xf32, #tpu.memory_space<hbm>> -> memref<64x128xf32, #tpu.memory_space<hbm>>
        %dma_wait3A_143 = arith.constant 64 : i32
        %dma_wait3A_144 = arith.constant 0 : i32
        %dma_wait3A_145 = tpu.memref_slice %arg11[%dma_wait3A_143, %dma_wait3A_144] : memref<128x128xf32, #tpu.memory_space<vmem>> -> memref<64x128xf32, #tpu.memory_space<vmem>>
        %dma_wait3A_146 = arith.constant 0 : i32
        %dma_wait3A_147 = arith.constant 0 : i32
        %dma_wait3A_148 = tpu.memref_slice %arg4[%dma_wait3A_146, %dma_wait3A_147] : memref<64x1000000xf32, #tpu.memory_space<hbm>> -> memref<64x128xf32, #tpu.memory_space<hbm>>
        tpu.wait_dma2 semaphore(%arg19 : memref<!tpu.dma_semaphore, #tpu.memory_space<semaphore_mem>>) src(%dma_wait3A_148 : memref<64x128xf32, #tpu.memory_space<hbm>>) dst(%dma_wait3A_145 : memref<64x128xf32, #tpu.memory_space<vmem>>)
        %mul3A_149 = arith.constant 16 : i32
        %mul3A_150 = arith.muli %add3A_59, %mul3A_149 : i32
        %get3A = arith.index_cast %mul3A_150 : i32 to index
        %get3A_151 = tpu.vector_load %arg6[%get3A] {strides = array<i32>} : memref<512xi32, #tpu.memory_space<vmem>>, vector<16xi32>,
        %get3A_152 = arith.index_cast %mul3A_150 : i32 to index
        %get3A_153 = tpu.vector_load %arg7[%get3A_152] {strides = array<i32>} : memref<512xi32, #tpu.memory_space<vmem>>, vector<16xi32>,
        %mul3A_154 = arith.constant 8 : i32
        %mul3A_155 = vector.broadcast %mul3A_154 : i32 to vector<16xi32>
        %mul3A_156 = arith.muli %iota3A, %mul3A_155 : vector<16xi32>
        %and3A_157 = arith.constant 7 : i32
        %and3A_158 = vector.broadcast %and3A_157 : i32 to vector<16xi32>
        %and3A_159 = arith.andi %get3A_153, %and3A_158 : vector<16xi32>
        %add3A_160 = arith.addi %mul3A_156, %and3A_159 : vector<16xi32>
        %and3A_161 = arith.constant 127 : i32
        %and3A_162 = vector.broadcast %and3A_161 : i32 to vector<16xi32>
        %and3A_163 = arith.andi %get3A_151, %and3A_162 : vector<16xi32>
        %gather3A = tpu.vector_load_idx %arg11[%add3A_160, %and3A_163] : memref<128x128xf32, #tpu.memory_space<vmem>>[vector<16xi32>, vector<16xi32>], vector<16xf32>,
        %neg3A = arith.constant 0.000000e+00 : f32
        %neg3A_164 = vector.broadcast %neg3A : f32 to vector<16xf32>
        %neg3A_165 = arith.subf %neg3A_164, %gather3A : vector<16xf32>
        %exp3A = math.exp %neg3A_165 : vector<16xf32>
        %add3A_166 = arith.constant 1.000000e+00 : f32
        %add3A_167 = vector.broadcast %add3A_166 : f32 to vector<16xf32>
        %add3A_168 = arith.addf %add3A_167, %exp3A : vector<16xf32>
        %div3A = arith.constant 1.000000e+00 : f32
        %div3A_169 = vector.broadcast %div3A : f32 to vector<16xf32>
        %div3A_170 = arith.divf %div3A_169, %add3A_168 : vector<16xf32>
        %swap3A = arith.index_cast %mul3A_150 : i32 to index
        %swap3A_171 = tpu.vector_load %arg15[%swap3A] {strides = array<i32>} : memref<512xf32, #tpu.memory_space<vmem>>, vector<16xf32>,
        tpu.vector_store %arg15[%swap3A], %div3A_170 {strides = array<i32>} : memref<512xf32, #tpu.memory_space<vmem>>, vector<16xf32>,
      } else {
      }
      %add3A_68 = arith.constant 7 : i32
      %add3A_69 = arith.addi %add3A_59, %add3A_68 : i32
      %lt3A_70 = arith.constant 32 : i32
      %lt3A_71 = arith.cmpi slt, %add3A_69, %lt3A_70 : i32
      %convert_element_type3A_72 = arith.extui %lt3A_71 : i1 to i32
      %cond3A_73 = arith.constant 0 : i32
      %cond3A_74 = arith.cmpi ne, %convert_element_type3A_72, %cond3A_73 : i32
      scf.if %cond3A_74 {
        %add3A_126 = arith.constant 7 : i32
        %add3A_127 = arith.addi %add3A_59, %add3A_126 : i32
        %mul3A_128 = arith.constant 16 : i32
        %mul3A_129 = arith.muli %add3A_127, %mul3A_128 : i32
        %get3A = arith.index_cast %mul3A_129 : i32 to index
        %get3A_130 = tpu.vector_load %arg6[%get3A] {strides = array<i32>} : memref<512xi32, #tpu.memory_space<vmem>>, vector<16xi32>,
        %mul3A_131 = arith.constant 16 : i32
        %mul3A_132 = arith.muli %add3A_127, %mul3A_131 : i32
        %get3A_133 = arith.index_cast %mul3A_132 : i32 to index
        %get3A_134 = tpu.vector_load %arg7[%get3A_133] {strides = array<i32>} : memref<512xi32, #tpu.memory_space<vmem>>, vector<16xi32>,
        %and3A_135 = arith.constant -8 : i32
        %and3A_136 = vector.broadcast %and3A_135 : i32 to vector<16xi32>
        %and3A_137 = arith.andi %get3A_134, %and3A_136 : vector<16xi32>
        %and3A_138 = arith.constant -128 : i32
        %and3A_139 = vector.broadcast %and3A_138 : i32 to vector<16xi32>
        %and3A_140 = arith.andi %get3A_130, %and3A_139 : vector<16xi32>
        %slice3A = vector.extract_strided_slice %and3A_137 {offsets = [0], sizes = [1], strides = [1]} : vector<16xi32> to vector<1xi32>
        %squeeze3A = vector.extract %slice3A[0] : i32 from vector<1xi32>
        %multiple_of3A = tpu.assume_multiple %squeeze3A, 8 : i32
        %slice3A_141 = vector.extract_strided_slice %and3A_140 {offsets = [0], sizes = [1], strides = [1]} : vector<16xi32> to vector<1xi32>
        %squeeze3A_142 = vector.extract %slice3A_141[0] : i32 from vector<1xi32>
        %multiple_of3A_143 = tpu.assume_multiple %squeeze3A_142, 128 : i32
        %dma_start3A = arith.constant 0 : i32
        %dma_start3A_144 = arith.constant 0 : i32
        %dma_start3A_145 = tpu.memref_slice %arg11[%dma_start3A, %dma_start3A_144] : memref<128x128xf32, #tpu.memory_space<vmem>> -> memref<8x128xf32, #tpu.memory_space<vmem>>
        %dma_start3A_146 = tpu.memref_slice %arg4[%multiple_of3A, %multiple_of3A_143] : memref<64x1000000xf32, #tpu.memory_space<hbm>> -> memref<8x128xf32, #tpu.memory_space<hbm>>
        %dma_start3A_147 = arith.constant 0 : i32
        %dma_start3A_148 = arith.constant 0 : i32
        %dma_start3A_149 = tpu.memref_slice %arg11[%dma_start3A_147, %dma_start3A_148] : memref<128x128xf32, #tpu.memory_space<vmem>> -> memref<8x128xf32, #tpu.memory_space<vmem>>
        %dma_start3A_150 = tpu.memref_slice %arg4[%multiple_of3A, %multiple_of3A_143] : memref<64x1000000xf32, #tpu.memory_space<hbm>> -> memref<8x128xf32, #tpu.memory_space<hbm>>
        tpu.enqueue_dma source(%dma_start3A_150 : memref<8x128xf32, #tpu.memory_space<hbm>>) target(%dma_start3A_149 : memref<8x128xf32, #tpu.memory_space<vmem>>) target_semaphore(%arg19 : memref<!tpu.dma_semaphore, #tpu.memory_space<semaphore_mem>>)
        %slice3A_151 = vector.extract_strided_slice %and3A_137 {offsets = [1], sizes = [1], strides = [1]} : vector<16xi32> to vector<1xi32>
        %squeeze3A_152 = vector.extract %slice3A_151[0] : i32 from vector<1xi32>
        %multiple_of3A_153 = tpu.assume_multiple %squeeze3A_152, 8 : i32
        %slice3A_154 = vector.extract_strided_slice %and3A_140 {offsets = [1], sizes = [1], strides = [1]} : vector<16xi32> to vector<1xi32>
        %squeeze3A_155 = vector.extract %slice3A_154[0] : i32 from vector<1xi32>
        %multiple_of3A_156 = tpu.assume_multiple %squeeze3A_155, 128 : i32
        %dma_start3A_157 = arith.constant 8 : i32
        %dma_start3A_158 = arith.constant 0 : i32
        %dma_start3A_159 = tpu.memref_slice %arg11[%dma_start3A_157, %dma_start3A_158] : memref<128x128xf32, #tpu.memory_space<vmem>> -> memref<8x128xf32, #tpu.memory_space<vmem>>
        %dma_start3A_160 = tpu.memref_slice %arg4[%multiple_of3A_153, %multiple_of3A_156] : memref<64x1000000xf32, #tpu.memory_space<hbm>> -> memref<8x128xf32, #tpu.memory_space<hbm>>
        %dma_start3A_161 = arith.constant 8 : i32
        %dma_start3A_162 = arith.constant 0 : i32
        %dma_start3A_163 = tpu.memref_slice %arg11[%dma_start3A_161, %dma_start3A_162] : memref<128x128xf32, #tpu.memory_space<vmem>> -> memref<8x128xf32, #tpu.memory_space<vmem>>
        %dma_start3A_164 = tpu.memref_slice %arg4[%multiple_of3A_153, %multiple_of3A_156] : memref<64x1000000xf32, #tpu.memory_space<hbm>> -> memref<8x128xf32, #tpu.memory_space<hbm>>
        tpu.enqueue_dma source(%dma_start3A_164 : memref<8x128xf32, #tpu.memory_space<hbm>>) target(%dma_start3A_163 : memref<8x128xf32, #tpu.memory_space<vmem>>) target_semaphore(%arg19 : memref<!tpu.dma_semaphore, #tpu.memory_space<semaphore_mem>>)
        %slice3A_165 = vector.extract_strided_slice %and3A_137 {offsets = [2], sizes = [1], strides = [1]} : vector<16xi32> to vector<1xi32>
        %squeeze3A_166 = vector.extract %slice3A_165[0] : i32 from vector<1xi32>
        %multiple_of3A_167 = tpu.assume_multiple %squeeze3A_166, 8 : i32
        %slice3A_168 = vector.extract_strided_slice %and3A_140 {offsets = [2], sizes = [1], strides = [1]} : vector<16xi32> to vector<1xi32>
        %squeeze3A_169 = vector.extract %slice3A_168[0] : i32 from vector<1xi32>
        %multiple_of3A_170 = tpu.assume_multiple %squeeze3A_169, 128 : i32
        %dma_start3A_171 = arith.constant 16 : i32
        %dma_start3A_172 = arith.constant 0 : i32
        %dma_start3A_173 = tpu.memref_slice %arg11[%dma_start3A_171, %dma_start3A_172] : memref<128x128xf32, #tpu.memory_space<vmem>> -> memref<8x128xf32, #tpu.memory_space<vmem>>
        %dma_start3A_174 = tpu.memref_slice %arg4[%multiple_of3A_167, %multiple_of3A_170] : memref<64x1000000xf32, #tpu.memory_space<hbm>> -> memref<8x128xf32, #tpu.memory_space<hbm>>
        %dma_start3A_175 = arith.constant 16 : i32
        %dma_start3A_176 = arith.constant 0 : i32
        %dma_start3A_177 = tpu.memref_slice %arg11[%dma_start3A_175, %dma_start3A_176] : memref<128x128xf32, #tpu.memory_space<vmem>> -> memref<8x128xf32, #tpu.memory_space<vmem>>
        %dma_start3A_178 = tpu.memref_slice %arg4[%multiple_of3A_167, %multiple_of3A_170] : memref<64x1000000xf32, #tpu.memory_space<hbm>> -> memref<8x128xf32, #tpu.memory_space<hbm>>
        tpu.enqueue_dma source(%dma_start3A_178 : memref<8x128xf32, #tpu.memory_space<hbm>>) target(%dma_start3A_177 : memref<8x128xf32, #tpu.memory_space<vmem>>) target_semaphore(%arg19 : memref<!tpu.dma_semaphore, #tpu.memory_space<semaphore_mem>>)
        %slice3A_179 = vector.extract_strided_slice %and3A_137 {offsets = [3], sizes = [1], strides = [1]} : vector<16xi32> to vector<1xi32>
        %squeeze3A_180 = vector.extract %slice3A_179[0] : i32 from vector<1xi32>
        %multiple_of3A_181 = tpu.assume_multiple %squeeze3A_180, 8 : i32
        %slice3A_182 = vector.extract_strided_slice %and3A_140 {offsets = [3], sizes = [1], strides = [1]} : vector<16xi32> to vector<1xi32>
        %squeeze3A_183 = vector.extract %slice3A_182[0] : i32 from vector<1xi32>
        %multiple_of3A_184 = tpu.assume_multiple %squeeze3A_183, 128 : i32
        %dma_start3A_185 = arith.constant 24 : i32
        %dma_start3A_186 = arith.constant 0 : i32
        %dma_start3A_187 = tpu.memref_slice %arg11[%dma_start3A_185, %dma_start3A_186] : memref<128x128xf32, #tpu.memory_space<vmem>> -> memref<8x128xf32, #tpu.memory_space<vmem>>
        %dma_start3A_188 = tpu.memref_slice %arg4[%multiple_of3A_181, %multiple_of3A_184] : memref<64x1000000xf32, #tpu.memory_space<hbm>> -> memref<8x128xf32, #tpu.memory_space<hbm>>
        %dma_start3A_189 = arith.constant 24 : i32
        %dma_start3A_190 = arith.constant 0 : i32
        %dma_start3A_191 = tpu.memref_slice %arg11[%dma_start3A_189, %dma_start3A_190] : memref<128x128xf32, #tpu.memory_space<vmem>> -> memref<8x128xf32, #tpu.memory_space<vmem>>
        %dma_start3A_192 = tpu.memref_slice %arg4[%multiple_of3A_181, %multiple_of3A_184] : memref<64x1000000xf32, #tpu.memory_space<hbm>> -> memref<8x128xf32, #tpu.memory_space<hbm>>
        tpu.enqueue_dma source(%dma_start3A_192 : memref<8x128xf32, #tpu.memory_space<hbm>>) target(%dma_start3A_191 : memref<8x128xf32, #tpu.memory_space<vmem>>) target_semaphore(%arg19 : memref<!tpu.dma_semaphore, #tpu.memory_space<semaphore_mem>>)
        %slice3A_193 = vector.extract_strided_slice %and3A_137 {offsets = [4], sizes = [1], strides = [1]} : vector<16xi32> to vector<1xi32>
        %squeeze3A_194 = vector.extract %slice3A_193[0] : i32 from vector<1xi32>
        %multiple_of3A_195 = tpu.assume_multiple %squeeze3A_194, 8 : i32
        %slice3A_196 = vector.extract_strided_slice %and3A_140 {offsets = [4], sizes = [1], strides = [1]} : vector<16xi32> to vector<1xi32>
        %squeeze3A_197 = vector.extract %slice3A_196[0] : i32 from vector<1xi32>
        %multiple_of3A_198 = tpu.assume_multiple %squeeze3A_197, 128 : i32
        %dma_start3A_199 = arith.constant 32 : i32
        %dma_start3A_200 = arith.constant 0 : i32
        %dma_start3A_201 = tpu.memref_slice %arg11[%dma_start3A_199, %dma_start3A_200] : memref<128x128xf32, #tpu.memory_space<vmem>> -> memref<8x128xf32, #tpu.memory_space<vmem>>
        %dma_start3A_202 = tpu.memref_slice %arg4[%multiple_of3A_195, %multiple_of3A_198] : memref<64x1000000xf32, #tpu.memory_space<hbm>> -> memref<8x128xf32, #tpu.memory_space<hbm>>
        %dma_start3A_203 = arith.constant 32 : i32
        %dma_start3A_204 = arith.constant 0 : i32
        %dma_start3A_205 = tpu.memref_slice %arg11[%dma_start3A_203, %dma_start3A_204] : memref<128x128xf32, #tpu.memory_space<vmem>> -> memref<8x128xf32, #tpu.memory_space<vmem>>
        %dma_start3A_206 = tpu.memref_slice %arg4[%multiple_of3A_195, %multiple_of3A_198] : memref<64x1000000xf32, #tpu.memory_space<hbm>> -> memref<8x128xf32, #tpu.memory_space<hbm>>
        tpu.enqueue_dma source(%dma_start3A_206 : memref<8x128xf32, #tpu.memory_space<hbm>>) target(%dma_start3A_205 : memref<8x128xf32, #tpu.memory_space<vmem>>) target_semaphore(%arg19 : memref<!tpu.dma_semaphore, #tpu.memory_space<semaphore_mem>>)
        %slice3A_207 = vector.extract_strided_slice %and3A_137 {offsets = [5], sizes = [1], strides = [1]} : vector<16xi32> to vector<1xi32>
        %squeeze3A_208 = vector.extract %slice3A_207[0] : i32 from vector<1xi32>
        %multiple_of3A_209 = tpu.assume_multiple %squeeze3A_208, 8 : i32
        %slice3A_210 = vector.extract_strided_slice %and3A_140 {offsets = [5], sizes = [1], strides = [1]} : vector<16xi32> to vector<1xi32>
        %squeeze3A_211 = vector.extract %slice3A_210[0] : i32 from vector<1xi32>
        %multiple_of3A_212 = tpu.assume_multiple %squeeze3A_211, 128 : i32
        %dma_start3A_213 = arith.constant 40 : i32
        %dma_start3A_214 = arith.constant 0 : i32
        %dma_start3A_215 = tpu.memref_slice %arg11[%dma_start3A_213, %dma_start3A_214] : memref<128x128xf32, #tpu.memory_space<vmem>> -> memref<8x128xf32, #tpu.memory_space<vmem>>
        %dma_start3A_216 = tpu.memref_slice %arg4[%multiple_of3A_209, %multiple_of3A_212] : memref<64x1000000xf32, #tpu.memory_space<hbm>> -> memref<8x128xf32, #tpu.memory_space<hbm>>
        %dma_start3A_217 = arith.constant 40 : i32
        %dma_start3A_218 = arith.constant 0 : i32
        %dma_start3A_219 = tpu.memref_slice %arg11[%dma_start3A_217, %dma_start3A_218] : memref<128x128xf32, #tpu.memory_space<vmem>> -> memref<8x128xf32, #tpu.memory_space<vmem>>
        %dma_start3A_220 = tpu.memref_slice %arg4[%multiple_of3A_209, %multiple_of3A_212] : memref<64x1000000xf32, #tpu.memory_space<hbm>> -> memref<8x128xf32, #tpu.memory_space<hbm>>
        tpu.enqueue_dma source(%dma_start3A_220 : memref<8x128xf32, #tpu.memory_space<hbm>>) target(%dma_start3A_219 : memref<8x128xf32, #tpu.memory_space<vmem>>) target_semaphore(%arg19 : memref<!tpu.dma_semaphore, #tpu.memory_space<semaphore_mem>>)
        %slice3A_221 = vector.extract_strided_slice %and3A_137 {offsets = [6], sizes = [1], strides = [1]} : vector<16xi32> to vector<1xi32>
        %squeeze3A_222 = vector.extract %slice3A_221[0] : i32 from vector<1xi32>
        %multiple_of3A_223 = tpu.assume_multiple %squeeze3A_222, 8 : i32
        %slice3A_224 = vector.extract_strided_slice %and3A_140 {offsets = [6], sizes = [1], strides = [1]} : vector<16xi32> to vector<1xi32>
        %squeeze3A_225 = vector.extract %slice3A_224[0] : i32 from vector<1xi32>
        %multiple_of3A_226 = tpu.assume_multiple %squeeze3A_225, 128 : i32
        %dma_start3A_227 = arith.constant 48 : i32
        %dma_start3A_228 = arith.constant 0 : i32
        %dma_start3A_229 = tpu.memref_slice %arg11[%dma_start3A_227, %dma_start3A_228] : memref<128x128xf32, #tpu.memory_space<vmem>> -> memref<8x128xf32, #tpu.memory_space<vmem>>
        %dma_start3A_230 = tpu.memref_slice %arg4[%multiple_of3A_223, %multiple_of3A_226] : memref<64x1000000xf32, #tpu.memory_space<hbm>> -> memref<8x128xf32, #tpu.memory_space<hbm>>
        %dma_start3A_231 = arith.constant 48 : i32
        %dma_start3A_232 = arith.constant 0 : i32
        %dma_start3A_233 = tpu.memref_slice %arg11[%dma_start3A_231, %dma_start3A_232] : memref<128x128xf32, #tpu.memory_space<vmem>> -> memref<8x128xf32, #tpu.memory_space<vmem>>
        %dma_start3A_234 = tpu.memref_slice %arg4[%multiple_of3A_223, %multiple_of3A_226] : memref<64x1000000xf32, #tpu.memory_space<hbm>> -> memref<8x128xf32, #tpu.memory_space<hbm>>
        tpu.enqueue_dma source(%dma_start3A_234 : memref<8x128xf32, #tpu.memory_space<hbm>>) target(%dma_start3A_233 : memref<8x128xf32, #tpu.memory_space<vmem>>) target_semaphore(%arg19 : memref<!tpu.dma_semaphore, #tpu.memory_space<semaphore_mem>>)
        %slice3A_235 = vector.extract_strided_slice %and3A_137 {offsets = [7], sizes = [1], strides = [1]} : vector<16xi32> to vector<1xi32>
        %squeeze3A_236 = vector.extract %slice3A_235[0] : i32 from vector<1xi32>
        %multiple_of3A_237 = tpu.assume_multiple %squeeze3A_236, 8 : i32
        %slice3A_238 = vector.extract_strided_slice %and3A_140 {offsets = [7], sizes = [1], strides = [1]} : vector<16xi32> to vector<1xi32>
        %squeeze3A_239 = vector.extract %slice3A_238[0] : i32 from vector<1xi32>
        %multiple_of3A_240 = tpu.assume_multiple %squeeze3A_239, 128 : i32
        %dma_start3A_241 = arith.constant 56 : i32
        %dma_start3A_242 = arith.constant 0 : i32
        %dma_start3A_243 = tpu.memref_slice %arg11[%dma_start3A_241, %dma_start3A_242] : memref<128x128xf32, #tpu.memory_space<vmem>> -> memref<8x128xf32, #tpu.memory_space<vmem>>
        %dma_start3A_244 = tpu.memref_slice %arg4[%multiple_of3A_237, %multiple_of3A_240] : memref<64x1000000xf32, #tpu.memory_space<hbm>> -> memref<8x128xf32, #tpu.memory_space<hbm>>
        %dma_start3A_245 = arith.constant 56 : i32
        %dma_start3A_246 = arith.constant 0 : i32
        %dma_start3A_247 = tpu.memref_slice %arg11[%dma_start3A_245, %dma_start3A_246] : memref<128x128xf32, #tpu.memory_space<vmem>> -> memref<8x128xf32, #tpu.memory_space<vmem>>
        %dma_start3A_248 = tpu.memref_slice %arg4[%multiple_of3A_237, %multiple_of3A_240] : memref<64x1000000xf32, #tpu.memory_space<hbm>> -> memref<8x128xf32, #tpu.memory_space<hbm>>
        tpu.enqueue_dma source(%dma_start3A_248 : memref<8x128xf32, #tpu.memory_space<hbm>>) target(%dma_start3A_247 : memref<8x128xf32, #tpu.memory_space<vmem>>) target_semaphore(%arg19 : memref<!tpu.dma_semaphore, #tpu.memory_space<semaphore_mem>>)
        %slice3A_249 = vector.extract_strided_slice %and3A_137 {offsets = [8], sizes = [1], strides = [1]} : vector<16xi32> to vector<1xi32>
        %squeeze3A_250 = vector.extract %slice3A_249[0] : i32 from vector<1xi32>
        %multiple_of3A_251 = tpu.assume_multiple %squeeze3A_250, 8 : i32
        %slice3A_252 = vector.extract_strided_slice %and3A_140 {offsets = [8], sizes = [1], strides = [1]} : vector<16xi32> to vector<1xi32>
        %squeeze3A_253 = vector.extract %slice3A_252[0] : i32 from vector<1xi32>
        %multiple_of3A_254 = tpu.assume_multiple %squeeze3A_253, 128 : i32
        %dma_start3A_255 = arith.constant 64 : i32
        %dma_start3A_256 = arith.constant 0 : i32
        %dma_start3A_257 = tpu.memref_slice %arg11[%dma_start3A_255, %dma_start3A_256] : memref<128x128xf32, #tpu.memory_space<vmem>> -> memref<8x128xf32, #tpu.memory_space<vmem>>
        %dma_start3A_258 = tpu.memref_slice %arg4[%multiple_of3A_251, %multiple_of3A_254] : memref<64x1000000xf32, #tpu.memory_space<hbm>> -> memref<8x128xf32, #tpu.memory_space<hbm>>
        %dma_start3A_259 = arith.constant 64 : i32
        %dma_start3A_260 = arith.constant 0 : i32
        %dma_start3A_261 = tpu.memref_slice %arg11[%dma_start3A_259, %dma_start3A_260] : memref<128x128xf32, #tpu.memory_space<vmem>> -> memref<8x128xf32, #tpu.memory_space<vmem>>
        %dma_start3A_262 = tpu.memref_slice %arg4[%multiple_of3A_251, %multiple_of3A_254] : memref<64x1000000xf32, #tpu.memory_space<hbm>> -> memref<8x128xf32, #tpu.memory_space<hbm>>
        tpu.enqueue_dma source(%dma_start3A_262 : memref<8x128xf32, #tpu.memory_space<hbm>>) target(%dma_start3A_261 : memref<8x128xf32, #tpu.memory_space<vmem>>) target_semaphore(%arg19 : memref<!tpu.dma_semaphore, #tpu.memory_space<semaphore_mem>>)
        %slice3A_263 = vector.extract_strided_slice %and3A_137 {offsets = [9], sizes = [1], strides = [1]} : vector<16xi32> to vector<1xi32>
        %squeeze3A_264 = vector.extract %slice3A_263[0] : i32 from vector<1xi32>
        %multiple_of3A_265 = tpu.assume_multiple %squeeze3A_264, 8 : i32
        %slice3A_266 = vector.extract_strided_slice %and3A_140 {offsets = [9], sizes = [1], strides = [1]} : vector<16xi32> to vector<1xi32>
        %squeeze3A_267 = vector.extract %slice3A_266[0] : i32 from vector<1xi32>
        %multiple_of3A_268 = tpu.assume_multiple %squeeze3A_267, 128 : i32
        %dma_start3A_269 = arith.constant 72 : i32
        %dma_start3A_270 = arith.constant 0 : i32
        %dma_start3A_271 = tpu.memref_slice %arg11[%dma_start3A_269, %dma_start3A_270] : memref<128x128xf32, #tpu.memory_space<vmem>> -> memref<8x128xf32, #tpu.memory_space<vmem>>
        %dma_start3A_272 = tpu.memref_slice %arg4[%multiple_of3A_265, %multiple_of3A_268] : memref<64x1000000xf32, #tpu.memory_space<hbm>> -> memref<8x128xf32, #tpu.memory_space<hbm>>
        %dma_start3A_273 = arith.constant 72 : i32
        %dma_start3A_274 = arith.constant 0 : i32
        %dma_start3A_275 = tpu.memref_slice %arg11[%dma_start3A_273, %dma_start3A_274] : memref<128x128xf32, #tpu.memory_space<vmem>> -> memref<8x128xf32, #tpu.memory_space<vmem>>
        %dma_start3A_276 = tpu.memref_slice %arg4[%multiple_of3A_265, %multiple_of3A_268] : memref<64x1000000xf32, #tpu.memory_space<hbm>> -> memref<8x128xf32, #tpu.memory_space<hbm>>
        tpu.enqueue_dma source(%dma_start3A_276 : memref<8x128xf32, #tpu.memory_space<hbm>>) target(%dma_start3A_275 : memref<8x128xf32, #tpu.memory_space<vmem>>) target_semaphore(%arg19 : memref<!tpu.dma_semaphore, #tpu.memory_space<semaphore_mem>>)
        %slice3A_277 = vector.extract_strided_slice %and3A_137 {offsets = [10], sizes = [1], strides = [1]} : vector<16xi32> to vector<1xi32>
        %squeeze3A_278 = vector.extract %slice3A_277[0] : i32 from vector<1xi32>
        %multiple_of3A_279 = tpu.assume_multiple %squeeze3A_278, 8 : i32
        %slice3A_280 = vector.extract_strided_slice %and3A_140 {offsets = [10], sizes = [1], strides = [1]} : vector<16xi32> to vector<1xi32>
        %squeeze3A_281 = vector.extract %slice3A_280[0] : i32 from vector<1xi32>
        %multiple_of3A_282 = tpu.assume_multiple %squeeze3A_281, 128 : i32
        %dma_start3A_283 = arith.constant 80 : i32
        %dma_start3A_284 = arith.constant 0 : i32
        %dma_start3A_285 = tpu.memref_slice %arg11[%dma_start3A_283, %dma_start3A_284] : memref<128x128xf32, #tpu.memory_space<vmem>> -> memref<8x128xf32, #tpu.memory_space<vmem>>
        %dma_start3A_286 = tpu.memref_slice %arg4[%multiple_of3A_279, %multiple_of3A_282] : memref<64x1000000xf32, #tpu.memory_space<hbm>> -> memref<8x128xf32, #tpu.memory_space<hbm>>
        %dma_start3A_287 = arith.constant 80 : i32
        %dma_start3A_288 = arith.constant 0 : i32
        %dma_start3A_289 = tpu.memref_slice %arg11[%dma_start3A_287, %dma_start3A_288] : memref<128x128xf32, #tpu.memory_space<vmem>> -> memref<8x128xf32, #tpu.memory_space<vmem>>
        %dma_start3A_290 = tpu.memref_slice %arg4[%multiple_of3A_279, %multiple_of3A_282] : memref<64x1000000xf32, #tpu.memory_space<hbm>> -> memref<8x128xf32, #tpu.memory_space<hbm>>
        tpu.enqueue_dma source(%dma_start3A_290 : memref<8x128xf32, #tpu.memory_space<hbm>>) target(%dma_start3A_289 : memref<8x128xf32, #tpu.memory_space<vmem>>) target_semaphore(%arg19 : memref<!tpu.dma_semaphore, #tpu.memory_space<semaphore_mem>>)
        %slice3A_291 = vector.extract_strided_slice %and3A_137 {offsets = [11], sizes = [1], strides = [1]} : vector<16xi32> to vector<1xi32>
        %squeeze3A_292 = vector.extract %slice3A_291[0] : i32 from vector<1xi32>
        %multiple_of3A_293 = tpu.assume_multiple %squeeze3A_292, 8 : i32
        %slice3A_294 = vector.extract_strided_slice %and3A_140 {offsets = [11], sizes = [1], strides = [1]} : vector<16xi32> to vector<1xi32>
        %squeeze3A_295 = vector.extract %slice3A_294[0] : i32 from vector<1xi32>
        %multiple_of3A_296 = tpu.assume_multiple %squeeze3A_295, 128 : i32
        %dma_start3A_297 = arith.constant 88 : i32
        %dma_start3A_298 = arith.constant 0 : i32
        %dma_start3A_299 = tpu.memref_slice %arg11[%dma_start3A_297, %dma_start3A_298] : memref<128x128xf32, #tpu.memory_space<vmem>> -> memref<8x128xf32, #tpu.memory_space<vmem>>
        %dma_start3A_300 = tpu.memref_slice %arg4[%multiple_of3A_293, %multiple_of3A_296] : memref<64x1000000xf32, #tpu.memory_space<hbm>> -> memref<8x128xf32, #tpu.memory_space<hbm>>
        %dma_start3A_301 = arith.constant 88 : i32
        %dma_start3A_302 = arith.constant 0 : i32
        %dma_start3A_303 = tpu.memref_slice %arg11[%dma_start3A_301, %dma_start3A_302] : memref<128x128xf32, #tpu.memory_space<vmem>> -> memref<8x128xf32, #tpu.memory_space<vmem>>
        %dma_start3A_304 = tpu.memref_slice %arg4[%multiple_of3A_293, %multiple_of3A_296] : memref<64x1000000xf32, #tpu.memory_space<hbm>> -> memref<8x128xf32, #tpu.memory_space<hbm>>
        tpu.enqueue_dma source(%dma_start3A_304 : memref<8x128xf32, #tpu.memory_space<hbm>>) target(%dma_start3A_303 : memref<8x128xf32, #tpu.memory_space<vmem>>) target_semaphore(%arg19 : memref<!tpu.dma_semaphore, #tpu.memory_space<semaphore_mem>>)
        %slice3A_305 = vector.extract_strided_slice %and3A_137 {offsets = [12], sizes = [1], strides = [1]} : vector<16xi32> to vector<1xi32>
        %squeeze3A_306 = vector.extract %slice3A_305[0] : i32 from vector<1xi32>
        %multiple_of3A_307 = tpu.assume_multiple %squeeze3A_306, 8 : i32
        %slice3A_308 = vector.extract_strided_slice %and3A_140 {offsets = [12], sizes = [1], strides = [1]} : vector<16xi32> to vector<1xi32>
        %squeeze3A_309 = vector.extract %slice3A_308[0] : i32 from vector<1xi32>
        %multiple_of3A_310 = tpu.assume_multiple %squeeze3A_309, 128 : i32
        %dma_start3A_311 = arith.constant 96 : i32
        %dma_start3A_312 = arith.constant 0 : i32
        %dma_start3A_313 = tpu.memref_slice %arg11[%dma_start3A_311, %dma_start3A_312] : memref<128x128xf32, #tpu.memory_space<vmem>> -> memref<8x128xf32, #tpu.memory_space<vmem>>
        %dma_start3A_314 = tpu.memref_slice %arg4[%multiple_of3A_307, %multiple_of3A_310] : memref<64x1000000xf32, #tpu.memory_space<hbm>> -> memref<8x128xf32, #tpu.memory_space<hbm>>
        %dma_start3A_315 = arith.constant 96 : i32
        %dma_start3A_316 = arith.constant 0 : i32
        %dma_start3A_317 = tpu.memref_slice %arg11[%dma_start3A_315, %dma_start3A_316] : memref<128x128xf32, #tpu.memory_space<vmem>> -> memref<8x128xf32, #tpu.memory_space<vmem>>
        %dma_start3A_318 = tpu.memref_slice %arg4[%multiple_of3A_307, %multiple_of3A_310] : memref<64x1000000xf32, #tpu.memory_space<hbm>> -> memref<8x128xf32, #tpu.memory_space<hbm>>
        tpu.enqueue_dma source(%dma_start3A_318 : memref<8x128xf32, #tpu.memory_space<hbm>>) target(%dma_start3A_317 : memref<8x128xf32, #tpu.memory_space<vmem>>) target_semaphore(%arg19 : memref<!tpu.dma_semaphore, #tpu.memory_space<semaphore_mem>>)
        %slice3A_319 = vector.extract_strided_slice %and3A_137 {offsets = [13], sizes = [1], strides = [1]} : vector<16xi32> to vector<1xi32>
        %squeeze3A_320 = vector.extract %slice3A_319[0] : i32 from vector<1xi32>
        %multiple_of3A_321 = tpu.assume_multiple %squeeze3A_320, 8 : i32
        %slice3A_322 = vector.extract_strided_slice %and3A_140 {offsets = [13], sizes = [1], strides = [1]} : vector<16xi32> to vector<1xi32>
        %squeeze3A_323 = vector.extract %slice3A_322[0] : i32 from vector<1xi32>
        %multiple_of3A_324 = tpu.assume_multiple %squeeze3A_323, 128 : i32
        %dma_start3A_325 = arith.constant 104 : i32
        %dma_start3A_326 = arith.constant 0 : i32
        %dma_start3A_327 = tpu.memref_slice %arg11[%dma_start3A_325, %dma_start3A_326] : memref<128x128xf32, #tpu.memory_space<vmem>> -> memref<8x128xf32, #tpu.memory_space<vmem>>
        %dma_start3A_328 = tpu.memref_slice %arg4[%multiple_of3A_321, %multiple_of3A_324] : memref<64x1000000xf32, #tpu.memory_space<hbm>> -> memref<8x128xf32, #tpu.memory_space<hbm>>
        %dma_start3A_329 = arith.constant 104 : i32
        %dma_start3A_330 = arith.constant 0 : i32
        %dma_start3A_331 = tpu.memref_slice %arg11[%dma_start3A_329, %dma_start3A_330] : memref<128x128xf32, #tpu.memory_space<vmem>> -> memref<8x128xf32, #tpu.memory_space<vmem>>
        %dma_start3A_332 = tpu.memref_slice %arg4[%multiple_of3A_321, %multiple_of3A_324] : memref<64x1000000xf32, #tpu.memory_space<hbm>> -> memref<8x128xf32, #tpu.memory_space<hbm>>
        tpu.enqueue_dma source(%dma_start3A_332 : memref<8x128xf32, #tpu.memory_space<hbm>>) target(%dma_start3A_331 : memref<8x128xf32, #tpu.memory_space<vmem>>) target_semaphore(%arg19 : memref<!tpu.dma_semaphore, #tpu.memory_space<semaphore_mem>>)
        %slice3A_333 = vector.extract_strided_slice %and3A_137 {offsets = [14], sizes = [1], strides = [1]} : vector<16xi32> to vector<1xi32>
        %squeeze3A_334 = vector.extract %slice3A_333[0] : i32 from vector<1xi32>
        %multiple_of3A_335 = tpu.assume_multiple %squeeze3A_334, 8 : i32
        %slice3A_336 = vector.extract_strided_slice %and3A_140 {offsets = [14], sizes = [1], strides = [1]} : vector<16xi32> to vector<1xi32>
        %squeeze3A_337 = vector.extract %slice3A_336[0] : i32 from vector<1xi32>
        %multiple_of3A_338 = tpu.assume_multiple %squeeze3A_337, 128 : i32
        %dma_start3A_339 = arith.constant 112 : i32
        %dma_start3A_340 = arith.constant 0 : i32
        %dma_start3A_341 = tpu.memref_slice %arg11[%dma_start3A_339, %dma_start3A_340] : memref<128x128xf32, #tpu.memory_space<vmem>> -> memref<8x128xf32, #tpu.memory_space<vmem>>
        %dma_start3A_342 = tpu.memref_slice %arg4[%multiple_of3A_335, %multiple_of3A_338] : memref<64x1000000xf32, #tpu.memory_space<hbm>> -> memref<8x128xf32, #tpu.memory_space<hbm>>
        %dma_start3A_343 = arith.constant 112 : i32
        %dma_start3A_344 = arith.constant 0 : i32
        %dma_start3A_345 = tpu.memref_slice %arg11[%dma_start3A_343, %dma_start3A_344] : memref<128x128xf32, #tpu.memory_space<vmem>> -> memref<8x128xf32, #tpu.memory_space<vmem>>
        %dma_start3A_346 = tpu.memref_slice %arg4[%multiple_of3A_335, %multiple_of3A_338] : memref<64x1000000xf32, #tpu.memory_space<hbm>> -> memref<8x128xf32, #tpu.memory_space<hbm>>
        tpu.enqueue_dma source(%dma_start3A_346 : memref<8x128xf32, #tpu.memory_space<hbm>>) target(%dma_start3A_345 : memref<8x128xf32, #tpu.memory_space<vmem>>) target_semaphore(%arg19 : memref<!tpu.dma_semaphore, #tpu.memory_space<semaphore_mem>>)
        %slice3A_347 = vector.extract_strided_slice %and3A_137 {offsets = [15], sizes = [1], strides = [1]} : vector<16xi32> to vector<1xi32>
        %squeeze3A_348 = vector.extract %slice3A_347[0] : i32 from vector<1xi32>
        %multiple_of3A_349 = tpu.assume_multiple %squeeze3A_348, 8 : i32
        %slice3A_350 = vector.extract_strided_slice %and3A_140 {offsets = [15], sizes = [1], strides = [1]} : vector<16xi32> to vector<1xi32>
        %squeeze3A_351 = vector.extract %slice3A_350[0] : i32 from vector<1xi32>
        %multiple_of3A_352 = tpu.assume_multiple %squeeze3A_351, 128 : i32
        %dma_start3A_353 = arith.constant 120 : i32
        %dma_start3A_354 = arith.constant 0 : i32
        %dma_start3A_355 = tpu.memref_slice %arg11[%dma_start3A_353, %dma_start3A_354] : memref<128x128xf32, #tpu.memory_space<vmem>> -> memref<8x128xf32, #tpu.memory_space<vmem>>
        %dma_start3A_356 = tpu.memref_slice %arg4[%multiple_of3A_349, %multiple_of3A_352] : memref<64x1000000xf32, #tpu.memory_space<hbm>> -> memref<8x128xf32, #tpu.memory_space<hbm>>
        %dma_start3A_357 = arith.constant 120 : i32
        %dma_start3A_358 = arith.constant 0 : i32
        %dma_start3A_359 = tpu.memref_slice %arg11[%dma_start3A_357, %dma_start3A_358] : memref<128x128xf32, #tpu.memory_space<vmem>> -> memref<8x128xf32, #tpu.memory_space<vmem>>
        %dma_start3A_360 = tpu.memref_slice %arg4[%multiple_of3A_349, %multiple_of3A_352] : memref<64x1000000xf32, #tpu.memory_space<hbm>> -> memref<8x128xf32, #tpu.memory_space<hbm>>
        tpu.enqueue_dma source(%dma_start3A_360 : memref<8x128xf32, #tpu.memory_space<hbm>>) target(%dma_start3A_359 : memref<8x128xf32, #tpu.memory_space<vmem>>) target_semaphore(%arg19 : memref<!tpu.dma_semaphore, #tpu.memory_space<semaphore_mem>>)
      } else {
      }
      %add3A_75 = arith.constant 4 : i32
      %add3A_76 = arith.addi %add3A_11, %add3A_75 : i32
      %ge3A_77 = arith.constant 0 : i32
      %ge3A_78 = arith.cmpi sge, %add3A_76, %ge3A_77 : i32
      %lt3A_79 = arith.constant 32 : i32
      %lt3A_80 = arith.cmpi slt, %add3A_76, %lt3A_79 : i32
      %and3A_81 = arith.andi %ge3A_78, %lt3A_80 : i1
      %convert_element_type3A_82 = arith.extui %and3A_81 : i1 to i32
      %cond3A_83 = arith.constant 0 : i32
      %cond3A_84 = arith.cmpi ne, %convert_element_type3A_82, %cond3A_83 : i32
      scf.if %cond3A_84 {
        %dma_wait3A = arith.constant 0 : i32
        %dma_wait3A_126 = arith.constant 0 : i32
        %dma_wait3A_127 = tpu.memref_slice %arg12[%dma_wait3A, %dma_wait3A_126] : memref<128x128xf32, #tpu.memory_space<vmem>> -> memref<64x128xf32, #tpu.memory_space<vmem>>
        %dma_wait3A_128 = arith.constant 0 : i32
        %dma_wait3A_129 = arith.constant 0 : i32
        %dma_wait3A_130 = tpu.memref_slice %arg4[%dma_wait3A_128, %dma_wait3A_129] : memref<64x1000000xf32, #tpu.memory_space<hbm>> -> memref<64x128xf32, #tpu.memory_space<hbm>>
        %dma_wait3A_131 = arith.constant 0 : i32
        %dma_wait3A_132 = arith.constant 0 : i32
        %dma_wait3A_133 = tpu.memref_slice %arg12[%dma_wait3A_131, %dma_wait3A_132] : memref<128x128xf32, #tpu.memory_space<vmem>> -> memref<64x128xf32, #tpu.memory_space<vmem>>
        %dma_wait3A_134 = arith.constant 0 : i32
        %dma_wait3A_135 = arith.constant 0 : i32
        %dma_wait3A_136 = tpu.memref_slice %arg4[%dma_wait3A_134, %dma_wait3A_135] : memref<64x1000000xf32, #tpu.memory_space<hbm>> -> memref<64x128xf32, #tpu.memory_space<hbm>>
        tpu.wait_dma2 semaphore(%arg20 : memref<!tpu.dma_semaphore, #tpu.memory_space<semaphore_mem>>) src(%dma_wait3A_136 : memref<64x128xf32, #tpu.memory_space<hbm>>) dst(%dma_wait3A_133 : memref<64x128xf32, #tpu.memory_space<vmem>>)
        %dma_wait3A_137 = arith.constant 64 : i32
        %dma_wait3A_138 = arith.constant 0 : i32
        %dma_wait3A_139 = tpu.memref_slice %arg12[%dma_wait3A_137, %dma_wait3A_138] : memref<128x128xf32, #tpu.memory_space<vmem>> -> memref<64x128xf32, #tpu.memory_space<vmem>>
        %dma_wait3A_140 = arith.constant 0 : i32
        %dma_wait3A_141 = arith.constant 0 : i32
        %dma_wait3A_142 = tpu.memref_slice %arg4[%dma_wait3A_140, %dma_wait3A_141] : memref<64x1000000xf32, #tpu.memory_space<hbm>> -> memref<64x128xf32, #tpu.memory_space<hbm>>
        %dma_wait3A_143 = arith.constant 64 : i32
        %dma_wait3A_144 = arith.constant 0 : i32
        %dma_wait3A_145 = tpu.memref_slice %arg12[%dma_wait3A_143, %dma_wait3A_144] : memref<128x128xf32, #tpu.memory_space<vmem>> -> memref<64x128xf32, #tpu.memory_space<vmem>>
        %dma_wait3A_146 = arith.constant 0 : i32
        %dma_wait3A_147 = arith.constant 0 : i32
        %dma_wait3A_148 = tpu.memref_slice %arg4[%dma_wait3A_146, %dma_wait3A_147] : memref<64x1000000xf32, #tpu.memory_space<hbm>> -> memref<64x128xf32, #tpu.memory_space<hbm>>
        tpu.wait_dma2 semaphore(%arg20 : memref<!tpu.dma_semaphore, #tpu.memory_space<semaphore_mem>>) src(%dma_wait3A_148 : memref<64x128xf32, #tpu.memory_space<hbm>>) dst(%dma_wait3A_145 : memref<64x128xf32, #tpu.memory_space<vmem>>)
        %mul3A_149 = arith.constant 16 : i32
        %mul3A_150 = arith.muli %add3A_76, %mul3A_149 : i32
        %get3A = arith.index_cast %mul3A_150 : i32 to index
        %get3A_151 = tpu.vector_load %arg6[%get3A] {strides = array<i32>} : memref<512xi32, #tpu.memory_space<vmem>>, vector<16xi32>,
        %get3A_152 = arith.index_cast %mul3A_150 : i32 to index
        %get3A_153 = tpu.vector_load %arg7[%get3A_152] {strides = array<i32>} : memref<512xi32, #tpu.memory_space<vmem>>, vector<16xi32>,
        %mul3A_154 = arith.constant 8 : i32
        %mul3A_155 = vector.broadcast %mul3A_154 : i32 to vector<16xi32>
        %mul3A_156 = arith.muli %iota3A, %mul3A_155 : vector<16xi32>
        %and3A_157 = arith.constant 7 : i32
        %and3A_158 = vector.broadcast %and3A_157 : i32 to vector<16xi32>
        %and3A_159 = arith.andi %get3A_153, %and3A_158 : vector<16xi32>
        %add3A_160 = arith.addi %mul3A_156, %and3A_159 : vector<16xi32>
        %and3A_161 = arith.constant 127 : i32
        %and3A_162 = vector.broadcast %and3A_161 : i32 to vector<16xi32>
        %and3A_163 = arith.andi %get3A_151, %and3A_162 : vector<16xi32>
        %gather3A = tpu.vector_load_idx %arg12[%add3A_160, %and3A_163] : memref<128x128xf32, #tpu.memory_space<vmem>>[vector<16xi32>, vector<16xi32>], vector<16xf32>,
        %neg3A = arith.constant 0.000000e+00 : f32
        %neg3A_164 = vector.broadcast %neg3A : f32 to vector<16xf32>
        %neg3A_165 = arith.subf %neg3A_164, %gather3A : vector<16xf32>
        %exp3A = math.exp %neg3A_165 : vector<16xf32>
        %add3A_166 = arith.constant 1.000000e+00 : f32
        %add3A_167 = vector.broadcast %add3A_166 : f32 to vector<16xf32>
        %add3A_168 = arith.addf %add3A_167, %exp3A : vector<16xf32>
        %div3A = arith.constant 1.000000e+00 : f32
        %div3A_169 = vector.broadcast %div3A : f32 to vector<16xf32>
        %div3A_170 = arith.divf %div3A_169, %add3A_168 : vector<16xf32>
        %swap3A = arith.index_cast %mul3A_150 : i32 to index
        %swap3A_171 = tpu.vector_load %arg15[%swap3A] {strides = array<i32>} : memref<512xf32, #tpu.memory_space<vmem>>, vector<16xf32>,
        tpu.vector_store %arg15[%swap3A], %div3A_170 {strides = array<i32>} : memref<512xf32, #tpu.memory_space<vmem>>, vector<16xf32>,
      } else {
      }
      %add3A_85 = arith.constant 7 : i32
      %add3A_86 = arith.addi %add3A_76, %add3A_85 : i32
      %lt3A_87 = arith.constant 32 : i32
      %lt3A_88 = arith.cmpi slt, %add3A_86, %lt3A_87 : i32
      %convert_element_type3A_89 = arith.extui %lt3A_88 : i1 to i32
      %cond3A_90 = arith.constant 0 : i32
      %cond3A_91 = arith.cmpi ne, %convert_element_type3A_89, %cond3A_90 : i32
      scf.if %cond3A_91 {
        %add3A_126 = arith.constant 7 : i32
        %add3A_127 = arith.addi %add3A_76, %add3A_126 : i32
        %mul3A_128 = arith.constant 16 : i32
        %mul3A_129 = arith.muli %add3A_127, %mul3A_128 : i32
        %get3A = arith.index_cast %mul3A_129 : i32 to index
        %get3A_130 = tpu.vector_load %arg6[%get3A] {strides = array<i32>} : memref<512xi32, #tpu.memory_space<vmem>>, vector<16xi32>,
        %mul3A_131 = arith.constant 16 : i32
        %mul3A_132 = arith.muli %add3A_127, %mul3A_131 : i32
        %get3A_133 = arith.index_cast %mul3A_132 : i32 to index
        %get3A_134 = tpu.vector_load %arg7[%get3A_133] {strides = array<i32>} : memref<512xi32, #tpu.memory_space<vmem>>, vector<16xi32>,
        %and3A_135 = arith.constant -8 : i32
        %and3A_136 = vector.broadcast %and3A_135 : i32 to vector<16xi32>
        %and3A_137 = arith.andi %get3A_134, %and3A_136 : vector<16xi32>
        %and3A_138 = arith.constant -128 : i32
        %and3A_139 = vector.broadcast %and3A_138 : i32 to vector<16xi32>
        %and3A_140 = arith.andi %get3A_130, %and3A_139 : vector<16xi32>
        %slice3A = vector.extract_strided_slice %and3A_137 {offsets = [0], sizes = [1], strides = [1]} : vector<16xi32> to vector<1xi32>
        %squeeze3A = vector.extract %slice3A[0] : i32 from vector<1xi32>
        %multiple_of3A = tpu.assume_multiple %squeeze3A, 8 : i32
        %slice3A_141 = vector.extract_strided_slice %and3A_140 {offsets = [0], sizes = [1], strides = [1]} : vector<16xi32> to vector<1xi32>
        %squeeze3A_142 = vector.extract %slice3A_141[0] : i32 from vector<1xi32>
        %multiple_of3A_143 = tpu.assume_multiple %squeeze3A_142, 128 : i32
        %dma_start3A = arith.constant 0 : i32
        %dma_start3A_144 = arith.constant 0 : i32
        %dma_start3A_145 = tpu.memref_slice %arg12[%dma_start3A, %dma_start3A_144] : memref<128x128xf32, #tpu.memory_space<vmem>> -> memref<8x128xf32, #tpu.memory_space<vmem>>
        %dma_start3A_146 = tpu.memref_slice %arg4[%multiple_of3A, %multiple_of3A_143] : memref<64x1000000xf32, #tpu.memory_space<hbm>> -> memref<8x128xf32, #tpu.memory_space<hbm>>
        %dma_start3A_147 = arith.constant 0 : i32
        %dma_start3A_148 = arith.constant 0 : i32
        %dma_start3A_149 = tpu.memref_slice %arg12[%dma_start3A_147, %dma_start3A_148] : memref<128x128xf32, #tpu.memory_space<vmem>> -> memref<8x128xf32, #tpu.memory_space<vmem>>
        %dma_start3A_150 = tpu.memref_slice %arg4[%multiple_of3A, %multiple_of3A_143] : memref<64x1000000xf32, #tpu.memory_space<hbm>> -> memref<8x128xf32, #tpu.memory_space<hbm>>
        tpu.enqueue_dma source(%dma_start3A_150 : memref<8x128xf32, #tpu.memory_space<hbm>>) target(%dma_start3A_149 : memref<8x128xf32, #tpu.memory_space<vmem>>) target_semaphore(%arg20 : memref<!tpu.dma_semaphore, #tpu.memory_space<semaphore_mem>>)
        %slice3A_151 = vector.extract_strided_slice %and3A_137 {offsets = [1], sizes = [1], strides = [1]} : vector<16xi32> to vector<1xi32>
        %squeeze3A_152 = vector.extract %slice3A_151[0] : i32 from vector<1xi32>
        %multiple_of3A_153 = tpu.assume_multiple %squeeze3A_152, 8 : i32
        %slice3A_154 = vector.extract_strided_slice %and3A_140 {offsets = [1], sizes = [1], strides = [1]} : vector<16xi32> to vector<1xi32>
        %squeeze3A_155 = vector.extract %slice3A_154[0] : i32 from vector<1xi32>
        %multiple_of3A_156 = tpu.assume_multiple %squeeze3A_155, 128 : i32
        %dma_start3A_157 = arith.constant 8 : i32
        %dma_start3A_158 = arith.constant 0 : i32
        %dma_start3A_159 = tpu.memref_slice %arg12[%dma_start3A_157, %dma_start3A_158] : memref<128x128xf32, #tpu.memory_space<vmem>> -> memref<8x128xf32, #tpu.memory_space<vmem>>
        %dma_start3A_160 = tpu.memref_slice %arg4[%multiple_of3A_153, %multiple_of3A_156] : memref<64x1000000xf32, #tpu.memory_space<hbm>> -> memref<8x128xf32, #tpu.memory_space<hbm>>
        %dma_start3A_161 = arith.constant 8 : i32
        %dma_start3A_162 = arith.constant 0 : i32
        %dma_start3A_163 = tpu.memref_slice %arg12[%dma_start3A_161, %dma_start3A_162] : memref<128x128xf32, #tpu.memory_space<vmem>> -> memref<8x128xf32, #tpu.memory_space<vmem>>
        %dma_start3A_164 = tpu.memref_slice %arg4[%multiple_of3A_153, %multiple_of3A_156] : memref<64x1000000xf32, #tpu.memory_space<hbm>> -> memref<8x128xf32, #tpu.memory_space<hbm>>
        tpu.enqueue_dma source(%dma_start3A_164 : memref<8x128xf32, #tpu.memory_space<hbm>>) target(%dma_start3A_163 : memref<8x128xf32, #tpu.memory_space<vmem>>) target_semaphore(%arg20 : memref<!tpu.dma_semaphore, #tpu.memory_space<semaphore_mem>>)
        %slice3A_165 = vector.extract_strided_slice %and3A_137 {offsets = [2], sizes = [1], strides = [1]} : vector<16xi32> to vector<1xi32>
        %squeeze3A_166 = vector.extract %slice3A_165[0] : i32 from vector<1xi32>
        %multiple_of3A_167 = tpu.assume_multiple %squeeze3A_166, 8 : i32
        %slice3A_168 = vector.extract_strided_slice %and3A_140 {offsets = [2], sizes = [1], strides = [1]} : vector<16xi32> to vector<1xi32>
        %squeeze3A_169 = vector.extract %slice3A_168[0] : i32 from vector<1xi32>
        %multiple_of3A_170 = tpu.assume_multiple %squeeze3A_169, 128 : i32
        %dma_start3A_171 = arith.constant 16 : i32
        %dma_start3A_172 = arith.constant 0 : i32
        %dma_start3A_173 = tpu.memref_slice %arg12[%dma_start3A_171, %dma_start3A_172] : memref<128x128xf32, #tpu.memory_space<vmem>> -> memref<8x128xf32, #tpu.memory_space<vmem>>
        %dma_start3A_174 = tpu.memref_slice %arg4[%multiple_of3A_167, %multiple_of3A_170] : memref<64x1000000xf32, #tpu.memory_space<hbm>> -> memref<8x128xf32, #tpu.memory_space<hbm>>
        %dma_start3A_175 = arith.constant 16 : i32
        %dma_start3A_176 = arith.constant 0 : i32
        %dma_start3A_177 = tpu.memref_slice %arg12[%dma_start3A_175, %dma_start3A_176] : memref<128x128xf32, #tpu.memory_space<vmem>> -> memref<8x128xf32, #tpu.memory_space<vmem>>
        %dma_start3A_178 = tpu.memref_slice %arg4[%multiple_of3A_167, %multiple_of3A_170] : memref<64x1000000xf32, #tpu.memory_space<hbm>> -> memref<8x128xf32, #tpu.memory_space<hbm>>
        tpu.enqueue_dma source(%dma_start3A_178 : memref<8x128xf32, #tpu.memory_space<hbm>>) target(%dma_start3A_177 : memref<8x128xf32, #tpu.memory_space<vmem>>) target_semaphore(%arg20 : memref<!tpu.dma_semaphore, #tpu.memory_space<semaphore_mem>>)
        %slice3A_179 = vector.extract_strided_slice %and3A_137 {offsets = [3], sizes = [1], strides = [1]} : vector<16xi32> to vector<1xi32>
        %squeeze3A_180 = vector.extract %slice3A_179[0] : i32 from vector<1xi32>
        %multiple_of3A_181 = tpu.assume_multiple %squeeze3A_180, 8 : i32
        %slice3A_182 = vector.extract_strided_slice %and3A_140 {offsets = [3], sizes = [1], strides = [1]} : vector<16xi32> to vector<1xi32>
        %squeeze3A_183 = vector.extract %slice3A_182[0] : i32 from vector<1xi32>
        %multiple_of3A_184 = tpu.assume_multiple %squeeze3A_183, 128 : i32
        %dma_start3A_185 = arith.constant 24 : i32
        %dma_start3A_186 = arith.constant 0 : i32
        %dma_start3A_187 = tpu.memref_slice %arg12[%dma_start3A_185, %dma_start3A_186] : memref<128x128xf32, #tpu.memory_space<vmem>> -> memref<8x128xf32, #tpu.memory_space<vmem>>
        %dma_start3A_188 = tpu.memref_slice %arg4[%multiple_of3A_181, %multiple_of3A_184] : memref<64x1000000xf32, #tpu.memory_space<hbm>> -> memref<8x128xf32, #tpu.memory_space<hbm>>
        %dma_start3A_189 = arith.constant 24 : i32
        %dma_start3A_190 = arith.constant 0 : i32
        %dma_start3A_191 = tpu.memref_slice %arg12[%dma_start3A_189, %dma_start3A_190] : memref<128x128xf32, #tpu.memory_space<vmem>> -> memref<8x128xf32, #tpu.memory_space<vmem>>
        %dma_start3A_192 = tpu.memref_slice %arg4[%multiple_of3A_181, %multiple_of3A_184] : memref<64x1000000xf32, #tpu.memory_space<hbm>> -> memref<8x128xf32, #tpu.memory_space<hbm>>
        tpu.enqueue_dma source(%dma_start3A_192 : memref<8x128xf32, #tpu.memory_space<hbm>>) target(%dma_start3A_191 : memref<8x128xf32, #tpu.memory_space<vmem>>) target_semaphore(%arg20 : memref<!tpu.dma_semaphore, #tpu.memory_space<semaphore_mem>>)
        %slice3A_193 = vector.extract_strided_slice %and3A_137 {offsets = [4], sizes = [1], strides = [1]} : vector<16xi32> to vector<1xi32>
        %squeeze3A_194 = vector.extract %slice3A_193[0] : i32 from vector<1xi32>
        %multiple_of3A_195 = tpu.assume_multiple %squeeze3A_194, 8 : i32
        %slice3A_196 = vector.extract_strided_slice %and3A_140 {offsets = [4], sizes = [1], strides = [1]} : vector<16xi32> to vector<1xi32>
        %squeeze3A_197 = vector.extract %slice3A_196[0] : i32 from vector<1xi32>
        %multiple_of3A_198 = tpu.assume_multiple %squeeze3A_197, 128 : i32
        %dma_start3A_199 = arith.constant 32 : i32
        %dma_start3A_200 = arith.constant 0 : i32
        %dma_start3A_201 = tpu.memref_slice %arg12[%dma_start3A_199, %dma_start3A_200] : memref<128x128xf32, #tpu.memory_space<vmem>> -> memref<8x128xf32, #tpu.memory_space<vmem>>
        %dma_start3A_202 = tpu.memref_slice %arg4[%multiple_of3A_195, %multiple_of3A_198] : memref<64x1000000xf32, #tpu.memory_space<hbm>> -> memref<8x128xf32, #tpu.memory_space<hbm>>
        %dma_start3A_203 = arith.constant 32 : i32
        %dma_start3A_204 = arith.constant 0 : i32
        %dma_start3A_205 = tpu.memref_slice %arg12[%dma_start3A_203, %dma_start3A_204] : memref<128x128xf32, #tpu.memory_space<vmem>> -> memref<8x128xf32, #tpu.memory_space<vmem>>
        %dma_start3A_206 = tpu.memref_slice %arg4[%multiple_of3A_195, %multiple_of3A_198] : memref<64x1000000xf32, #tpu.memory_space<hbm>> -> memref<8x128xf32, #tpu.memory_space<hbm>>
        tpu.enqueue_dma source(%dma_start3A_206 : memref<8x128xf32, #tpu.memory_space<hbm>>) target(%dma_start3A_205 : memref<8x128xf32, #tpu.memory_space<vmem>>) target_semaphore(%arg20 : memref<!tpu.dma_semaphore, #tpu.memory_space<semaphore_mem>>)
        %slice3A_207 = vector.extract_strided_slice %and3A_137 {offsets = [5], sizes = [1], strides = [1]} : vector<16xi32> to vector<1xi32>
        %squeeze3A_208 = vector.extract %slice3A_207[0] : i32 from vector<1xi32>
        %multiple_of3A_209 = tpu.assume_multiple %squeeze3A_208, 8 : i32
        %slice3A_210 = vector.extract_strided_slice %and3A_140 {offsets = [5], sizes = [1], strides = [1]} : vector<16xi32> to vector<1xi32>
        %squeeze3A_211 = vector.extract %slice3A_210[0] : i32 from vector<1xi32>
        %multiple_of3A_212 = tpu.assume_multiple %squeeze3A_211, 128 : i32
        %dma_start3A_213 = arith.constant 40 : i32
        %dma_start3A_214 = arith.constant 0 : i32
        %dma_start3A_215 = tpu.memref_slice %arg12[%dma_start3A_213, %dma_start3A_214] : memref<128x128xf32, #tpu.memory_space<vmem>> -> memref<8x128xf32, #tpu.memory_space<vmem>>
        %dma_start3A_216 = tpu.memref_slice %arg4[%multiple_of3A_209, %multiple_of3A_212] : memref<64x1000000xf32, #tpu.memory_space<hbm>> -> memref<8x128xf32, #tpu.memory_space<hbm>>
        %dma_start3A_217 = arith.constant 40 : i32
        %dma_start3A_218 = arith.constant 0 : i32
        %dma_start3A_219 = tpu.memref_slice %arg12[%dma_start3A_217, %dma_start3A_218] : memref<128x128xf32, #tpu.memory_space<vmem>> -> memref<8x128xf32, #tpu.memory_space<vmem>>
        %dma_start3A_220 = tpu.memref_slice %arg4[%multiple_of3A_209, %multiple_of3A_212] : memref<64x1000000xf32, #tpu.memory_space<hbm>> -> memref<8x128xf32, #tpu.memory_space<hbm>>
        tpu.enqueue_dma source(%dma_start3A_220 : memref<8x128xf32, #tpu.memory_space<hbm>>) target(%dma_start3A_219 : memref<8x128xf32, #tpu.memory_space<vmem>>) target_semaphore(%arg20 : memref<!tpu.dma_semaphore, #tpu.memory_space<semaphore_mem>>)
        %slice3A_221 = vector.extract_strided_slice %and3A_137 {offsets = [6], sizes = [1], strides = [1]} : vector<16xi32> to vector<1xi32>
        %squeeze3A_222 = vector.extract %slice3A_221[0] : i32 from vector<1xi32>
        %multiple_of3A_223 = tpu.assume_multiple %squeeze3A_222, 8 : i32
        %slice3A_224 = vector.extract_strided_slice %and3A_140 {offsets = [6], sizes = [1], strides = [1]} : vector<16xi32> to vector<1xi32>
        %squeeze3A_225 = vector.extract %slice3A_224[0] : i32 from vector<1xi32>
        %multiple_of3A_226 = tpu.assume_multiple %squeeze3A_225, 128 : i32
        %dma_start3A_227 = arith.constant 48 : i32
        %dma_start3A_228 = arith.constant 0 : i32
        %dma_start3A_229 = tpu.memref_slice %arg12[%dma_start3A_227, %dma_start3A_228] : memref<128x128xf32, #tpu.memory_space<vmem>> -> memref<8x128xf32, #tpu.memory_space<vmem>>
        %dma_start3A_230 = tpu.memref_slice %arg4[%multiple_of3A_223, %multiple_of3A_226] : memref<64x1000000xf32, #tpu.memory_space<hbm>> -> memref<8x128xf32, #tpu.memory_space<hbm>>
        %dma_start3A_231 = arith.constant 48 : i32
        %dma_start3A_232 = arith.constant 0 : i32
        %dma_start3A_233 = tpu.memref_slice %arg12[%dma_start3A_231, %dma_start3A_232] : memref<128x128xf32, #tpu.memory_space<vmem>> -> memref<8x128xf32, #tpu.memory_space<vmem>>
        %dma_start3A_234 = tpu.memref_slice %arg4[%multiple_of3A_223, %multiple_of3A_226] : memref<64x1000000xf32, #tpu.memory_space<hbm>> -> memref<8x128xf32, #tpu.memory_space<hbm>>
        tpu.enqueue_dma source(%dma_start3A_234 : memref<8x128xf32, #tpu.memory_space<hbm>>) target(%dma_start3A_233 : memref<8x128xf32, #tpu.memory_space<vmem>>) target_semaphore(%arg20 : memref<!tpu.dma_semaphore, #tpu.memory_space<semaphore_mem>>)
        %slice3A_235 = vector.extract_strided_slice %and3A_137 {offsets = [7], sizes = [1], strides = [1]} : vector<16xi32> to vector<1xi32>
        %squeeze3A_236 = vector.extract %slice3A_235[0] : i32 from vector<1xi32>
        %multiple_of3A_237 = tpu.assume_multiple %squeeze3A_236, 8 : i32
        %slice3A_238 = vector.extract_strided_slice %and3A_140 {offsets = [7], sizes = [1], strides = [1]} : vector<16xi32> to vector<1xi32>
        %squeeze3A_239 = vector.extract %slice3A_238[0] : i32 from vector<1xi32>
        %multiple_of3A_240 = tpu.assume_multiple %squeeze3A_239, 128 : i32
        %dma_start3A_241 = arith.constant 56 : i32
        %dma_start3A_242 = arith.constant 0 : i32
        %dma_start3A_243 = tpu.memref_slice %arg12[%dma_start3A_241, %dma_start3A_242] : memref<128x128xf32, #tpu.memory_space<vmem>> -> memref<8x128xf32, #tpu.memory_space<vmem>>
        %dma_start3A_244 = tpu.memref_slice %arg4[%multiple_of3A_237, %multiple_of3A_240] : memref<64x1000000xf32, #tpu.memory_space<hbm>> -> memref<8x128xf32, #tpu.memory_space<hbm>>
        %dma_start3A_245 = arith.constant 56 : i32
        %dma_start3A_246 = arith.constant 0 : i32
        %dma_start3A_247 = tpu.memref_slice %arg12[%dma_start3A_245, %dma_start3A_246] : memref<128x128xf32, #tpu.memory_space<vmem>> -> memref<8x128xf32, #tpu.memory_space<vmem>>
        %dma_start3A_248 = tpu.memref_slice %arg4[%multiple_of3A_237, %multiple_of3A_240] : memref<64x1000000xf32, #tpu.memory_space<hbm>> -> memref<8x128xf32, #tpu.memory_space<hbm>>
        tpu.enqueue_dma source(%dma_start3A_248 : memref<8x128xf32, #tpu.memory_space<hbm>>) target(%dma_start3A_247 : memref<8x128xf32, #tpu.memory_space<vmem>>) target_semaphore(%arg20 : memref<!tpu.dma_semaphore, #tpu.memory_space<semaphore_mem>>)
        %slice3A_249 = vector.extract_strided_slice %and3A_137 {offsets = [8], sizes = [1], strides = [1]} : vector<16xi32> to vector<1xi32>
        %squeeze3A_250 = vector.extract %slice3A_249[0] : i32 from vector<1xi32>
        %multiple_of3A_251 = tpu.assume_multiple %squeeze3A_250, 8 : i32
        %slice3A_252 = vector.extract_strided_slice %and3A_140 {offsets = [8], sizes = [1], strides = [1]} : vector<16xi32> to vector<1xi32>
        %squeeze3A_253 = vector.extract %slice3A_252[0] : i32 from vector<1xi32>
        %multiple_of3A_254 = tpu.assume_multiple %squeeze3A_253, 128 : i32
        %dma_start3A_255 = arith.constant 64 : i32
        %dma_start3A_256 = arith.constant 0 : i32
        %dma_start3A_257 = tpu.memref_slice %arg12[%dma_start3A_255, %dma_start3A_256] : memref<128x128xf32, #tpu.memory_space<vmem>> -> memref<8x128xf32, #tpu.memory_space<vmem>>
        %dma_start3A_258 = tpu.memref_slice %arg4[%multiple_of3A_251, %multiple_of3A_254] : memref<64x1000000xf32, #tpu.memory_space<hbm>> -> memref<8x128xf32, #tpu.memory_space<hbm>>
        %dma_start3A_259 = arith.constant 64 : i32
        %dma_start3A_260 = arith.constant 0 : i32
        %dma_start3A_261 = tpu.memref_slice %arg12[%dma_start3A_259, %dma_start3A_260] : memref<128x128xf32, #tpu.memory_space<vmem>> -> memref<8x128xf32, #tpu.memory_space<vmem>>
        %dma_start3A_262 = tpu.memref_slice %arg4[%multiple_of3A_251, %multiple_of3A_254] : memref<64x1000000xf32, #tpu.memory_space<hbm>> -> memref<8x128xf32, #tpu.memory_space<hbm>>
        tpu.enqueue_dma source(%dma_start3A_262 : memref<8x128xf32, #tpu.memory_space<hbm>>) target(%dma_start3A_261 : memref<8x128xf32, #tpu.memory_space<vmem>>) target_semaphore(%arg20 : memref<!tpu.dma_semaphore, #tpu.memory_space<semaphore_mem>>)
        %slice3A_263 = vector.extract_strided_slice %and3A_137 {offsets = [9], sizes = [1], strides = [1]} : vector<16xi32> to vector<1xi32>
        %squeeze3A_264 = vector.extract %slice3A_263[0] : i32 from vector<1xi32>
        %multiple_of3A_265 = tpu.assume_multiple %squeeze3A_264, 8 : i32
        %slice3A_266 = vector.extract_strided_slice %and3A_140 {offsets = [9], sizes = [1], strides = [1]} : vector<16xi32> to vector<1xi32>
        %squeeze3A_267 = vector.extract %slice3A_266[0] : i32 from vector<1xi32>
        %multiple_of3A_268 = tpu.assume_multiple %squeeze3A_267, 128 : i32
        %dma_start3A_269 = arith.constant 72 : i32
        %dma_start3A_270 = arith.constant 0 : i32
        %dma_start3A_271 = tpu.memref_slice %arg12[%dma_start3A_269, %dma_start3A_270] : memref<128x128xf32, #tpu.memory_space<vmem>> -> memref<8x128xf32, #tpu.memory_space<vmem>>
        %dma_start3A_272 = tpu.memref_slice %arg4[%multiple_of3A_265, %multiple_of3A_268] : memref<64x1000000xf32, #tpu.memory_space<hbm>> -> memref<8x128xf32, #tpu.memory_space<hbm>>
        %dma_start3A_273 = arith.constant 72 : i32
        %dma_start3A_274 = arith.constant 0 : i32
        %dma_start3A_275 = tpu.memref_slice %arg12[%dma_start3A_273, %dma_start3A_274] : memref<128x128xf32, #tpu.memory_space<vmem>> -> memref<8x128xf32, #tpu.memory_space<vmem>>
        %dma_start3A_276 = tpu.memref_slice %arg4[%multiple_of3A_265, %multiple_of3A_268] : memref<64x1000000xf32, #tpu.memory_space<hbm>> -> memref<8x128xf32, #tpu.memory_space<hbm>>
        tpu.enqueue_dma source(%dma_start3A_276 : memref<8x128xf32, #tpu.memory_space<hbm>>) target(%dma_start3A_275 : memref<8x128xf32, #tpu.memory_space<vmem>>) target_semaphore(%arg20 : memref<!tpu.dma_semaphore, #tpu.memory_space<semaphore_mem>>)
        %slice3A_277 = vector.extract_strided_slice %and3A_137 {offsets = [10], sizes = [1], strides = [1]} : vector<16xi32> to vector<1xi32>
        %squeeze3A_278 = vector.extract %slice3A_277[0] : i32 from vector<1xi32>
        %multiple_of3A_279 = tpu.assume_multiple %squeeze3A_278, 8 : i32
        %slice3A_280 = vector.extract_strided_slice %and3A_140 {offsets = [10], sizes = [1], strides = [1]} : vector<16xi32> to vector<1xi32>
        %squeeze3A_281 = vector.extract %slice3A_280[0] : i32 from vector<1xi32>
        %multiple_of3A_282 = tpu.assume_multiple %squeeze3A_281, 128 : i32
        %dma_start3A_283 = arith.constant 80 : i32
        %dma_start3A_284 = arith.constant 0 : i32
        %dma_start3A_285 = tpu.memref_slice %arg12[%dma_start3A_283, %dma_start3A_284] : memref<128x128xf32, #tpu.memory_space<vmem>> -> memref<8x128xf32, #tpu.memory_space<vmem>>
        %dma_start3A_286 = tpu.memref_slice %arg4[%multiple_of3A_279, %multiple_of3A_282] : memref<64x1000000xf32, #tpu.memory_space<hbm>> -> memref<8x128xf32, #tpu.memory_space<hbm>>
        %dma_start3A_287 = arith.constant 80 : i32
        %dma_start3A_288 = arith.constant 0 : i32
        %dma_start3A_289 = tpu.memref_slice %arg12[%dma_start3A_287, %dma_start3A_288] : memref<128x128xf32, #tpu.memory_space<vmem>> -> memref<8x128xf32, #tpu.memory_space<vmem>>
        %dma_start3A_290 = tpu.memref_slice %arg4[%multiple_of3A_279, %multiple_of3A_282] : memref<64x1000000xf32, #tpu.memory_space<hbm>> -> memref<8x128xf32, #tpu.memory_space<hbm>>
        tpu.enqueue_dma source(%dma_start3A_290 : memref<8x128xf32, #tpu.memory_space<hbm>>) target(%dma_start3A_289 : memref<8x128xf32, #tpu.memory_space<vmem>>) target_semaphore(%arg20 : memref<!tpu.dma_semaphore, #tpu.memory_space<semaphore_mem>>)
        %slice3A_291 = vector.extract_strided_slice %and3A_137 {offsets = [11], sizes = [1], strides = [1]} : vector<16xi32> to vector<1xi32>
        %squeeze3A_292 = vector.extract %slice3A_291[0] : i32 from vector<1xi32>
        %multiple_of3A_293 = tpu.assume_multiple %squeeze3A_292, 8 : i32
        %slice3A_294 = vector.extract_strided_slice %and3A_140 {offsets = [11], sizes = [1], strides = [1]} : vector<16xi32> to vector<1xi32>
        %squeeze3A_295 = vector.extract %slice3A_294[0] : i32 from vector<1xi32>
        %multiple_of3A_296 = tpu.assume_multiple %squeeze3A_295, 128 : i32
        %dma_start3A_297 = arith.constant 88 : i32
        %dma_start3A_298 = arith.constant 0 : i32
        %dma_start3A_299 = tpu.memref_slice %arg12[%dma_start3A_297, %dma_start3A_298] : memref<128x128xf32, #tpu.memory_space<vmem>> -> memref<8x128xf32, #tpu.memory_space<vmem>>
        %dma_start3A_300 = tpu.memref_slice %arg4[%multiple_of3A_293, %multiple_of3A_296] : memref<64x1000000xf32, #tpu.memory_space<hbm>> -> memref<8x128xf32, #tpu.memory_space<hbm>>
        %dma_start3A_301 = arith.constant 88 : i32
        %dma_start3A_302 = arith.constant 0 : i32
        %dma_start3A_303 = tpu.memref_slice %arg12[%dma_start3A_301, %dma_start3A_302] : memref<128x128xf32, #tpu.memory_space<vmem>> -> memref<8x128xf32, #tpu.memory_space<vmem>>
        %dma_start3A_304 = tpu.memref_slice %arg4[%multiple_of3A_293, %multiple_of3A_296] : memref<64x1000000xf32, #tpu.memory_space<hbm>> -> memref<8x128xf32, #tpu.memory_space<hbm>>
        tpu.enqueue_dma source(%dma_start3A_304 : memref<8x128xf32, #tpu.memory_space<hbm>>) target(%dma_start3A_303 : memref<8x128xf32, #tpu.memory_space<vmem>>) target_semaphore(%arg20 : memref<!tpu.dma_semaphore, #tpu.memory_space<semaphore_mem>>)
        %slice3A_305 = vector.extract_strided_slice %and3A_137 {offsets = [12], sizes = [1], strides = [1]} : vector<16xi32> to vector<1xi32>
        %squeeze3A_306 = vector.extract %slice3A_305[0] : i32 from vector<1xi32>
        %multiple_of3A_307 = tpu.assume_multiple %squeeze3A_306, 8 : i32
        %slice3A_308 = vector.extract_strided_slice %and3A_140 {offsets = [12], sizes = [1], strides = [1]} : vector<16xi32> to vector<1xi32>
        %squeeze3A_309 = vector.extract %slice3A_308[0] : i32 from vector<1xi32>
        %multiple_of3A_310 = tpu.assume_multiple %squeeze3A_309, 128 : i32
        %dma_start3A_311 = arith.constant 96 : i32
        %dma_start3A_312 = arith.constant 0 : i32
        %dma_start3A_313 = tpu.memref_slice %arg12[%dma_start3A_311, %dma_start3A_312] : memref<128x128xf32, #tpu.memory_space<vmem>> -> memref<8x128xf32, #tpu.memory_space<vmem>>
        %dma_start3A_314 = tpu.memref_slice %arg4[%multiple_of3A_307, %multiple_of3A_310] : memref<64x1000000xf32, #tpu.memory_space<hbm>> -> memref<8x128xf32, #tpu.memory_space<hbm>>
        %dma_start3A_315 = arith.constant 96 : i32
        %dma_start3A_316 = arith.constant 0 : i32
        %dma_start3A_317 = tpu.memref_slice %arg12[%dma_start3A_315, %dma_start3A_316] : memref<128x128xf32, #tpu.memory_space<vmem>> -> memref<8x128xf32, #tpu.memory_space<vmem>>
        %dma_start3A_318 = tpu.memref_slice %arg4[%multiple_of3A_307, %multiple_of3A_310] : memref<64x1000000xf32, #tpu.memory_space<hbm>> -> memref<8x128xf32, #tpu.memory_space<hbm>>
        tpu.enqueue_dma source(%dma_start3A_318 : memref<8x128xf32, #tpu.memory_space<hbm>>) target(%dma_start3A_317 : memref<8x128xf32, #tpu.memory_space<vmem>>) target_semaphore(%arg20 : memref<!tpu.dma_semaphore, #tpu.memory_space<semaphore_mem>>)
        %slice3A_319 = vector.extract_strided_slice %and3A_137 {offsets = [13], sizes = [1], strides = [1]} : vector<16xi32> to vector<1xi32>
        %squeeze3A_320 = vector.extract %slice3A_319[0] : i32 from vector<1xi32>
        %multiple_of3A_321 = tpu.assume_multiple %squeeze3A_320, 8 : i32
        %slice3A_322 = vector.extract_strided_slice %and3A_140 {offsets = [13], sizes = [1], strides = [1]} : vector<16xi32> to vector<1xi32>
        %squeeze3A_323 = vector.extract %slice3A_322[0] : i32 from vector<1xi32>
        %multiple_of3A_324 = tpu.assume_multiple %squeeze3A_323, 128 : i32
        %dma_start3A_325 = arith.constant 104 : i32
        %dma_start3A_326 = arith.constant 0 : i32
        %dma_start3A_327 = tpu.memref_slice %arg12[%dma_start3A_325, %dma_start3A_326] : memref<128x128xf32, #tpu.memory_space<vmem>> -> memref<8x128xf32, #tpu.memory_space<vmem>>
        %dma_start3A_328 = tpu.memref_slice %arg4[%multiple_of3A_321, %multiple_of3A_324] : memref<64x1000000xf32, #tpu.memory_space<hbm>> -> memref<8x128xf32, #tpu.memory_space<hbm>>
        %dma_start3A_329 = arith.constant 104 : i32
        %dma_start3A_330 = arith.constant 0 : i32
        %dma_start3A_331 = tpu.memref_slice %arg12[%dma_start3A_329, %dma_start3A_330] : memref<128x128xf32, #tpu.memory_space<vmem>> -> memref<8x128xf32, #tpu.memory_space<vmem>>
        %dma_start3A_332 = tpu.memref_slice %arg4[%multiple_of3A_321, %multiple_of3A_324] : memref<64x1000000xf32, #tpu.memory_space<hbm>> -> memref<8x128xf32, #tpu.memory_space<hbm>>
        tpu.enqueue_dma source(%dma_start3A_332 : memref<8x128xf32, #tpu.memory_space<hbm>>) target(%dma_start3A_331 : memref<8x128xf32, #tpu.memory_space<vmem>>) target_semaphore(%arg20 : memref<!tpu.dma_semaphore, #tpu.memory_space<semaphore_mem>>)
        %slice3A_333 = vector.extract_strided_slice %and3A_137 {offsets = [14], sizes = [1], strides = [1]} : vector<16xi32> to vector<1xi32>
        %squeeze3A_334 = vector.extract %slice3A_333[0] : i32 from vector<1xi32>
        %multiple_of3A_335 = tpu.assume_multiple %squeeze3A_334, 8 : i32
        %slice3A_336 = vector.extract_strided_slice %and3A_140 {offsets = [14], sizes = [1], strides = [1]} : vector<16xi32> to vector<1xi32>
        %squeeze3A_337 = vector.extract %slice3A_336[0] : i32 from vector<1xi32>
        %multiple_of3A_338 = tpu.assume_multiple %squeeze3A_337, 128 : i32
        %dma_start3A_339 = arith.constant 112 : i32
        %dma_start3A_340 = arith.constant 0 : i32
        %dma_start3A_341 = tpu.memref_slice %arg12[%dma_start3A_339, %dma_start3A_340] : memref<128x128xf32, #tpu.memory_space<vmem>> -> memref<8x128xf32, #tpu.memory_space<vmem>>
        %dma_start3A_342 = tpu.memref_slice %arg4[%multiple_of3A_335, %multiple_of3A_338] : memref<64x1000000xf32, #tpu.memory_space<hbm>> -> memref<8x128xf32, #tpu.memory_space<hbm>>
        %dma_start3A_343 = arith.constant 112 : i32
        %dma_start3A_344 = arith.constant 0 : i32
        %dma_start3A_345 = tpu.memref_slice %arg12[%dma_start3A_343, %dma_start3A_344] : memref<128x128xf32, #tpu.memory_space<vmem>> -> memref<8x128xf32, #tpu.memory_space<vmem>>
        %dma_start3A_346 = tpu.memref_slice %arg4[%multiple_of3A_335, %multiple_of3A_338] : memref<64x1000000xf32, #tpu.memory_space<hbm>> -> memref<8x128xf32, #tpu.memory_space<hbm>>
        tpu.enqueue_dma source(%dma_start3A_346 : memref<8x128xf32, #tpu.memory_space<hbm>>) target(%dma_start3A_345 : memref<8x128xf32, #tpu.memory_space<vmem>>) target_semaphore(%arg20 : memref<!tpu.dma_semaphore, #tpu.memory_space<semaphore_mem>>)
        %slice3A_347 = vector.extract_strided_slice %and3A_137 {offsets = [15], sizes = [1], strides = [1]} : vector<16xi32> to vector<1xi32>
        %squeeze3A_348 = vector.extract %slice3A_347[0] : i32 from vector<1xi32>
        %multiple_of3A_349 = tpu.assume_multiple %squeeze3A_348, 8 : i32
        %slice3A_350 = vector.extract_strided_slice %and3A_140 {offsets = [15], sizes = [1], strides = [1]} : vector<16xi32> to vector<1xi32>
        %squeeze3A_351 = vector.extract %slice3A_350[0] : i32 from vector<1xi32>
        %multiple_of3A_352 = tpu.assume_multiple %squeeze3A_351, 128 : i32
        %dma_start3A_353 = arith.constant 120 : i32
        %dma_start3A_354 = arith.constant 0 : i32
        %dma_start3A_355 = tpu.memref_slice %arg12[%dma_start3A_353, %dma_start3A_354] : memref<128x128xf32, #tpu.memory_space<vmem>> -> memref<8x128xf32, #tpu.memory_space<vmem>>
        %dma_start3A_356 = tpu.memref_slice %arg4[%multiple_of3A_349, %multiple_of3A_352] : memref<64x1000000xf32, #tpu.memory_space<hbm>> -> memref<8x128xf32, #tpu.memory_space<hbm>>
        %dma_start3A_357 = arith.constant 120 : i32
        %dma_start3A_358 = arith.constant 0 : i32
        %dma_start3A_359 = tpu.memref_slice %arg12[%dma_start3A_357, %dma_start3A_358] : memref<128x128xf32, #tpu.memory_space<vmem>> -> memref<8x128xf32, #tpu.memory_space<vmem>>
        %dma_start3A_360 = tpu.memref_slice %arg4[%multiple_of3A_349, %multiple_of3A_352] : memref<64x1000000xf32, #tpu.memory_space<hbm>> -> memref<8x128xf32, #tpu.memory_space<hbm>>
        tpu.enqueue_dma source(%dma_start3A_360 : memref<8x128xf32, #tpu.memory_space<hbm>>) target(%dma_start3A_359 : memref<8x128xf32, #tpu.memory_space<vmem>>) target_semaphore(%arg20 : memref<!tpu.dma_semaphore, #tpu.memory_space<semaphore_mem>>)
      } else {
      }
      %add3A_92 = arith.constant 5 : i32
      %add3A_93 = arith.addi %add3A_11, %add3A_92 : i32
      %ge3A_94 = arith.constant 0 : i32
      %ge3A_95 = arith.cmpi sge, %add3A_93, %ge3A_94 : i32
      %lt3A_96 = arith.constant 32 : i32
      %lt3A_97 = arith.cmpi slt, %add3A_93, %lt3A_96 : i32
      %and3A_98 = arith.andi %ge3A_95, %lt3A_97 : i1
      %convert_element_type3A_99 = arith.extui %and3A_98 : i1 to i32
      %cond3A_100 = arith.constant 0 : i32
      %cond3A_101 = arith.cmpi ne, %convert_element_type3A_99, %cond3A_100 : i32
      scf.if %cond3A_101 {
        %dma_wait3A = arith.constant 0 : i32
        %dma_wait3A_126 = arith.constant 0 : i32
        %dma_wait3A_127 = tpu.memref_slice %arg13[%dma_wait3A, %dma_wait3A_126] : memref<128x128xf32, #tpu.memory_space<vmem>> -> memref<64x128xf32, #tpu.memory_space<vmem>>
        %dma_wait3A_128 = arith.constant 0 : i32
        %dma_wait3A_129 = arith.constant 0 : i32
        %dma_wait3A_130 = tpu.memref_slice %arg4[%dma_wait3A_128, %dma_wait3A_129] : memref<64x1000000xf32, #tpu.memory_space<hbm>> -> memref<64x128xf32, #tpu.memory_space<hbm>>
        %dma_wait3A_131 = arith.constant 0 : i32
        %dma_wait3A_132 = arith.constant 0 : i32
        %dma_wait3A_133 = tpu.memref_slice %arg13[%dma_wait3A_131, %dma_wait3A_132] : memref<128x128xf32, #tpu.memory_space<vmem>> -> memref<64x128xf32, #tpu.memory_space<vmem>>
        %dma_wait3A_134 = arith.constant 0 : i32
        %dma_wait3A_135 = arith.constant 0 : i32
        %dma_wait3A_136 = tpu.memref_slice %arg4[%dma_wait3A_134, %dma_wait3A_135] : memref<64x1000000xf32, #tpu.memory_space<hbm>> -> memref<64x128xf32, #tpu.memory_space<hbm>>
        tpu.wait_dma2 semaphore(%arg21 : memref<!tpu.dma_semaphore, #tpu.memory_space<semaphore_mem>>) src(%dma_wait3A_136 : memref<64x128xf32, #tpu.memory_space<hbm>>) dst(%dma_wait3A_133 : memref<64x128xf32, #tpu.memory_space<vmem>>)
        %dma_wait3A_137 = arith.constant 64 : i32
        %dma_wait3A_138 = arith.constant 0 : i32
        %dma_wait3A_139 = tpu.memref_slice %arg13[%dma_wait3A_137, %dma_wait3A_138] : memref<128x128xf32, #tpu.memory_space<vmem>> -> memref<64x128xf32, #tpu.memory_space<vmem>>
        %dma_wait3A_140 = arith.constant 0 : i32
        %dma_wait3A_141 = arith.constant 0 : i32
        %dma_wait3A_142 = tpu.memref_slice %arg4[%dma_wait3A_140, %dma_wait3A_141] : memref<64x1000000xf32, #tpu.memory_space<hbm>> -> memref<64x128xf32, #tpu.memory_space<hbm>>
        %dma_wait3A_143 = arith.constant 64 : i32
        %dma_wait3A_144 = arith.constant 0 : i32
        %dma_wait3A_145 = tpu.memref_slice %arg13[%dma_wait3A_143, %dma_wait3A_144] : memref<128x128xf32, #tpu.memory_space<vmem>> -> memref<64x128xf32, #tpu.memory_space<vmem>>
        %dma_wait3A_146 = arith.constant 0 : i32
        %dma_wait3A_147 = arith.constant 0 : i32
        %dma_wait3A_148 = tpu.memref_slice %arg4[%dma_wait3A_146, %dma_wait3A_147] : memref<64x1000000xf32, #tpu.memory_space<hbm>> -> memref<64x128xf32, #tpu.memory_space<hbm>>
        tpu.wait_dma2 semaphore(%arg21 : memref<!tpu.dma_semaphore, #tpu.memory_space<semaphore_mem>>) src(%dma_wait3A_148 : memref<64x128xf32, #tpu.memory_space<hbm>>) dst(%dma_wait3A_145 : memref<64x128xf32, #tpu.memory_space<vmem>>)
        %mul3A_149 = arith.constant 16 : i32
        %mul3A_150 = arith.muli %add3A_93, %mul3A_149 : i32
        %get3A = arith.index_cast %mul3A_150 : i32 to index
        %get3A_151 = tpu.vector_load %arg6[%get3A] {strides = array<i32>} : memref<512xi32, #tpu.memory_space<vmem>>, vector<16xi32>,
        %get3A_152 = arith.index_cast %mul3A_150 : i32 to index
        %get3A_153 = tpu.vector_load %arg7[%get3A_152] {strides = array<i32>} : memref<512xi32, #tpu.memory_space<vmem>>, vector<16xi32>,
        %mul3A_154 = arith.constant 8 : i32
        %mul3A_155 = vector.broadcast %mul3A_154 : i32 to vector<16xi32>
        %mul3A_156 = arith.muli %iota3A, %mul3A_155 : vector<16xi32>
        %and3A_157 = arith.constant 7 : i32
        %and3A_158 = vector.broadcast %and3A_157 : i32 to vector<16xi32>
        %and3A_159 = arith.andi %get3A_153, %and3A_158 : vector<16xi32>
        %add3A_160 = arith.addi %mul3A_156, %and3A_159 : vector<16xi32>
        %and3A_161 = arith.constant 127 : i32
        %and3A_162 = vector.broadcast %and3A_161 : i32 to vector<16xi32>
        %and3A_163 = arith.andi %get3A_151, %and3A_162 : vector<16xi32>
        %gather3A = tpu.vector_load_idx %arg13[%add3A_160, %and3A_163] : memref<128x128xf32, #tpu.memory_space<vmem>>[vector<16xi32>, vector<16xi32>], vector<16xf32>,
        %neg3A = arith.constant 0.000000e+00 : f32
        %neg3A_164 = vector.broadcast %neg3A : f32 to vector<16xf32>
        %neg3A_165 = arith.subf %neg3A_164, %gather3A : vector<16xf32>
        %exp3A = math.exp %neg3A_165 : vector<16xf32>
        %add3A_166 = arith.constant 1.000000e+00 : f32
        %add3A_167 = vector.broadcast %add3A_166 : f32 to vector<16xf32>
        %add3A_168 = arith.addf %add3A_167, %exp3A : vector<16xf32>
        %div3A = arith.constant 1.000000e+00 : f32
        %div3A_169 = vector.broadcast %div3A : f32 to vector<16xf32>
        %div3A_170 = arith.divf %div3A_169, %add3A_168 : vector<16xf32>
        %swap3A = arith.index_cast %mul3A_150 : i32 to index
        %swap3A_171 = tpu.vector_load %arg15[%swap3A] {strides = array<i32>} : memref<512xf32, #tpu.memory_space<vmem>>, vector<16xf32>,
        tpu.vector_store %arg15[%swap3A], %div3A_170 {strides = array<i32>} : memref<512xf32, #tpu.memory_space<vmem>>, vector<16xf32>,
      } else {
      }
      %add3A_102 = arith.constant 7 : i32
      %add3A_103 = arith.addi %add3A_93, %add3A_102 : i32
      %lt3A_104 = arith.constant 32 : i32
      %lt3A_105 = arith.cmpi slt, %add3A_103, %lt3A_104 : i32
      %convert_element_type3A_106 = arith.extui %lt3A_105 : i1 to i32
      %cond3A_107 = arith.constant 0 : i32
      %cond3A_108 = arith.cmpi ne, %convert_element_type3A_106, %cond3A_107 : i32
      scf.if %cond3A_108 {
        %add3A_126 = arith.constant 7 : i32
        %add3A_127 = arith.addi %add3A_93, %add3A_126 : i32
        %mul3A_128 = arith.constant 16 : i32
        %mul3A_129 = arith.muli %add3A_127, %mul3A_128 : i32
        %get3A = arith.index_cast %mul3A_129 : i32 to index
        %get3A_130 = tpu.vector_load %arg6[%get3A] {strides = array<i32>} : memref<512xi32, #tpu.memory_space<vmem>>, vector<16xi32>,
        %mul3A_131 = arith.constant 16 : i32
        %mul3A_132 = arith.muli %add3A_127, %mul3A_131 : i32
        %get3A_133 = arith.index_cast %mul3A_132 : i32 to index
        %get3A_134 = tpu.vector_load %arg7[%get3A_133] {strides = array<i32>} : memref<512xi32, #tpu.memory_space<vmem>>, vector<16xi32>,
        %and3A_135 = arith.constant -8 : i32
        %and3A_136 = vector.broadcast %and3A_135 : i32 to vector<16xi32>
        %and3A_137 = arith.andi %get3A_134, %and3A_136 : vector<16xi32>
        %and3A_138 = arith.constant -128 : i32
        %and3A_139 = vector.broadcast %and3A_138 : i32 to vector<16xi32>
        %and3A_140 = arith.andi %get3A_130, %and3A_139 : vector<16xi32>
        %slice3A = vector.extract_strided_slice %and3A_137 {offsets = [0], sizes = [1], strides = [1]} : vector<16xi32> to vector<1xi32>
        %squeeze3A = vector.extract %slice3A[0] : i32 from vector<1xi32>
        %multiple_of3A = tpu.assume_multiple %squeeze3A, 8 : i32
        %slice3A_141 = vector.extract_strided_slice %and3A_140 {offsets = [0], sizes = [1], strides = [1]} : vector<16xi32> to vector<1xi32>
        %squeeze3A_142 = vector.extract %slice3A_141[0] : i32 from vector<1xi32>
        %multiple_of3A_143 = tpu.assume_multiple %squeeze3A_142, 128 : i32
        %dma_start3A = arith.constant 0 : i32
        %dma_start3A_144 = arith.constant 0 : i32
        %dma_start3A_145 = tpu.memref_slice %arg13[%dma_start3A, %dma_start3A_144] : memref<128x128xf32, #tpu.memory_space<vmem>> -> memref<8x128xf32, #tpu.memory_space<vmem>>
        %dma_start3A_146 = tpu.memref_slice %arg4[%multiple_of3A, %multiple_of3A_143] : memref<64x1000000xf32, #tpu.memory_space<hbm>> -> memref<8x128xf32, #tpu.memory_space<hbm>>
        %dma_start3A_147 = arith.constant 0 : i32
        %dma_start3A_148 = arith.constant 0 : i32
        %dma_start3A_149 = tpu.memref_slice %arg13[%dma_start3A_147, %dma_start3A_148] : memref<128x128xf32, #tpu.memory_space<vmem>> -> memref<8x128xf32, #tpu.memory_space<vmem>>
        %dma_start3A_150 = tpu.memref_slice %arg4[%multiple_of3A, %multiple_of3A_143] : memref<64x1000000xf32, #tpu.memory_space<hbm>> -> memref<8x128xf32, #tpu.memory_space<hbm>>
        tpu.enqueue_dma source(%dma_start3A_150 : memref<8x128xf32, #tpu.memory_space<hbm>>) target(%dma_start3A_149 : memref<8x128xf32, #tpu.memory_space<vmem>>) target_semaphore(%arg21 : memref<!tpu.dma_semaphore, #tpu.memory_space<semaphore_mem>>)
        %slice3A_151 = vector.extract_strided_slice %and3A_137 {offsets = [1], sizes = [1], strides = [1]} : vector<16xi32> to vector<1xi32>
        %squeeze3A_152 = vector.extract %slice3A_151[0] : i32 from vector<1xi32>
        %multiple_of3A_153 = tpu.assume_multiple %squeeze3A_152, 8 : i32
        %slice3A_154 = vector.extract_strided_slice %and3A_140 {offsets = [1], sizes = [1], strides = [1]} : vector<16xi32> to vector<1xi32>
        %squeeze3A_155 = vector.extract %slice3A_154[0] : i32 from vector<1xi32>
        %multiple_of3A_156 = tpu.assume_multiple %squeeze3A_155, 128 : i32
        %dma_start3A_157 = arith.constant 8 : i32
        %dma_start3A_158 = arith.constant 0 : i32
        %dma_start3A_159 = tpu.memref_slice %arg13[%dma_start3A_157, %dma_start3A_158] : memref<128x128xf32, #tpu.memory_space<vmem>> -> memref<8x128xf32, #tpu.memory_space<vmem>>
        %dma_start3A_160 = tpu.memref_slice %arg4[%multiple_of3A_153, %multiple_of3A_156] : memref<64x1000000xf32, #tpu.memory_space<hbm>> -> memref<8x128xf32, #tpu.memory_space<hbm>>
        %dma_start3A_161 = arith.constant 8 : i32
        %dma_start3A_162 = arith.constant 0 : i32
        %dma_start3A_163 = tpu.memref_slice %arg13[%dma_start3A_161, %dma_start3A_162] : memref<128x128xf32, #tpu.memory_space<vmem>> -> memref<8x128xf32, #tpu.memory_space<vmem>>
        %dma_start3A_164 = tpu.memref_slice %arg4[%multiple_of3A_153, %multiple_of3A_156] : memref<64x1000000xf32, #tpu.memory_space<hbm>> -> memref<8x128xf32, #tpu.memory_space<hbm>>
        tpu.enqueue_dma source(%dma_start3A_164 : memref<8x128xf32, #tpu.memory_space<hbm>>) target(%dma_start3A_163 : memref<8x128xf32, #tpu.memory_space<vmem>>) target_semaphore(%arg21 : memref<!tpu.dma_semaphore, #tpu.memory_space<semaphore_mem>>)
        %slice3A_165 = vector.extract_strided_slice %and3A_137 {offsets = [2], sizes = [1], strides = [1]} : vector<16xi32> to vector<1xi32>
        %squeeze3A_166 = vector.extract %slice3A_165[0] : i32 from vector<1xi32>
        %multiple_of3A_167 = tpu.assume_multiple %squeeze3A_166, 8 : i32
        %slice3A_168 = vector.extract_strided_slice %and3A_140 {offsets = [2], sizes = [1], strides = [1]} : vector<16xi32> to vector<1xi32>
        %squeeze3A_169 = vector.extract %slice3A_168[0] : i32 from vector<1xi32>
        %multiple_of3A_170 = tpu.assume_multiple %squeeze3A_169, 128 : i32
        %dma_start3A_171 = arith.constant 16 : i32
        %dma_start3A_172 = arith.constant 0 : i32
        %dma_start3A_173 = tpu.memref_slice %arg13[%dma_start3A_171, %dma_start3A_172] : memref<128x128xf32, #tpu.memory_space<vmem>> -> memref<8x128xf32, #tpu.memory_space<vmem>>
        %dma_start3A_174 = tpu.memref_slice %arg4[%multiple_of3A_167, %multiple_of3A_170] : memref<64x1000000xf32, #tpu.memory_space<hbm>> -> memref<8x128xf32, #tpu.memory_space<hbm>>
        %dma_start3A_175 = arith.constant 16 : i32
        %dma_start3A_176 = arith.constant 0 : i32
        %dma_start3A_177 = tpu.memref_slice %arg13[%dma_start3A_175, %dma_start3A_176] : memref<128x128xf32, #tpu.memory_space<vmem>> -> memref<8x128xf32, #tpu.memory_space<vmem>>
        %dma_start3A_178 = tpu.memref_slice %arg4[%multiple_of3A_167, %multiple_of3A_170] : memref<64x1000000xf32, #tpu.memory_space<hbm>> -> memref<8x128xf32, #tpu.memory_space<hbm>>
        tpu.enqueue_dma source(%dma_start3A_178 : memref<8x128xf32, #tpu.memory_space<hbm>>) target(%dma_start3A_177 : memref<8x128xf32, #tpu.memory_space<vmem>>) target_semaphore(%arg21 : memref<!tpu.dma_semaphore, #tpu.memory_space<semaphore_mem>>)
        %slice3A_179 = vector.extract_strided_slice %and3A_137 {offsets = [3], sizes = [1], strides = [1]} : vector<16xi32> to vector<1xi32>
        %squeeze3A_180 = vector.extract %slice3A_179[0] : i32 from vector<1xi32>
        %multiple_of3A_181 = tpu.assume_multiple %squeeze3A_180, 8 : i32
        %slice3A_182 = vector.extract_strided_slice %and3A_140 {offsets = [3], sizes = [1], strides = [1]} : vector<16xi32> to vector<1xi32>
        %squeeze3A_183 = vector.extract %slice3A_182[0] : i32 from vector<1xi32>
        %multiple_of3A_184 = tpu.assume_multiple %squeeze3A_183, 128 : i32
        %dma_start3A_185 = arith.constant 24 : i32
        %dma_start3A_186 = arith.constant 0 : i32
        %dma_start3A_187 = tpu.memref_slice %arg13[%dma_start3A_185, %dma_start3A_186] : memref<128x128xf32, #tpu.memory_space<vmem>> -> memref<8x128xf32, #tpu.memory_space<vmem>>
        %dma_start3A_188 = tpu.memref_slice %arg4[%multiple_of3A_181, %multiple_of3A_184] : memref<64x1000000xf32, #tpu.memory_space<hbm>> -> memref<8x128xf32, #tpu.memory_space<hbm>>
        %dma_start3A_189 = arith.constant 24 : i32
        %dma_start3A_190 = arith.constant 0 : i32
        %dma_start3A_191 = tpu.memref_slice %arg13[%dma_start3A_189, %dma_start3A_190] : memref<128x128xf32, #tpu.memory_space<vmem>> -> memref<8x128xf32, #tpu.memory_space<vmem>>
        %dma_start3A_192 = tpu.memref_slice %arg4[%multiple_of3A_181, %multiple_of3A_184] : memref<64x1000000xf32, #tpu.memory_space<hbm>> -> memref<8x128xf32, #tpu.memory_space<hbm>>
        tpu.enqueue_dma source(%dma_start3A_192 : memref<8x128xf32, #tpu.memory_space<hbm>>) target(%dma_start3A_191 : memref<8x128xf32, #tpu.memory_space<vmem>>) target_semaphore(%arg21 : memref<!tpu.dma_semaphore, #tpu.memory_space<semaphore_mem>>)
        %slice3A_193 = vector.extract_strided_slice %and3A_137 {offsets = [4], sizes = [1], strides = [1]} : vector<16xi32> to vector<1xi32>
        %squeeze3A_194 = vector.extract %slice3A_193[0] : i32 from vector<1xi32>
        %multiple_of3A_195 = tpu.assume_multiple %squeeze3A_194, 8 : i32
        %slice3A_196 = vector.extract_strided_slice %and3A_140 {offsets = [4], sizes = [1], strides = [1]} : vector<16xi32> to vector<1xi32>
        %squeeze3A_197 = vector.extract %slice3A_196[0] : i32 from vector<1xi32>
        %multiple_of3A_198 = tpu.assume_multiple %squeeze3A_197, 128 : i32
        %dma_start3A_199 = arith.constant 32 : i32
        %dma_start3A_200 = arith.constant 0 : i32
        %dma_start3A_201 = tpu.memref_slice %arg13[%dma_start3A_199, %dma_start3A_200] : memref<128x128xf32, #tpu.memory_space<vmem>> -> memref<8x128xf32, #tpu.memory_space<vmem>>
        %dma_start3A_202 = tpu.memref_slice %arg4[%multiple_of3A_195, %multiple_of3A_198] : memref<64x1000000xf32, #tpu.memory_space<hbm>> -> memref<8x128xf32, #tpu.memory_space<hbm>>
        %dma_start3A_203 = arith.constant 32 : i32
        %dma_start3A_204 = arith.constant 0 : i32
        %dma_start3A_205 = tpu.memref_slice %arg13[%dma_start3A_203, %dma_start3A_204] : memref<128x128xf32, #tpu.memory_space<vmem>> -> memref<8x128xf32, #tpu.memory_space<vmem>>
        %dma_start3A_206 = tpu.memref_slice %arg4[%multiple_of3A_195, %multiple_of3A_198] : memref<64x1000000xf32, #tpu.memory_space<hbm>> -> memref<8x128xf32, #tpu.memory_space<hbm>>
        tpu.enqueue_dma source(%dma_start3A_206 : memref<8x128xf32, #tpu.memory_space<hbm>>) target(%dma_start3A_205 : memref<8x128xf32, #tpu.memory_space<vmem>>) target_semaphore(%arg21 : memref<!tpu.dma_semaphore, #tpu.memory_space<semaphore_mem>>)
        %slice3A_207 = vector.extract_strided_slice %and3A_137 {offsets = [5], sizes = [1], strides = [1]} : vector<16xi32> to vector<1xi32>
        %squeeze3A_208 = vector.extract %slice3A_207[0] : i32 from vector<1xi32>
        %multiple_of3A_209 = tpu.assume_multiple %squeeze3A_208, 8 : i32
        %slice3A_210 = vector.extract_strided_slice %and3A_140 {offsets = [5], sizes = [1], strides = [1]} : vector<16xi32> to vector<1xi32>
        %squeeze3A_211 = vector.extract %slice3A_210[0] : i32 from vector<1xi32>
        %multiple_of3A_212 = tpu.assume_multiple %squeeze3A_211, 128 : i32
        %dma_start3A_213 = arith.constant 40 : i32
        %dma_start3A_214 = arith.constant 0 : i32
        %dma_start3A_215 = tpu.memref_slice %arg13[%dma_start3A_213, %dma_start3A_214] : memref<128x128xf32, #tpu.memory_space<vmem>> -> memref<8x128xf32, #tpu.memory_space<vmem>>
        %dma_start3A_216 = tpu.memref_slice %arg4[%multiple_of3A_209, %multiple_of3A_212] : memref<64x1000000xf32, #tpu.memory_space<hbm>> -> memref<8x128xf32, #tpu.memory_space<hbm>>
        %dma_start3A_217 = arith.constant 40 : i32
        %dma_start3A_218 = arith.constant 0 : i32
        %dma_start3A_219 = tpu.memref_slice %arg13[%dma_start3A_217, %dma_start3A_218] : memref<128x128xf32, #tpu.memory_space<vmem>> -> memref<8x128xf32, #tpu.memory_space<vmem>>
        %dma_start3A_220 = tpu.memref_slice %arg4[%multiple_of3A_209, %multiple_of3A_212] : memref<64x1000000xf32, #tpu.memory_space<hbm>> -> memref<8x128xf32, #tpu.memory_space<hbm>>
        tpu.enqueue_dma source(%dma_start3A_220 : memref<8x128xf32, #tpu.memory_space<hbm>>) target(%dma_start3A_219 : memref<8x128xf32, #tpu.memory_space<vmem>>) target_semaphore(%arg21 : memref<!tpu.dma_semaphore, #tpu.memory_space<semaphore_mem>>)
        %slice3A_221 = vector.extract_strided_slice %and3A_137 {offsets = [6], sizes = [1], strides = [1]} : vector<16xi32> to vector<1xi32>
        %squeeze3A_222 = vector.extract %slice3A_221[0] : i32 from vector<1xi32>
        %multiple_of3A_223 = tpu.assume_multiple %squeeze3A_222, 8 : i32
        %slice3A_224 = vector.extract_strided_slice %and3A_140 {offsets = [6], sizes = [1], strides = [1]} : vector<16xi32> to vector<1xi32>
        %squeeze3A_225 = vector.extract %slice3A_224[0] : i32 from vector<1xi32>
        %multiple_of3A_226 = tpu.assume_multiple %squeeze3A_225, 128 : i32
        %dma_start3A_227 = arith.constant 48 : i32
        %dma_start3A_228 = arith.constant 0 : i32
        %dma_start3A_229 = tpu.memref_slice %arg13[%dma_start3A_227, %dma_start3A_228] : memref<128x128xf32, #tpu.memory_space<vmem>> -> memref<8x128xf32, #tpu.memory_space<vmem>>
        %dma_start3A_230 = tpu.memref_slice %arg4[%multiple_of3A_223, %multiple_of3A_226] : memref<64x1000000xf32, #tpu.memory_space<hbm>> -> memref<8x128xf32, #tpu.memory_space<hbm>>
        %dma_start3A_231 = arith.constant 48 : i32
        %dma_start3A_232 = arith.constant 0 : i32
        %dma_start3A_233 = tpu.memref_slice %arg13[%dma_start3A_231, %dma_start3A_232] : memref<128x128xf32, #tpu.memory_space<vmem>> -> memref<8x128xf32, #tpu.memory_space<vmem>>
        %dma_start3A_234 = tpu.memref_slice %arg4[%multiple_of3A_223, %multiple_of3A_226] : memref<64x1000000xf32, #tpu.memory_space<hbm>> -> memref<8x128xf32, #tpu.memory_space<hbm>>
        tpu.enqueue_dma source(%dma_start3A_234 : memref<8x128xf32, #tpu.memory_space<hbm>>) target(%dma_start3A_233 : memref<8x128xf32, #tpu.memory_space<vmem>>) target_semaphore(%arg21 : memref<!tpu.dma_semaphore, #tpu.memory_space<semaphore_mem>>)
        %slice3A_235 = vector.extract_strided_slice %and3A_137 {offsets = [7], sizes = [1], strides = [1]} : vector<16xi32> to vector<1xi32>
        %squeeze3A_236 = vector.extract %slice3A_235[0] : i32 from vector<1xi32>
        %multiple_of3A_237 = tpu.assume_multiple %squeeze3A_236, 8 : i32
        %slice3A_238 = vector.extract_strided_slice %and3A_140 {offsets = [7], sizes = [1], strides = [1]} : vector<16xi32> to vector<1xi32>
        %squeeze3A_239 = vector.extract %slice3A_238[0] : i32 from vector<1xi32>
        %multiple_of3A_240 = tpu.assume_multiple %squeeze3A_239, 128 : i32
        %dma_start3A_241 = arith.constant 56 : i32
        %dma_start3A_242 = arith.constant 0 : i32
        %dma_start3A_243 = tpu.memref_slice %arg13[%dma_start3A_241, %dma_start3A_242] : memref<128x128xf32, #tpu.memory_space<vmem>> -> memref<8x128xf32, #tpu.memory_space<vmem>>
        %dma_start3A_244 = tpu.memref_slice %arg4[%multiple_of3A_237, %multiple_of3A_240] : memref<64x1000000xf32, #tpu.memory_space<hbm>> -> memref<8x128xf32, #tpu.memory_space<hbm>>
        %dma_start3A_245 = arith.constant 56 : i32
        %dma_start3A_246 = arith.constant 0 : i32
        %dma_start3A_247 = tpu.memref_slice %arg13[%dma_start3A_245, %dma_start3A_246] : memref<128x128xf32, #tpu.memory_space<vmem>> -> memref<8x128xf32, #tpu.memory_space<vmem>>
        %dma_start3A_248 = tpu.memref_slice %arg4[%multiple_of3A_237, %multiple_of3A_240] : memref<64x1000000xf32, #tpu.memory_space<hbm>> -> memref<8x128xf32, #tpu.memory_space<hbm>>
        tpu.enqueue_dma source(%dma_start3A_248 : memref<8x128xf32, #tpu.memory_space<hbm>>) target(%dma_start3A_247 : memref<8x128xf32, #tpu.memory_space<vmem>>) target_semaphore(%arg21 : memref<!tpu.dma_semaphore, #tpu.memory_space<semaphore_mem>>)
        %slice3A_249 = vector.extract_strided_slice %and3A_137 {offsets = [8], sizes = [1], strides = [1]} : vector<16xi32> to vector<1xi32>
        %squeeze3A_250 = vector.extract %slice3A_249[0] : i32 from vector<1xi32>
        %multiple_of3A_251 = tpu.assume_multiple %squeeze3A_250, 8 : i32
        %slice3A_252 = vector.extract_strided_slice %and3A_140 {offsets = [8], sizes = [1], strides = [1]} : vector<16xi32> to vector<1xi32>
        %squeeze3A_253 = vector.extract %slice3A_252[0] : i32 from vector<1xi32>
        %multiple_of3A_254 = tpu.assume_multiple %squeeze3A_253, 128 : i32
        %dma_start3A_255 = arith.constant 64 : i32
        %dma_start3A_256 = arith.constant 0 : i32
        %dma_start3A_257 = tpu.memref_slice %arg13[%dma_start3A_255, %dma_start3A_256] : memref<128x128xf32, #tpu.memory_space<vmem>> -> memref<8x128xf32, #tpu.memory_space<vmem>>
        %dma_start3A_258 = tpu.memref_slice %arg4[%multiple_of3A_251, %multiple_of3A_254] : memref<64x1000000xf32, #tpu.memory_space<hbm>> -> memref<8x128xf32, #tpu.memory_space<hbm>>
        %dma_start3A_259 = arith.constant 64 : i32
        %dma_start3A_260 = arith.constant 0 : i32
        %dma_start3A_261 = tpu.memref_slice %arg13[%dma_start3A_259, %dma_start3A_260] : memref<128x128xf32, #tpu.memory_space<vmem>> -> memref<8x128xf32, #tpu.memory_space<vmem>>
        %dma_start3A_262 = tpu.memref_slice %arg4[%multiple_of3A_251, %multiple_of3A_254] : memref<64x1000000xf32, #tpu.memory_space<hbm>> -> memref<8x128xf32, #tpu.memory_space<hbm>>
        tpu.enqueue_dma source(%dma_start3A_262 : memref<8x128xf32, #tpu.memory_space<hbm>>) target(%dma_start3A_261 : memref<8x128xf32, #tpu.memory_space<vmem>>) target_semaphore(%arg21 : memref<!tpu.dma_semaphore, #tpu.memory_space<semaphore_mem>>)
        %slice3A_263 = vector.extract_strided_slice %and3A_137 {offsets = [9], sizes = [1], strides = [1]} : vector<16xi32> to vector<1xi32>
        %squeeze3A_264 = vector.extract %slice3A_263[0] : i32 from vector<1xi32>
        %multiple_of3A_265 = tpu.assume_multiple %squeeze3A_264, 8 : i32
        %slice3A_266 = vector.extract_strided_slice %and3A_140 {offsets = [9], sizes = [1], strides = [1]} : vector<16xi32> to vector<1xi32>
        %squeeze3A_267 = vector.extract %slice3A_266[0] : i32 from vector<1xi32>
        %multiple_of3A_268 = tpu.assume_multiple %squeeze3A_267, 128 : i32
        %dma_start3A_269 = arith.constant 72 : i32
        %dma_start3A_270 = arith.constant 0 : i32
        %dma_start3A_271 = tpu.memref_slice %arg13[%dma_start3A_269, %dma_start3A_270] : memref<128x128xf32, #tpu.memory_space<vmem>> -> memref<8x128xf32, #tpu.memory_space<vmem>>
        %dma_start3A_272 = tpu.memref_slice %arg4[%multiple_of3A_265, %multiple_of3A_268] : memref<64x1000000xf32, #tpu.memory_space<hbm>> -> memref<8x128xf32, #tpu.memory_space<hbm>>
        %dma_start3A_273 = arith.constant 72 : i32
        %dma_start3A_274 = arith.constant 0 : i32
        %dma_start3A_275 = tpu.memref_slice %arg13[%dma_start3A_273, %dma_start3A_274] : memref<128x128xf32, #tpu.memory_space<vmem>> -> memref<8x128xf32, #tpu.memory_space<vmem>>
        %dma_start3A_276 = tpu.memref_slice %arg4[%multiple_of3A_265, %multiple_of3A_268] : memref<64x1000000xf32, #tpu.memory_space<hbm>> -> memref<8x128xf32, #tpu.memory_space<hbm>>
        tpu.enqueue_dma source(%dma_start3A_276 : memref<8x128xf32, #tpu.memory_space<hbm>>) target(%dma_start3A_275 : memref<8x128xf32, #tpu.memory_space<vmem>>) target_semaphore(%arg21 : memref<!tpu.dma_semaphore, #tpu.memory_space<semaphore_mem>>)
        %slice3A_277 = vector.extract_strided_slice %and3A_137 {offsets = [10], sizes = [1], strides = [1]} : vector<16xi32> to vector<1xi32>
        %squeeze3A_278 = vector.extract %slice3A_277[0] : i32 from vector<1xi32>
        %multiple_of3A_279 = tpu.assume_multiple %squeeze3A_278, 8 : i32
        %slice3A_280 = vector.extract_strided_slice %and3A_140 {offsets = [10], sizes = [1], strides = [1]} : vector<16xi32> to vector<1xi32>
        %squeeze3A_281 = vector.extract %slice3A_280[0] : i32 from vector<1xi32>
        %multiple_of3A_282 = tpu.assume_multiple %squeeze3A_281, 128 : i32
        %dma_start3A_283 = arith.constant 80 : i32
        %dma_start3A_284 = arith.constant 0 : i32
        %dma_start3A_285 = tpu.memref_slice %arg13[%dma_start3A_283, %dma_start3A_284] : memref<128x128xf32, #tpu.memory_space<vmem>> -> memref<8x128xf32, #tpu.memory_space<vmem>>
        %dma_start3A_286 = tpu.memref_slice %arg4[%multiple_of3A_279, %multiple_of3A_282] : memref<64x1000000xf32, #tpu.memory_space<hbm>> -> memref<8x128xf32, #tpu.memory_space<hbm>>
        %dma_start3A_287 = arith.constant 80 : i32
        %dma_start3A_288 = arith.constant 0 : i32
        %dma_start3A_289 = tpu.memref_slice %arg13[%dma_start3A_287, %dma_start3A_288] : memref<128x128xf32, #tpu.memory_space<vmem>> -> memref<8x128xf32, #tpu.memory_space<vmem>>
        %dma_start3A_290 = tpu.memref_slice %arg4[%multiple_of3A_279, %multiple_of3A_282] : memref<64x1000000xf32, #tpu.memory_space<hbm>> -> memref<8x128xf32, #tpu.memory_space<hbm>>
        tpu.enqueue_dma source(%dma_start3A_290 : memref<8x128xf32, #tpu.memory_space<hbm>>) target(%dma_start3A_289 : memref<8x128xf32, #tpu.memory_space<vmem>>) target_semaphore(%arg21 : memref<!tpu.dma_semaphore, #tpu.memory_space<semaphore_mem>>)
        %slice3A_291 = vector.extract_strided_slice %and3A_137 {offsets = [11], sizes = [1], strides = [1]} : vector<16xi32> to vector<1xi32>
        %squeeze3A_292 = vector.extract %slice3A_291[0] : i32 from vector<1xi32>
        %multiple_of3A_293 = tpu.assume_multiple %squeeze3A_292, 8 : i32
        %slice3A_294 = vector.extract_strided_slice %and3A_140 {offsets = [11], sizes = [1], strides = [1]} : vector<16xi32> to vector<1xi32>
        %squeeze3A_295 = vector.extract %slice3A_294[0] : i32 from vector<1xi32>
        %multiple_of3A_296 = tpu.assume_multiple %squeeze3A_295, 128 : i32
        %dma_start3A_297 = arith.constant 88 : i32
        %dma_start3A_298 = arith.constant 0 : i32
        %dma_start3A_299 = tpu.memref_slice %arg13[%dma_start3A_297, %dma_start3A_298] : memref<128x128xf32, #tpu.memory_space<vmem>> -> memref<8x128xf32, #tpu.memory_space<vmem>>
        %dma_start3A_300 = tpu.memref_slice %arg4[%multiple_of3A_293, %multiple_of3A_296] : memref<64x1000000xf32, #tpu.memory_space<hbm>> -> memref<8x128xf32, #tpu.memory_space<hbm>>
        %dma_start3A_301 = arith.constant 88 : i32
        %dma_start3A_302 = arith.constant 0 : i32
        %dma_start3A_303 = tpu.memref_slice %arg13[%dma_start3A_301, %dma_start3A_302] : memref<128x128xf32, #tpu.memory_space<vmem>> -> memref<8x128xf32, #tpu.memory_space<vmem>>
        %dma_start3A_304 = tpu.memref_slice %arg4[%multiple_of3A_293, %multiple_of3A_296] : memref<64x1000000xf32, #tpu.memory_space<hbm>> -> memref<8x128xf32, #tpu.memory_space<hbm>>
        tpu.enqueue_dma source(%dma_start3A_304 : memref<8x128xf32, #tpu.memory_space<hbm>>) target(%dma_start3A_303 : memref<8x128xf32, #tpu.memory_space<vmem>>) target_semaphore(%arg21 : memref<!tpu.dma_semaphore, #tpu.memory_space<semaphore_mem>>)
        %slice3A_305 = vector.extract_strided_slice %and3A_137 {offsets = [12], sizes = [1], strides = [1]} : vector<16xi32> to vector<1xi32>
        %squeeze3A_306 = vector.extract %slice3A_305[0] : i32 from vector<1xi32>
        %multiple_of3A_307 = tpu.assume_multiple %squeeze3A_306, 8 : i32
        %slice3A_308 = vector.extract_strided_slice %and3A_140 {offsets = [12], sizes = [1], strides = [1]} : vector<16xi32> to vector<1xi32>
        %squeeze3A_309 = vector.extract %slice3A_308[0] : i32 from vector<1xi32>
        %multiple_of3A_310 = tpu.assume_multiple %squeeze3A_309, 128 : i32
        %dma_start3A_311 = arith.constant 96 : i32
        %dma_start3A_312 = arith.constant 0 : i32
        %dma_start3A_313 = tpu.memref_slice %arg13[%dma_start3A_311, %dma_start3A_312] : memref<128x128xf32, #tpu.memory_space<vmem>> -> memref<8x128xf32, #tpu.memory_space<vmem>>
        %dma_start3A_314 = tpu.memref_slice %arg4[%multiple_of3A_307, %multiple_of3A_310] : memref<64x1000000xf32, #tpu.memory_space<hbm>> -> memref<8x128xf32, #tpu.memory_space<hbm>>
        %dma_start3A_315 = arith.constant 96 : i32
        %dma_start3A_316 = arith.constant 0 : i32
        %dma_start3A_317 = tpu.memref_slice %arg13[%dma_start3A_315, %dma_start3A_316] : memref<128x128xf32, #tpu.memory_space<vmem>> -> memref<8x128xf32, #tpu.memory_space<vmem>>
        %dma_start3A_318 = tpu.memref_slice %arg4[%multiple_of3A_307, %multiple_of3A_310] : memref<64x1000000xf32, #tpu.memory_space<hbm>> -> memref<8x128xf32, #tpu.memory_space<hbm>>
        tpu.enqueue_dma source(%dma_start3A_318 : memref<8x128xf32, #tpu.memory_space<hbm>>) target(%dma_start3A_317 : memref<8x128xf32, #tpu.memory_space<vmem>>) target_semaphore(%arg21 : memref<!tpu.dma_semaphore, #tpu.memory_space<semaphore_mem>>)
        %slice3A_319 = vector.extract_strided_slice %and3A_137 {offsets = [13], sizes = [1], strides = [1]} : vector<16xi32> to vector<1xi32>
        %squeeze3A_320 = vector.extract %slice3A_319[0] : i32 from vector<1xi32>
        %multiple_of3A_321 = tpu.assume_multiple %squeeze3A_320, 8 : i32
        %slice3A_322 = vector.extract_strided_slice %and3A_140 {offsets = [13], sizes = [1], strides = [1]} : vector<16xi32> to vector<1xi32>
        %squeeze3A_323 = vector.extract %slice3A_322[0] : i32 from vector<1xi32>
        %multiple_of3A_324 = tpu.assume_multiple %squeeze3A_323, 128 : i32
        %dma_start3A_325 = arith.constant 104 : i32
        %dma_start3A_326 = arith.constant 0 : i32
        %dma_start3A_327 = tpu.memref_slice %arg13[%dma_start3A_325, %dma_start3A_326] : memref<128x128xf32, #tpu.memory_space<vmem>> -> memref<8x128xf32, #tpu.memory_space<vmem>>
        %dma_start3A_328 = tpu.memref_slice %arg4[%multiple_of3A_321, %multiple_of3A_324] : memref<64x1000000xf32, #tpu.memory_space<hbm>> -> memref<8x128xf32, #tpu.memory_space<hbm>>
        %dma_start3A_329 = arith.constant 104 : i32
        %dma_start3A_330 = arith.constant 0 : i32
        %dma_start3A_331 = tpu.memref_slice %arg13[%dma_start3A_329, %dma_start3A_330] : memref<128x128xf32, #tpu.memory_space<vmem>> -> memref<8x128xf32, #tpu.memory_space<vmem>>
        %dma_start3A_332 = tpu.memref_slice %arg4[%multiple_of3A_321, %multiple_of3A_324] : memref<64x1000000xf32, #tpu.memory_space<hbm>> -> memref<8x128xf32, #tpu.memory_space<hbm>>
        tpu.enqueue_dma source(%dma_start3A_332 : memref<8x128xf32, #tpu.memory_space<hbm>>) target(%dma_start3A_331 : memref<8x128xf32, #tpu.memory_space<vmem>>) target_semaphore(%arg21 : memref<!tpu.dma_semaphore, #tpu.memory_space<semaphore_mem>>)
        %slice3A_333 = vector.extract_strided_slice %and3A_137 {offsets = [14], sizes = [1], strides = [1]} : vector<16xi32> to vector<1xi32>
        %squeeze3A_334 = vector.extract %slice3A_333[0] : i32 from vector<1xi32>
        %multiple_of3A_335 = tpu.assume_multiple %squeeze3A_334, 8 : i32
        %slice3A_336 = vector.extract_strided_slice %and3A_140 {offsets = [14], sizes = [1], strides = [1]} : vector<16xi32> to vector<1xi32>
        %squeeze3A_337 = vector.extract %slice3A_336[0] : i32 from vector<1xi32>
        %multiple_of3A_338 = tpu.assume_multiple %squeeze3A_337, 128 : i32
        %dma_start3A_339 = arith.constant 112 : i32
        %dma_start3A_340 = arith.constant 0 : i32
        %dma_start3A_341 = tpu.memref_slice %arg13[%dma_start3A_339, %dma_start3A_340] : memref<128x128xf32, #tpu.memory_space<vmem>> -> memref<8x128xf32, #tpu.memory_space<vmem>>
        %dma_start3A_342 = tpu.memref_slice %arg4[%multiple_of3A_335, %multiple_of3A_338] : memref<64x1000000xf32, #tpu.memory_space<hbm>> -> memref<8x128xf32, #tpu.memory_space<hbm>>
        %dma_start3A_343 = arith.constant 112 : i32
        %dma_start3A_344 = arith.constant 0 : i32
        %dma_start3A_345 = tpu.memref_slice %arg13[%dma_start3A_343, %dma_start3A_344] : memref<128x128xf32, #tpu.memory_space<vmem>> -> memref<8x128xf32, #tpu.memory_space<vmem>>
        %dma_start3A_346 = tpu.memref_slice %arg4[%multiple_of3A_335, %multiple_of3A_338] : memref<64x1000000xf32, #tpu.memory_space<hbm>> -> memref<8x128xf32, #tpu.memory_space<hbm>>
        tpu.enqueue_dma source(%dma_start3A_346 : memref<8x128xf32, #tpu.memory_space<hbm>>) target(%dma_start3A_345 : memref<8x128xf32, #tpu.memory_space<vmem>>) target_semaphore(%arg21 : memref<!tpu.dma_semaphore, #tpu.memory_space<semaphore_mem>>)
        %slice3A_347 = vector.extract_strided_slice %and3A_137 {offsets = [15], sizes = [1], strides = [1]} : vector<16xi32> to vector<1xi32>
        %squeeze3A_348 = vector.extract %slice3A_347[0] : i32 from vector<1xi32>
        %multiple_of3A_349 = tpu.assume_multiple %squeeze3A_348, 8 : i32
        %slice3A_350 = vector.extract_strided_slice %and3A_140 {offsets = [15], sizes = [1], strides = [1]} : vector<16xi32> to vector<1xi32>
        %squeeze3A_351 = vector.extract %slice3A_350[0] : i32 from vector<1xi32>
        %multiple_of3A_352 = tpu.assume_multiple %squeeze3A_351, 128 : i32
        %dma_start3A_353 = arith.constant 120 : i32
        %dma_start3A_354 = arith.constant 0 : i32
        %dma_start3A_355 = tpu.memref_slice %arg13[%dma_start3A_353, %dma_start3A_354] : memref<128x128xf32, #tpu.memory_space<vmem>> -> memref<8x128xf32, #tpu.memory_space<vmem>>
        %dma_start3A_356 = tpu.memref_slice %arg4[%multiple_of3A_349, %multiple_of3A_352] : memref<64x1000000xf32, #tpu.memory_space<hbm>> -> memref<8x128xf32, #tpu.memory_space<hbm>>
        %dma_start3A_357 = arith.constant 120 : i32
        %dma_start3A_358 = arith.constant 0 : i32
        %dma_start3A_359 = tpu.memref_slice %arg13[%dma_start3A_357, %dma_start3A_358] : memref<128x128xf32, #tpu.memory_space<vmem>> -> memref<8x128xf32, #tpu.memory_space<vmem>>
        %dma_start3A_360 = tpu.memref_slice %arg4[%multiple_of3A_349, %multiple_of3A_352] : memref<64x1000000xf32, #tpu.memory_space<hbm>> -> memref<8x128xf32, #tpu.memory_space<hbm>>
        tpu.enqueue_dma source(%dma_start3A_360 : memref<8x128xf32, #tpu.memory_space<hbm>>) target(%dma_start3A_359 : memref<8x128xf32, #tpu.memory_space<vmem>>) target_semaphore(%arg21 : memref<!tpu.dma_semaphore, #tpu.memory_space<semaphore_mem>>)
      } else {
      }
      %add3A_109 = arith.constant 6 : i32
      %add3A_110 = arith.addi %add3A_11, %add3A_109 : i32
      %ge3A_111 = arith.constant 0 : i32
      %ge3A_112 = arith.cmpi sge, %add3A_110, %ge3A_111 : i32
      %lt3A_113 = arith.constant 32 : i32
      %lt3A_114 = arith.cmpi slt, %add3A_110, %lt3A_113 : i32
      %and3A_115 = arith.andi %ge3A_112, %lt3A_114 : i1
      %convert_element_type3A_116 = arith.extui %and3A_115 : i1 to i32
      %cond3A_117 = arith.constant 0 : i32
      %cond3A_118 = arith.cmpi ne, %convert_element_type3A_116, %cond3A_117 : i32
      scf.if %cond3A_118 {
        %dma_wait3A = arith.constant 0 : i32
        %dma_wait3A_126 = arith.constant 0 : i32
        %dma_wait3A_127 = tpu.memref_slice %arg14[%dma_wait3A, %dma_wait3A_126] : memref<128x128xf32, #tpu.memory_space<vmem>> -> memref<64x128xf32, #tpu.memory_space<vmem>>
        %dma_wait3A_128 = arith.constant 0 : i32
        %dma_wait3A_129 = arith.constant 0 : i32
        %dma_wait3A_130 = tpu.memref_slice %arg4[%dma_wait3A_128, %dma_wait3A_129] : memref<64x1000000xf32, #tpu.memory_space<hbm>> -> memref<64x128xf32, #tpu.memory_space<hbm>>
        %dma_wait3A_131 = arith.constant 0 : i32
        %dma_wait3A_132 = arith.constant 0 : i32
        %dma_wait3A_133 = tpu.memref_slice %arg14[%dma_wait3A_131, %dma_wait3A_132] : memref<128x128xf32, #tpu.memory_space<vmem>> -> memref<64x128xf32, #tpu.memory_space<vmem>>
        %dma_wait3A_134 = arith.constant 0 : i32
        %dma_wait3A_135 = arith.constant 0 : i32
        %dma_wait3A_136 = tpu.memref_slice %arg4[%dma_wait3A_134, %dma_wait3A_135] : memref<64x1000000xf32, #tpu.memory_space<hbm>> -> memref<64x128xf32, #tpu.memory_space<hbm>>
        tpu.wait_dma2 semaphore(%arg22 : memref<!tpu.dma_semaphore, #tpu.memory_space<semaphore_mem>>) src(%dma_wait3A_136 : memref<64x128xf32, #tpu.memory_space<hbm>>) dst(%dma_wait3A_133 : memref<64x128xf32, #tpu.memory_space<vmem>>)
        %dma_wait3A_137 = arith.constant 64 : i32
        %dma_wait3A_138 = arith.constant 0 : i32
        %dma_wait3A_139 = tpu.memref_slice %arg14[%dma_wait3A_137, %dma_wait3A_138] : memref<128x128xf32, #tpu.memory_space<vmem>> -> memref<64x128xf32, #tpu.memory_space<vmem>>
        %dma_wait3A_140 = arith.constant 0 : i32
        %dma_wait3A_141 = arith.constant 0 : i32
        %dma_wait3A_142 = tpu.memref_slice %arg4[%dma_wait3A_140, %dma_wait3A_141] : memref<64x1000000xf32, #tpu.memory_space<hbm>> -> memref<64x128xf32, #tpu.memory_space<hbm>>
        %dma_wait3A_143 = arith.constant 64 : i32
        %dma_wait3A_144 = arith.constant 0 : i32
        %dma_wait3A_145 = tpu.memref_slice %arg14[%dma_wait3A_143, %dma_wait3A_144] : memref<128x128xf32, #tpu.memory_space<vmem>> -> memref<64x128xf32, #tpu.memory_space<vmem>>
        %dma_wait3A_146 = arith.constant 0 : i32
        %dma_wait3A_147 = arith.constant 0 : i32
        %dma_wait3A_148 = tpu.memref_slice %arg4[%dma_wait3A_146, %dma_wait3A_147] : memref<64x1000000xf32, #tpu.memory_space<hbm>> -> memref<64x128xf32, #tpu.memory_space<hbm>>
        tpu.wait_dma2 semaphore(%arg22 : memref<!tpu.dma_semaphore, #tpu.memory_space<semaphore_mem>>) src(%dma_wait3A_148 : memref<64x128xf32, #tpu.memory_space<hbm>>) dst(%dma_wait3A_145 : memref<64x128xf32, #tpu.memory_space<vmem>>)
        %mul3A_149 = arith.constant 16 : i32
        %mul3A_150 = arith.muli %add3A_110, %mul3A_149 : i32
        %get3A = arith.index_cast %mul3A_150 : i32 to index
        %get3A_151 = tpu.vector_load %arg6[%get3A] {strides = array<i32>} : memref<512xi32, #tpu.memory_space<vmem>>, vector<16xi32>,
        %get3A_152 = arith.index_cast %mul3A_150 : i32 to index
        %get3A_153 = tpu.vector_load %arg7[%get3A_152] {strides = array<i32>} : memref<512xi32, #tpu.memory_space<vmem>>, vector<16xi32>,
        %mul3A_154 = arith.constant 8 : i32
        %mul3A_155 = vector.broadcast %mul3A_154 : i32 to vector<16xi32>
        %mul3A_156 = arith.muli %iota3A, %mul3A_155 : vector<16xi32>
        %and3A_157 = arith.constant 7 : i32
        %and3A_158 = vector.broadcast %and3A_157 : i32 to vector<16xi32>
        %and3A_159 = arith.andi %get3A_153, %and3A_158 : vector<16xi32>
        %add3A_160 = arith.addi %mul3A_156, %and3A_159 : vector<16xi32>
        %and3A_161 = arith.constant 127 : i32
        %and3A_162 = vector.broadcast %and3A_161 : i32 to vector<16xi32>
        %and3A_163 = arith.andi %get3A_151, %and3A_162 : vector<16xi32>
        %gather3A = tpu.vector_load_idx %arg14[%add3A_160, %and3A_163] : memref<128x128xf32, #tpu.memory_space<vmem>>[vector<16xi32>, vector<16xi32>], vector<16xf32>,
        %neg3A = arith.constant 0.000000e+00 : f32
        %neg3A_164 = vector.broadcast %neg3A : f32 to vector<16xf32>
        %neg3A_165 = arith.subf %neg3A_164, %gather3A : vector<16xf32>
        %exp3A = math.exp %neg3A_165 : vector<16xf32>
        %add3A_166 = arith.constant 1.000000e+00 : f32
        %add3A_167 = vector.broadcast %add3A_166 : f32 to vector<16xf32>
        %add3A_168 = arith.addf %add3A_167, %exp3A : vector<16xf32>
        %div3A = arith.constant 1.000000e+00 : f32
        %div3A_169 = vector.broadcast %div3A : f32 to vector<16xf32>
        %div3A_170 = arith.divf %div3A_169, %add3A_168 : vector<16xf32>
        %swap3A = arith.index_cast %mul3A_150 : i32 to index
        %swap3A_171 = tpu.vector_load %arg15[%swap3A] {strides = array<i32>} : memref<512xf32, #tpu.memory_space<vmem>>, vector<16xf32>,
        tpu.vector_store %arg15[%swap3A], %div3A_170 {strides = array<i32>} : memref<512xf32, #tpu.memory_space<vmem>>, vector<16xf32>,
      } else {
      }
      %add3A_119 = arith.constant 7 : i32
      %add3A_120 = arith.addi %add3A_110, %add3A_119 : i32
      %lt3A_121 = arith.constant 32 : i32
      %lt3A_122 = arith.cmpi slt, %add3A_120, %lt3A_121 : i32
      %convert_element_type3A_123 = arith.extui %lt3A_122 : i1 to i32
      %cond3A_124 = arith.constant 0 : i32
      %cond3A_125 = arith.cmpi ne, %convert_element_type3A_123, %cond3A_124 : i32
      scf.if %cond3A_125 {
        %add3A_126 = arith.constant 7 : i32
        %add3A_127 = arith.addi %add3A_110, %add3A_126 : i32
        %mul3A_128 = arith.constant 16 : i32
        %mul3A_129 = arith.muli %add3A_127, %mul3A_128 : i32
        %get3A = arith.index_cast %mul3A_129 : i32 to index
        %get3A_130 = tpu.vector_load %arg6[%get3A] {strides = array<i32>} : memref<512xi32, #tpu.memory_space<vmem>>, vector<16xi32>,
        %mul3A_131 = arith.constant 16 : i32
        %mul3A_132 = arith.muli %add3A_127, %mul3A_131 : i32
        %get3A_133 = arith.index_cast %mul3A_132 : i32 to index
        %get3A_134 = tpu.vector_load %arg7[%get3A_133] {strides = array<i32>} : memref<512xi32, #tpu.memory_space<vmem>>, vector<16xi32>,
        %and3A_135 = arith.constant -8 : i32
        %and3A_136 = vector.broadcast %and3A_135 : i32 to vector<16xi32>
        %and3A_137 = arith.andi %get3A_134, %and3A_136 : vector<16xi32>
        %and3A_138 = arith.constant -128 : i32
        %and3A_139 = vector.broadcast %and3A_138 : i32 to vector<16xi32>
        %and3A_140 = arith.andi %get3A_130, %and3A_139 : vector<16xi32>
        %slice3A = vector.extract_strided_slice %and3A_137 {offsets = [0], sizes = [1], strides = [1]} : vector<16xi32> to vector<1xi32>
        %squeeze3A = vector.extract %slice3A[0] : i32 from vector<1xi32>
        %multiple_of3A = tpu.assume_multiple %squeeze3A, 8 : i32
        %slice3A_141 = vector.extract_strided_slice %and3A_140 {offsets = [0], sizes = [1], strides = [1]} : vector<16xi32> to vector<1xi32>
        %squeeze3A_142 = vector.extract %slice3A_141[0] : i32 from vector<1xi32>
        %multiple_of3A_143 = tpu.assume_multiple %squeeze3A_142, 128 : i32
        %dma_start3A = arith.constant 0 : i32
        %dma_start3A_144 = arith.constant 0 : i32
        %dma_start3A_145 = tpu.memref_slice %arg14[%dma_start3A, %dma_start3A_144] : memref<128x128xf32, #tpu.memory_space<vmem>> -> memref<8x128xf32, #tpu.memory_space<vmem>>
        %dma_start3A_146 = tpu.memref_slice %arg4[%multiple_of3A, %multiple_of3A_143] : memref<64x1000000xf32, #tpu.memory_space<hbm>> -> memref<8x128xf32, #tpu.memory_space<hbm>>
        %dma_start3A_147 = arith.constant 0 : i32
        %dma_start3A_148 = arith.constant 0 : i32
        %dma_start3A_149 = tpu.memref_slice %arg14[%dma_start3A_147, %dma_start3A_148] : memref<128x128xf32, #tpu.memory_space<vmem>> -> memref<8x128xf32, #tpu.memory_space<vmem>>
        %dma_start3A_150 = tpu.memref_slice %arg4[%multiple_of3A, %multiple_of3A_143] : memref<64x1000000xf32, #tpu.memory_space<hbm>> -> memref<8x128xf32, #tpu.memory_space<hbm>>
        tpu.enqueue_dma source(%dma_start3A_150 : memref<8x128xf32, #tpu.memory_space<hbm>>) target(%dma_start3A_149 : memref<8x128xf32, #tpu.memory_space<vmem>>) target_semaphore(%arg22 : memref<!tpu.dma_semaphore, #tpu.memory_space<semaphore_mem>>)
        %slice3A_151 = vector.extract_strided_slice %and3A_137 {offsets = [1], sizes = [1], strides = [1]} : vector<16xi32> to vector<1xi32>
        %squeeze3A_152 = vector.extract %slice3A_151[0] : i32 from vector<1xi32>
        %multiple_of3A_153 = tpu.assume_multiple %squeeze3A_152, 8 : i32
        %slice3A_154 = vector.extract_strided_slice %and3A_140 {offsets = [1], sizes = [1], strides = [1]} : vector<16xi32> to vector<1xi32>
        %squeeze3A_155 = vector.extract %slice3A_154[0] : i32 from vector<1xi32>
        %multiple_of3A_156 = tpu.assume_multiple %squeeze3A_155, 128 : i32
        %dma_start3A_157 = arith.constant 8 : i32
        %dma_start3A_158 = arith.constant 0 : i32
        %dma_start3A_159 = tpu.memref_slice %arg14[%dma_start3A_157, %dma_start3A_158] : memref<128x128xf32, #tpu.memory_space<vmem>> -> memref<8x128xf32, #tpu.memory_space<vmem>>
        %dma_start3A_160 = tpu.memref_slice %arg4[%multiple_of3A_153, %multiple_of3A_156] : memref<64x1000000xf32, #tpu.memory_space<hbm>> -> memref<8x128xf32, #tpu.memory_space<hbm>>
        %dma_start3A_161 = arith.constant 8 : i32
        %dma_start3A_162 = arith.constant 0 : i32
        %dma_start3A_163 = tpu.memref_slice %arg14[%dma_start3A_161, %dma_start3A_162] : memref<128x128xf32, #tpu.memory_space<vmem>> -> memref<8x128xf32, #tpu.memory_space<vmem>>
        %dma_start3A_164 = tpu.memref_slice %arg4[%multiple_of3A_153, %multiple_of3A_156] : memref<64x1000000xf32, #tpu.memory_space<hbm>> -> memref<8x128xf32, #tpu.memory_space<hbm>>
        tpu.enqueue_dma source(%dma_start3A_164 : memref<8x128xf32, #tpu.memory_space<hbm>>) target(%dma_start3A_163 : memref<8x128xf32, #tpu.memory_space<vmem>>) target_semaphore(%arg22 : memref<!tpu.dma_semaphore, #tpu.memory_space<semaphore_mem>>)
        %slice3A_165 = vector.extract_strided_slice %and3A_137 {offsets = [2], sizes = [1], strides = [1]} : vector<16xi32> to vector<1xi32>
        %squeeze3A_166 = vector.extract %slice3A_165[0] : i32 from vector<1xi32>
        %multiple_of3A_167 = tpu.assume_multiple %squeeze3A_166, 8 : i32
        %slice3A_168 = vector.extract_strided_slice %and3A_140 {offsets = [2], sizes = [1], strides = [1]} : vector<16xi32> to vector<1xi32>
        %squeeze3A_169 = vector.extract %slice3A_168[0] : i32 from vector<1xi32>
        %multiple_of3A_170 = tpu.assume_multiple %squeeze3A_169, 128 : i32
        %dma_start3A_171 = arith.constant 16 : i32
        %dma_start3A_172 = arith.constant 0 : i32
        %dma_start3A_173 = tpu.memref_slice %arg14[%dma_start3A_171, %dma_start3A_172] : memref<128x128xf32, #tpu.memory_space<vmem>> -> memref<8x128xf32, #tpu.memory_space<vmem>>
        %dma_start3A_174 = tpu.memref_slice %arg4[%multiple_of3A_167, %multiple_of3A_170] : memref<64x1000000xf32, #tpu.memory_space<hbm>> -> memref<8x128xf32, #tpu.memory_space<hbm>>
        %dma_start3A_175 = arith.constant 16 : i32
        %dma_start3A_176 = arith.constant 0 : i32
        %dma_start3A_177 = tpu.memref_slice %arg14[%dma_start3A_175, %dma_start3A_176] : memref<128x128xf32, #tpu.memory_space<vmem>> -> memref<8x128xf32, #tpu.memory_space<vmem>>
        %dma_start3A_178 = tpu.memref_slice %arg4[%multiple_of3A_167, %multiple_of3A_170] : memref<64x1000000xf32, #tpu.memory_space<hbm>> -> memref<8x128xf32, #tpu.memory_space<hbm>>
        tpu.enqueue_dma source(%dma_start3A_178 : memref<8x128xf32, #tpu.memory_space<hbm>>) target(%dma_start3A_177 : memref<8x128xf32, #tpu.memory_space<vmem>>) target_semaphore(%arg22 : memref<!tpu.dma_semaphore, #tpu.memory_space<semaphore_mem>>)
        %slice3A_179 = vector.extract_strided_slice %and3A_137 {offsets = [3], sizes = [1], strides = [1]} : vector<16xi32> to vector<1xi32>
        %squeeze3A_180 = vector.extract %slice3A_179[0] : i32 from vector<1xi32>
        %multiple_of3A_181 = tpu.assume_multiple %squeeze3A_180, 8 : i32
        %slice3A_182 = vector.extract_strided_slice %and3A_140 {offsets = [3], sizes = [1], strides = [1]} : vector<16xi32> to vector<1xi32>
        %squeeze3A_183 = vector.extract %slice3A_182[0] : i32 from vector<1xi32>
        %multiple_of3A_184 = tpu.assume_multiple %squeeze3A_183, 128 : i32
        %dma_start3A_185 = arith.constant 24 : i32
        %dma_start3A_186 = arith.constant 0 : i32
        %dma_start3A_187 = tpu.memref_slice %arg14[%dma_start3A_185, %dma_start3A_186] : memref<128x128xf32, #tpu.memory_space<vmem>> -> memref<8x128xf32, #tpu.memory_space<vmem>>
        %dma_start3A_188 = tpu.memref_slice %arg4[%multiple_of3A_181, %multiple_of3A_184] : memref<64x1000000xf32, #tpu.memory_space<hbm>> -> memref<8x128xf32, #tpu.memory_space<hbm>>
        %dma_start3A_189 = arith.constant 24 : i32
        %dma_start3A_190 = arith.constant 0 : i32
        %dma_start3A_191 = tpu.memref_slice %arg14[%dma_start3A_189, %dma_start3A_190] : memref<128x128xf32, #tpu.memory_space<vmem>> -> memref<8x128xf32, #tpu.memory_space<vmem>>
        %dma_start3A_192 = tpu.memref_slice %arg4[%multiple_of3A_181, %multiple_of3A_184] : memref<64x1000000xf32, #tpu.memory_space<hbm>> -> memref<8x128xf32, #tpu.memory_space<hbm>>
        tpu.enqueue_dma source(%dma_start3A_192 : memref<8x128xf32, #tpu.memory_space<hbm>>) target(%dma_start3A_191 : memref<8x128xf32, #tpu.memory_space<vmem>>) target_semaphore(%arg22 : memref<!tpu.dma_semaphore, #tpu.memory_space<semaphore_mem>>)
        %slice3A_193 = vector.extract_strided_slice %and3A_137 {offsets = [4], sizes = [1], strides = [1]} : vector<16xi32> to vector<1xi32>
        %squeeze3A_194 = vector.extract %slice3A_193[0] : i32 from vector<1xi32>
        %multiple_of3A_195 = tpu.assume_multiple %squeeze3A_194, 8 : i32
        %slice3A_196 = vector.extract_strided_slice %and3A_140 {offsets = [4], sizes = [1], strides = [1]} : vector<16xi32> to vector<1xi32>
        %squeeze3A_197 = vector.extract %slice3A_196[0] : i32 from vector<1xi32>
        %multiple_of3A_198 = tpu.assume_multiple %squeeze3A_197, 128 : i32
        %dma_start3A_199 = arith.constant 32 : i32
        %dma_start3A_200 = arith.constant 0 : i32
        %dma_start3A_201 = tpu.memref_slice %arg14[%dma_start3A_199, %dma_start3A_200] : memref<128x128xf32, #tpu.memory_space<vmem>> -> memref<8x128xf32, #tpu.memory_space<vmem>>
        %dma_start3A_202 = tpu.memref_slice %arg4[%multiple_of3A_195, %multiple_of3A_198] : memref<64x1000000xf32, #tpu.memory_space<hbm>> -> memref<8x128xf32, #tpu.memory_space<hbm>>
        %dma_start3A_203 = arith.constant 32 : i32
        %dma_start3A_204 = arith.constant 0 : i32
        %dma_start3A_205 = tpu.memref_slice %arg14[%dma_start3A_203, %dma_start3A_204] : memref<128x128xf32, #tpu.memory_space<vmem>> -> memref<8x128xf32, #tpu.memory_space<vmem>>
        %dma_start3A_206 = tpu.memref_slice %arg4[%multiple_of3A_195, %multiple_of3A_198] : memref<64x1000000xf32, #tpu.memory_space<hbm>> -> memref<8x128xf32, #tpu.memory_space<hbm>>
        tpu.enqueue_dma source(%dma_start3A_206 : memref<8x128xf32, #tpu.memory_space<hbm>>) target(%dma_start3A_205 : memref<8x128xf32, #tpu.memory_space<vmem>>) target_semaphore(%arg22 : memref<!tpu.dma_semaphore, #tpu.memory_space<semaphore_mem>>)
        %slice3A_207 = vector.extract_strided_slice %and3A_137 {offsets = [5], sizes = [1], strides = [1]} : vector<16xi32> to vector<1xi32>
        %squeeze3A_208 = vector.extract %slice3A_207[0] : i32 from vector<1xi32>
        %multiple_of3A_209 = tpu.assume_multiple %squeeze3A_208, 8 : i32
        %slice3A_210 = vector.extract_strided_slice %and3A_140 {offsets = [5], sizes = [1], strides = [1]} : vector<16xi32> to vector<1xi32>
        %squeeze3A_211 = vector.extract %slice3A_210[0] : i32 from vector<1xi32>
        %multiple_of3A_212 = tpu.assume_multiple %squeeze3A_211, 128 : i32
        %dma_start3A_213 = arith.constant 40 : i32
        %dma_start3A_214 = arith.constant 0 : i32
        %dma_start3A_215 = tpu.memref_slice %arg14[%dma_start3A_213, %dma_start3A_214] : memref<128x128xf32, #tpu.memory_space<vmem>> -> memref<8x128xf32, #tpu.memory_space<vmem>>
        %dma_start3A_216 = tpu.memref_slice %arg4[%multiple_of3A_209, %multiple_of3A_212] : memref<64x1000000xf32, #tpu.memory_space<hbm>> -> memref<8x128xf32, #tpu.memory_space<hbm>>
        %dma_start3A_217 = arith.constant 40 : i32
        %dma_start3A_218 = arith.constant 0 : i32
        %dma_start3A_219 = tpu.memref_slice %arg14[%dma_start3A_217, %dma_start3A_218] : memref<128x128xf32, #tpu.memory_space<vmem>> -> memref<8x128xf32, #tpu.memory_space<vmem>>
        %dma_start3A_220 = tpu.memref_slice %arg4[%multiple_of3A_209, %multiple_of3A_212] : memref<64x1000000xf32, #tpu.memory_space<hbm>> -> memref<8x128xf32, #tpu.memory_space<hbm>>
        tpu.enqueue_dma source(%dma_start3A_220 : memref<8x128xf32, #tpu.memory_space<hbm>>) target(%dma_start3A_219 : memref<8x128xf32, #tpu.memory_space<vmem>>) target_semaphore(%arg22 : memref<!tpu.dma_semaphore, #tpu.memory_space<semaphore_mem>>)
        %slice3A_221 = vector.extract_strided_slice %and3A_137 {offsets = [6], sizes = [1], strides = [1]} : vector<16xi32> to vector<1xi32>
        %squeeze3A_222 = vector.extract %slice3A_221[0] : i32 from vector<1xi32>
        %multiple_of3A_223 = tpu.assume_multiple %squeeze3A_222, 8 : i32
        %slice3A_224 = vector.extract_strided_slice %and3A_140 {offsets = [6], sizes = [1], strides = [1]} : vector<16xi32> to vector<1xi32>
        %squeeze3A_225 = vector.extract %slice3A_224[0] : i32 from vector<1xi32>
        %multiple_of3A_226 = tpu.assume_multiple %squeeze3A_225, 128 : i32
        %dma_start3A_227 = arith.constant 48 : i32
        %dma_start3A_228 = arith.constant 0 : i32
        %dma_start3A_229 = tpu.memref_slice %arg14[%dma_start3A_227, %dma_start3A_228] : memref<128x128xf32, #tpu.memory_space<vmem>> -> memref<8x128xf32, #tpu.memory_space<vmem>>
        %dma_start3A_230 = tpu.memref_slice %arg4[%multiple_of3A_223, %multiple_of3A_226] : memref<64x1000000xf32, #tpu.memory_space<hbm>> -> memref<8x128xf32, #tpu.memory_space<hbm>>
        %dma_start3A_231 = arith.constant 48 : i32
        %dma_start3A_232 = arith.constant 0 : i32
        %dma_start3A_233 = tpu.memref_slice %arg14[%dma_start3A_231, %dma_start3A_232] : memref<128x128xf32, #tpu.memory_space<vmem>> -> memref<8x128xf32, #tpu.memory_space<vmem>>
        %dma_start3A_234 = tpu.memref_slice %arg4[%multiple_of3A_223, %multiple_of3A_226] : memref<64x1000000xf32, #tpu.memory_space<hbm>> -> memref<8x128xf32, #tpu.memory_space<hbm>>
        tpu.enqueue_dma source(%dma_start3A_234 : memref<8x128xf32, #tpu.memory_space<hbm>>) target(%dma_start3A_233 : memref<8x128xf32, #tpu.memory_space<vmem>>) target_semaphore(%arg22 : memref<!tpu.dma_semaphore, #tpu.memory_space<semaphore_mem>>)
        %slice3A_235 = vector.extract_strided_slice %and3A_137 {offsets = [7], sizes = [1], strides = [1]} : vector<16xi32> to vector<1xi32>
        %squeeze3A_236 = vector.extract %slice3A_235[0] : i32 from vector<1xi32>
        %multiple_of3A_237 = tpu.assume_multiple %squeeze3A_236, 8 : i32
        %slice3A_238 = vector.extract_strided_slice %and3A_140 {offsets = [7], sizes = [1], strides = [1]} : vector<16xi32> to vector<1xi32>
        %squeeze3A_239 = vector.extract %slice3A_238[0] : i32 from vector<1xi32>
        %multiple_of3A_240 = tpu.assume_multiple %squeeze3A_239, 128 : i32
        %dma_start3A_241 = arith.constant 56 : i32
        %dma_start3A_242 = arith.constant 0 : i32
        %dma_start3A_243 = tpu.memref_slice %arg14[%dma_start3A_241, %dma_start3A_242] : memref<128x128xf32, #tpu.memory_space<vmem>> -> memref<8x128xf32, #tpu.memory_space<vmem>>
        %dma_start3A_244 = tpu.memref_slice %arg4[%multiple_of3A_237, %multiple_of3A_240] : memref<64x1000000xf32, #tpu.memory_space<hbm>> -> memref<8x128xf32, #tpu.memory_space<hbm>>
        %dma_start3A_245 = arith.constant 56 : i32
        %dma_start3A_246 = arith.constant 0 : i32
        %dma_start3A_247 = tpu.memref_slice %arg14[%dma_start3A_245, %dma_start3A_246] : memref<128x128xf32, #tpu.memory_space<vmem>> -> memref<8x128xf32, #tpu.memory_space<vmem>>
        %dma_start3A_248 = tpu.memref_slice %arg4[%multiple_of3A_237, %multiple_of3A_240] : memref<64x1000000xf32, #tpu.memory_space<hbm>> -> memref<8x128xf32, #tpu.memory_space<hbm>>
        tpu.enqueue_dma source(%dma_start3A_248 : memref<8x128xf32, #tpu.memory_space<hbm>>) target(%dma_start3A_247 : memref<8x128xf32, #tpu.memory_space<vmem>>) target_semaphore(%arg22 : memref<!tpu.dma_semaphore, #tpu.memory_space<semaphore_mem>>)
        %slice3A_249 = vector.extract_strided_slice %and3A_137 {offsets = [8], sizes = [1], strides = [1]} : vector<16xi32> to vector<1xi32>
        %squeeze3A_250 = vector.extract %slice3A_249[0] : i32 from vector<1xi32>
        %multiple_of3A_251 = tpu.assume_multiple %squeeze3A_250, 8 : i32
        %slice3A_252 = vector.extract_strided_slice %and3A_140 {offsets = [8], sizes = [1], strides = [1]} : vector<16xi32> to vector<1xi32>
        %squeeze3A_253 = vector.extract %slice3A_252[0] : i32 from vector<1xi32>
        %multiple_of3A_254 = tpu.assume_multiple %squeeze3A_253, 128 : i32
        %dma_start3A_255 = arith.constant 64 : i32
        %dma_start3A_256 = arith.constant 0 : i32
        %dma_start3A_257 = tpu.memref_slice %arg14[%dma_start3A_255, %dma_start3A_256] : memref<128x128xf32, #tpu.memory_space<vmem>> -> memref<8x128xf32, #tpu.memory_space<vmem>>
        %dma_start3A_258 = tpu.memref_slice %arg4[%multiple_of3A_251, %multiple_of3A_254] : memref<64x1000000xf32, #tpu.memory_space<hbm>> -> memref<8x128xf32, #tpu.memory_space<hbm>>
        %dma_start3A_259 = arith.constant 64 : i32
        %dma_start3A_260 = arith.constant 0 : i32
        %dma_start3A_261 = tpu.memref_slice %arg14[%dma_start3A_259, %dma_start3A_260] : memref<128x128xf32, #tpu.memory_space<vmem>> -> memref<8x128xf32, #tpu.memory_space<vmem>>
        %dma_start3A_262 = tpu.memref_slice %arg4[%multiple_of3A_251, %multiple_of3A_254] : memref<64x1000000xf32, #tpu.memory_space<hbm>> -> memref<8x128xf32, #tpu.memory_space<hbm>>
        tpu.enqueue_dma source(%dma_start3A_262 : memref<8x128xf32, #tpu.memory_space<hbm>>) target(%dma_start3A_261 : memref<8x128xf32, #tpu.memory_space<vmem>>) target_semaphore(%arg22 : memref<!tpu.dma_semaphore, #tpu.memory_space<semaphore_mem>>)
        %slice3A_263 = vector.extract_strided_slice %and3A_137 {offsets = [9], sizes = [1], strides = [1]} : vector<16xi32> to vector<1xi32>
        %squeeze3A_264 = vector.extract %slice3A_263[0] : i32 from vector<1xi32>
        %multiple_of3A_265 = tpu.assume_multiple %squeeze3A_264, 8 : i32
        %slice3A_266 = vector.extract_strided_slice %and3A_140 {offsets = [9], sizes = [1], strides = [1]} : vector<16xi32> to vector<1xi32>
        %squeeze3A_267 = vector.extract %slice3A_266[0] : i32 from vector<1xi32>
        %multiple_of3A_268 = tpu.assume_multiple %squeeze3A_267, 128 : i32
        %dma_start3A_269 = arith.constant 72 : i32
        %dma_start3A_270 = arith.constant 0 : i32
        %dma_start3A_271 = tpu.memref_slice %arg14[%dma_start3A_269, %dma_start3A_270] : memref<128x128xf32, #tpu.memory_space<vmem>> -> memref<8x128xf32, #tpu.memory_space<vmem>>
        %dma_start3A_272 = tpu.memref_slice %arg4[%multiple_of3A_265, %multiple_of3A_268] : memref<64x1000000xf32, #tpu.memory_space<hbm>> -> memref<8x128xf32, #tpu.memory_space<hbm>>
        %dma_start3A_273 = arith.constant 72 : i32
        %dma_start3A_274 = arith.constant 0 : i32
        %dma_start3A_275 = tpu.memref_slice %arg14[%dma_start3A_273, %dma_start3A_274] : memref<128x128xf32, #tpu.memory_space<vmem>> -> memref<8x128xf32, #tpu.memory_space<vmem>>
        %dma_start3A_276 = tpu.memref_slice %arg4[%multiple_of3A_265, %multiple_of3A_268] : memref<64x1000000xf32, #tpu.memory_space<hbm>> -> memref<8x128xf32, #tpu.memory_space<hbm>>
        tpu.enqueue_dma source(%dma_start3A_276 : memref<8x128xf32, #tpu.memory_space<hbm>>) target(%dma_start3A_275 : memref<8x128xf32, #tpu.memory_space<vmem>>) target_semaphore(%arg22 : memref<!tpu.dma_semaphore, #tpu.memory_space<semaphore_mem>>)
        %slice3A_277 = vector.extract_strided_slice %and3A_137 {offsets = [10], sizes = [1], strides = [1]} : vector<16xi32> to vector<1xi32>
        %squeeze3A_278 = vector.extract %slice3A_277[0] : i32 from vector<1xi32>
        %multiple_of3A_279 = tpu.assume_multiple %squeeze3A_278, 8 : i32
        %slice3A_280 = vector.extract_strided_slice %and3A_140 {offsets = [10], sizes = [1], strides = [1]} : vector<16xi32> to vector<1xi32>
        %squeeze3A_281 = vector.extract %slice3A_280[0] : i32 from vector<1xi32>
        %multiple_of3A_282 = tpu.assume_multiple %squeeze3A_281, 128 : i32
        %dma_start3A_283 = arith.constant 80 : i32
        %dma_start3A_284 = arith.constant 0 : i32
        %dma_start3A_285 = tpu.memref_slice %arg14[%dma_start3A_283, %dma_start3A_284] : memref<128x128xf32, #tpu.memory_space<vmem>> -> memref<8x128xf32, #tpu.memory_space<vmem>>
        %dma_start3A_286 = tpu.memref_slice %arg4[%multiple_of3A_279, %multiple_of3A_282] : memref<64x1000000xf32, #tpu.memory_space<hbm>> -> memref<8x128xf32, #tpu.memory_space<hbm>>
        %dma_start3A_287 = arith.constant 80 : i32
        %dma_start3A_288 = arith.constant 0 : i32
        %dma_start3A_289 = tpu.memref_slice %arg14[%dma_start3A_287, %dma_start3A_288] : memref<128x128xf32, #tpu.memory_space<vmem>> -> memref<8x128xf32, #tpu.memory_space<vmem>>
        %dma_start3A_290 = tpu.memref_slice %arg4[%multiple_of3A_279, %multiple_of3A_282] : memref<64x1000000xf32, #tpu.memory_space<hbm>> -> memref<8x128xf32, #tpu.memory_space<hbm>>
        tpu.enqueue_dma source(%dma_start3A_290 : memref<8x128xf32, #tpu.memory_space<hbm>>) target(%dma_start3A_289 : memref<8x128xf32, #tpu.memory_space<vmem>>) target_semaphore(%arg22 : memref<!tpu.dma_semaphore, #tpu.memory_space<semaphore_mem>>)
        %slice3A_291 = vector.extract_strided_slice %and3A_137 {offsets = [11], sizes = [1], strides = [1]} : vector<16xi32> to vector<1xi32>
        %squeeze3A_292 = vector.extract %slice3A_291[0] : i32 from vector<1xi32>
        %multiple_of3A_293 = tpu.assume_multiple %squeeze3A_292, 8 : i32
        %slice3A_294 = vector.extract_strided_slice %and3A_140 {offsets = [11], sizes = [1], strides = [1]} : vector<16xi32> to vector<1xi32>
        %squeeze3A_295 = vector.extract %slice3A_294[0] : i32 from vector<1xi32>
        %multiple_of3A_296 = tpu.assume_multiple %squeeze3A_295, 128 : i32
        %dma_start3A_297 = arith.constant 88 : i32
        %dma_start3A_298 = arith.constant 0 : i32
        %dma_start3A_299 = tpu.memref_slice %arg14[%dma_start3A_297, %dma_start3A_298] : memref<128x128xf32, #tpu.memory_space<vmem>> -> memref<8x128xf32, #tpu.memory_space<vmem>>
        %dma_start3A_300 = tpu.memref_slice %arg4[%multiple_of3A_293, %multiple_of3A_296] : memref<64x1000000xf32, #tpu.memory_space<hbm>> -> memref<8x128xf32, #tpu.memory_space<hbm>>
        %dma_start3A_301 = arith.constant 88 : i32
        %dma_start3A_302 = arith.constant 0 : i32
        %dma_start3A_303 = tpu.memref_slice %arg14[%dma_start3A_301, %dma_start3A_302] : memref<128x128xf32, #tpu.memory_space<vmem>> -> memref<8x128xf32, #tpu.memory_space<vmem>>
        %dma_start3A_304 = tpu.memref_slice %arg4[%multiple_of3A_293, %multiple_of3A_296] : memref<64x1000000xf32, #tpu.memory_space<hbm>> -> memref<8x128xf32, #tpu.memory_space<hbm>>
        tpu.enqueue_dma source(%dma_start3A_304 : memref<8x128xf32, #tpu.memory_space<hbm>>) target(%dma_start3A_303 : memref<8x128xf32, #tpu.memory_space<vmem>>) target_semaphore(%arg22 : memref<!tpu.dma_semaphore, #tpu.memory_space<semaphore_mem>>)
        %slice3A_305 = vector.extract_strided_slice %and3A_137 {offsets = [12], sizes = [1], strides = [1]} : vector<16xi32> to vector<1xi32>
        %squeeze3A_306 = vector.extract %slice3A_305[0] : i32 from vector<1xi32>
        %multiple_of3A_307 = tpu.assume_multiple %squeeze3A_306, 8 : i32
        %slice3A_308 = vector.extract_strided_slice %and3A_140 {offsets = [12], sizes = [1], strides = [1]} : vector<16xi32> to vector<1xi32>
        %squeeze3A_309 = vector.extract %slice3A_308[0] : i32 from vector<1xi32>
        %multiple_of3A_310 = tpu.assume_multiple %squeeze3A_309, 128 : i32
        %dma_start3A_311 = arith.constant 96 : i32
        %dma_start3A_312 = arith.constant 0 : i32
        %dma_start3A_313 = tpu.memref_slice %arg14[%dma_start3A_311, %dma_start3A_312] : memref<128x128xf32, #tpu.memory_space<vmem>> -> memref<8x128xf32, #tpu.memory_space<vmem>>
        %dma_start3A_314 = tpu.memref_slice %arg4[%multiple_of3A_307, %multiple_of3A_310] : memref<64x1000000xf32, #tpu.memory_space<hbm>> -> memref<8x128xf32, #tpu.memory_space<hbm>>
        %dma_start3A_315 = arith.constant 96 : i32
        %dma_start3A_316 = arith.constant 0 : i32
        %dma_start3A_317 = tpu.memref_slice %arg14[%dma_start3A_315, %dma_start3A_316] : memref<128x128xf32, #tpu.memory_space<vmem>> -> memref<8x128xf32, #tpu.memory_space<vmem>>
        %dma_start3A_318 = tpu.memref_slice %arg4[%multiple_of3A_307, %multiple_of3A_310] : memref<64x1000000xf32, #tpu.memory_space<hbm>> -> memref<8x128xf32, #tpu.memory_space<hbm>>
        tpu.enqueue_dma source(%dma_start3A_318 : memref<8x128xf32, #tpu.memory_space<hbm>>) target(%dma_start3A_317 : memref<8x128xf32, #tpu.memory_space<vmem>>) target_semaphore(%arg22 : memref<!tpu.dma_semaphore, #tpu.memory_space<semaphore_mem>>)
        %slice3A_319 = vector.extract_strided_slice %and3A_137 {offsets = [13], sizes = [1], strides = [1]} : vector<16xi32> to vector<1xi32>
        %squeeze3A_320 = vector.extract %slice3A_319[0] : i32 from vector<1xi32>
        %multiple_of3A_321 = tpu.assume_multiple %squeeze3A_320, 8 : i32
        %slice3A_322 = vector.extract_strided_slice %and3A_140 {offsets = [13], sizes = [1], strides = [1]} : vector<16xi32> to vector<1xi32>
        %squeeze3A_323 = vector.extract %slice3A_322[0] : i32 from vector<1xi32>
        %multiple_of3A_324 = tpu.assume_multiple %squeeze3A_323, 128 : i32
        %dma_start3A_325 = arith.constant 104 : i32
        %dma_start3A_326 = arith.constant 0 : i32
        %dma_start3A_327 = tpu.memref_slice %arg14[%dma_start3A_325, %dma_start3A_326] : memref<128x128xf32, #tpu.memory_space<vmem>> -> memref<8x128xf32, #tpu.memory_space<vmem>>
        %dma_start3A_328 = tpu.memref_slice %arg4[%multiple_of3A_321, %multiple_of3A_324] : memref<64x1000000xf32, #tpu.memory_space<hbm>> -> memref<8x128xf32, #tpu.memory_space<hbm>>
        %dma_start3A_329 = arith.constant 104 : i32
        %dma_start3A_330 = arith.constant 0 : i32
        %dma_start3A_331 = tpu.memref_slice %arg14[%dma_start3A_329, %dma_start3A_330] : memref<128x128xf32, #tpu.memory_space<vmem>> -> memref<8x128xf32, #tpu.memory_space<vmem>>
        %dma_start3A_332 = tpu.memref_slice %arg4[%multiple_of3A_321, %multiple_of3A_324] : memref<64x1000000xf32, #tpu.memory_space<hbm>> -> memref<8x128xf32, #tpu.memory_space<hbm>>
        tpu.enqueue_dma source(%dma_start3A_332 : memref<8x128xf32, #tpu.memory_space<hbm>>) target(%dma_start3A_331 : memref<8x128xf32, #tpu.memory_space<vmem>>) target_semaphore(%arg22 : memref<!tpu.dma_semaphore, #tpu.memory_space<semaphore_mem>>)
        %slice3A_333 = vector.extract_strided_slice %and3A_137 {offsets = [14], sizes = [1], strides = [1]} : vector<16xi32> to vector<1xi32>
        %squeeze3A_334 = vector.extract %slice3A_333[0] : i32 from vector<1xi32>
        %multiple_of3A_335 = tpu.assume_multiple %squeeze3A_334, 8 : i32
        %slice3A_336 = vector.extract_strided_slice %and3A_140 {offsets = [14], sizes = [1], strides = [1]} : vector<16xi32> to vector<1xi32>
        %squeeze3A_337 = vector.extract %slice3A_336[0] : i32 from vector<1xi32>
        %multiple_of3A_338 = tpu.assume_multiple %squeeze3A_337, 128 : i32
        %dma_start3A_339 = arith.constant 112 : i32
        %dma_start3A_340 = arith.constant 0 : i32
        %dma_start3A_341 = tpu.memref_slice %arg14[%dma_start3A_339, %dma_start3A_340] : memref<128x128xf32, #tpu.memory_space<vmem>> -> memref<8x128xf32, #tpu.memory_space<vmem>>
        %dma_start3A_342 = tpu.memref_slice %arg4[%multiple_of3A_335, %multiple_of3A_338] : memref<64x1000000xf32, #tpu.memory_space<hbm>> -> memref<8x128xf32, #tpu.memory_space<hbm>>
        %dma_start3A_343 = arith.constant 112 : i32
        %dma_start3A_344 = arith.constant 0 : i32
        %dma_start3A_345 = tpu.memref_slice %arg14[%dma_start3A_343, %dma_start3A_344] : memref<128x128xf32, #tpu.memory_space<vmem>> -> memref<8x128xf32, #tpu.memory_space<vmem>>
        %dma_start3A_346 = tpu.memref_slice %arg4[%multiple_of3A_335, %multiple_of3A_338] : memref<64x1000000xf32, #tpu.memory_space<hbm>> -> memref<8x128xf32, #tpu.memory_space<hbm>>
        tpu.enqueue_dma source(%dma_start3A_346 : memref<8x128xf32, #tpu.memory_space<hbm>>) target(%dma_start3A_345 : memref<8x128xf32, #tpu.memory_space<vmem>>) target_semaphore(%arg22 : memref<!tpu.dma_semaphore, #tpu.memory_space<semaphore_mem>>)
        %slice3A_347 = vector.extract_strided_slice %and3A_137 {offsets = [15], sizes = [1], strides = [1]} : vector<16xi32> to vector<1xi32>
        %squeeze3A_348 = vector.extract %slice3A_347[0] : i32 from vector<1xi32>
        %multiple_of3A_349 = tpu.assume_multiple %squeeze3A_348, 8 : i32
        %slice3A_350 = vector.extract_strided_slice %and3A_140 {offsets = [15], sizes = [1], strides = [1]} : vector<16xi32> to vector<1xi32>
        %squeeze3A_351 = vector.extract %slice3A_350[0] : i32 from vector<1xi32>
        %multiple_of3A_352 = tpu.assume_multiple %squeeze3A_351, 128 : i32
        %dma_start3A_353 = arith.constant 120 : i32
        %dma_start3A_354 = arith.constant 0 : i32
        %dma_start3A_355 = tpu.memref_slice %arg14[%dma_start3A_353, %dma_start3A_354] : memref<128x128xf32, #tpu.memory_space<vmem>> -> memref<8x128xf32, #tpu.memory_space<vmem>>
        %dma_start3A_356 = tpu.memref_slice %arg4[%multiple_of3A_349, %multiple_of3A_352] : memref<64x1000000xf32, #tpu.memory_space<hbm>> -> memref<8x128xf32, #tpu.memory_space<hbm>>
        %dma_start3A_357 = arith.constant 120 : i32
        %dma_start3A_358 = arith.constant 0 : i32
        %dma_start3A_359 = tpu.memref_slice %arg14[%dma_start3A_357, %dma_start3A_358] : memref<128x128xf32, #tpu.memory_space<vmem>> -> memref<8x128xf32, #tpu.memory_space<vmem>>
        %dma_start3A_360 = tpu.memref_slice %arg4[%multiple_of3A_349, %multiple_of3A_352] : memref<64x1000000xf32, #tpu.memory_space<hbm>> -> memref<8x128xf32, #tpu.memory_space<hbm>>
        tpu.enqueue_dma source(%dma_start3A_360 : memref<8x128xf32, #tpu.memory_space<hbm>>) target(%dma_start3A_359 : memref<8x128xf32, #tpu.memory_space<vmem>>) target_semaphore(%arg22 : memref<!tpu.dma_semaphore, #tpu.memory_space<semaphore_mem>>)
      } else {
      }
    }
    %scan3A_6 = arith.constant 6 : i32
    "tpu.region"() ({
      %run_scoped3A = tpu.sem_alloc : memref<!tpu.dma_semaphore, #tpu.memory_space<semaphore_mem>>
      %dma_start3A = tpu.memref_slice %arg5[%mul3A_2] : memref<16384xf32, #tpu.memory_space<hbm>> -> memref<512xf32, #tpu.memory_space<hbm>>
      %dma_start3A_7 = tpu.memref_slice %arg5[%mul3A_2] : memref<16384xf32, #tpu.memory_space<hbm>> -> memref<512xf32, #tpu.memory_space<hbm>>
      tpu.enqueue_dma source(%arg15 : memref<512xf32, #tpu.memory_space<vmem>>) target(%dma_start3A_7 : memref<512xf32, #tpu.memory_space<hbm>>) target_semaphore(%run_scoped3A : memref<!tpu.dma_semaphore, #tpu.memory_space<semaphore_mem>>)
      %dma_wait3A = tpu.memref_slice %arg5[%mul3A_2] : memref<16384xf32, #tpu.memory_space<hbm>> -> memref<512xf32, #tpu.memory_space<hbm>>
      %dma_wait3A_8 = tpu.memref_slice %arg5[%mul3A_2] : memref<16384xf32, #tpu.memory_space<hbm>> -> memref<512xf32, #tpu.memory_space<hbm>>
      tpu.wait_dma2 semaphore(%run_scoped3A : memref<!tpu.dma_semaphore, #tpu.memory_space<semaphore_mem>>) src(%arg15 : memref<512xf32, #tpu.memory_space<vmem>>) dst(%dma_wait3A_8 : memref<512xf32, #tpu.memory_space<hbm>>)
      tpu.yield
    }) : () -> ()
    return
  }
}

</mosaic_0001>

<sc_bundles>
// kernel: kernel.3.cloned.1.call-start
scs
__scs_entry_jumppad:
0x0: {  	(pc) =	sbr.rel $0x88, $3  }
0x1: {  	(tag) =	ssettag $0x0;
	lr =	simm.s32 $0x1  }
0x2: {  	[smem:$0x3F9E] =	sst lr;
	_ =	strace $0xD0000000  }
0x3: {  	_ = 	snop  }
0x4: {  	_ = 	snop  }
0x5: {  	_ = 	snop  }
0x6: {  	_ = 	snop  }
0x7: {  	_ = 	snop  }
__scs_overlays_trampoline_lowered:
0x8: {  	[smem:$0x3FAD] =	sst s0  }
0x9: {  	[smem:$0x3FAE] =	sst s1  }
0xa: {  	[smem:$0x3FAF] =	sst s2  }
0xb: {  	[smem:$0x3FB0] =	sst s3  }
0xc: {  	[smem:$0x3FB1] =	sst s4  }
0xd: {  	[smem:$0x3FB2] =	sst s5  }
0xe: {  	[smem:$0x3FB3] =	sst s6  }
0xf: {  	[smem:$0x3FB4] =	sst s7  }
0x10: {  	[smem:$0x3FB5] =	sst s8  }
0x11: {  	[smem:$0x3FB6] =	sst s9;
	s0 =	simm.s32 @!p0 $0x0  }
0x12: {  	s1 =	sld [smem:$0x3F9C];
	s0 =	simm.s32 @p0 $0x1  }
0x13: {  	[smem:$0x3FB7] =	sst s0;
	s0 =	simm.s32 @!p1 $0x0  }
0x14: {  	s2 =	sld [smem:$0x3F9B];
	s0 =	simm.s32 @p1 $0x1  }
0x15: {  	[smem:$0x3FB8] =	sst s0;
	s0 =	simm.s32 @!p2 $0x0  }
0x16: {  	s3 =	sld [smem:$0x3FDB];
	s0 =	simm.s32 @p2 $0x1  }
0x17: {  	s4 =	simm.s32 $0x1BF5;
	[smem:$0x3FBA] =	sst s0  }
0x18: {  	s0 =	sld [smem:$0x3F9D];
	_ =	swait.ge [sflag:s4], $0x0  }
0x19: {  	s7 =	sld [smem:$0x3F9E]  }
0x1a: {  	s8 =	sadd.s32 $0xFFFFE003, lr  }
0x1b: {  	s9 =	sadd.s32 $0xFFFFFEF7, lr;
	s5 =	simm.s32 $0xFFFFFFFF;
	p2 =	slt.u32 s8, $0xFFFFF086  }
0x1c: {  	p1 =	slt.u32 s9, $0xF7A;
	s5 =	simm.s32 @!p2 $0x0  }
0x1d: {  	s5 =	simm.s32 @p1 $0x1;
	p0 =	seq.s32 s7, s2  }
0x1e: {  	s7 =	smul.u32 @!p0 $0xF7A, s2;
	p2 =	seq.s32 @!p0 s5, $0x0  }
0x1f: {  	s9 =	smul.u32 $0xF7A, s1;
	s8 =	simm.s32 @!p0 $0x1BF5;
	p2 =	por !p2, p0  }
0x20: {  	[sflag:s8] =	ssyncset.s32 @!p0 $0xFFFFF086;
	s6 =	sadd.s32 @!p0 s3, s7;
	s7 =	simm.s32 @!p0 $0x108  }
0x21: {  	s3 =	sadd.s32 s3, s9;
	s6 =	sadd.s32 @!p0 $0x88, s6;
	s7 =	simm.s32 @p2 $0x1082  }
0x22: {  	[simem:s7], [sflag:s8] =	dma.local @!p0 [hbm:s6], $0xF7A  }
0x23: {  	s9 =	sor.u32 $0xD0000000, s2;
	s6 =	simm.s32 $0x108;
	_ =	swait.ge @!p0 [sflag:s8], $0x0  }
0x24: {  	s3 =	sadd.s32 $0x88, s3;
	s6 =	simm.s32 @!p1 $0x1082;
	[sflag:s4] =	ssyncset.s32 $0xFFFFF086  }
0x25: {  	[simem:s6], [sflag:s4] =	dma.local [hbm:s3], $0xF7A  }
0x26: {  	[smem:$0x3F9E] =	sst s1;
	(tag) =	ssettag s2;
	_ =	strace s9  }
0x27: {  	s1 =	sld [smem:$0x3FAE]  }
0x28: {  	s2 =	sld [smem:$0x3FAF]  }
0x29: {  	s4 =	sld [smem:$0x3FB1]  }
0x2a: {  	p0 =	seq.s32 s5, $0x0;
	s5 =	sld [smem:$0x3FB2]  }
0x2b: {  	s6 =	sld [smem:$0x3FB3]  }
0x2c: {  	s7 =	sld [smem:$0x3FB4]  }
0x2d: {  	s3 =	simm.s32 $0x108;
	s8 =	sld [smem:$0x3FB5]  }
0x2e: {  	s3 =	simm.s32 @!p0 $0x1082;
	s9 =	sld [smem:$0x3FB6]  }
0x2f: {  	lr =	sadd.s32 s0, s3;
	s0 =	sld [smem:$0x3FAD]  }
0x30: {  	s3 =	sld [smem:$0x3FB0]  }
0x31: {  	[smem:$0x3FB9] =	sst s10  }
0x32: {  	s10 =	sld [smem:$0x3FB7];
	_ =	sdelay $0x3  }
0x33: {  	p0 =	seq.s32 s10, $0x1;
	s10 =	sld [smem:$0x3FB9];
	_ =	sdelay $0x3  }
0x34: {  	[smem:$0x3FB9] =	sst s10  }
0x35: {  	s10 =	sld [smem:$0x3FB8];
	_ =	sdelay $0x3  }
0x36: {  	p1 =	seq.s32 s10, $0x1;
	s10 =	sld [smem:$0x3FB9];
	_ =	sdelay $0x3  }
0x37: {  	[smem:$0x3FB9] =	sst s10  }
0x38: {  	s10 =	sld [smem:$0x3FBA]  }
0x39: {  	_ = 	snop;
	(pc) =	sbr.ind lr, $3  }
0x3a: {  	_ = 	snop  }
0x3b: {  	_ = 	snop  }
0x3c: {  	p2 =	seq.s32 s10, $0x1;
	s10 =	sld [smem:$0x3FB9]  }
0x3d: {  	_ =	shalt  }
0x3e: {  	_ =	shalt  }
0x3f: {  	_ =	shalt  }
0x40: {  	_ =	shalt  }
0x41: {  	_ =	shalt  }
0x42: {  	_ =	shalt  }
0x43: {  	_ =	shalt  }
0x44: {  	_ =	shalt  }
0x45: {  	_ =	shalt  }
0x46: {  	_ =	shalt  }
0x47: {  	_ =	shalt  }
0x48: {  	_ =	shalt  }
0x49: {  	_ =	shalt  }
0x4a: {  	_ =	shalt  }
0x4b: {  	_ =	shalt  }
0x4c: {  	_ =	shalt  }
0x4d: {  	_ =	shalt  }
0x4e: {  	_ =	shalt  }
0x4f: {  	_ =	shalt  }
0x50: {  	_ =	shalt  }
0x51: {  	_ =	shalt  }
0x52: {  	_ =	shalt  }
0x53: {  	_ =	shalt  }
0x54: {  	_ =	shalt  }
0x55: {  	_ =	shalt  }
0x56: {  	_ =	shalt  }
0x57: {  	_ =	shalt  }
0x58: {  	_ =	shalt  }
0x59: {  	_ =	shalt  }
0x5a: {  	_ =	shalt  }
0x5b: {  	_ =	shalt  }
0x5c: {  	_ =	shalt  }
0x5d: {  	_ =	shalt  }
0x5e: {  	_ =	shalt  }
0x5f: {  	_ =	shalt  }
0x60: {  	_ =	shalt  }
0x61: {  	_ =	shalt  }
0x62: {  	_ =	shalt  }
0x63: {  	_ =	shalt  }
0x64: {  	_ =	shalt  }
0x65: {  	_ =	shalt  }
0x66: {  	_ =	shalt  }
0x67: {  	_ =	shalt  }
0x68: {  	_ =	shalt  }
0x69: {  	_ =	shalt  }
0x6a: {  	_ =	shalt  }
0x6b: {  	_ =	shalt  }
0x6c: {  	_ =	shalt  }
0x6d: {  	_ =	shalt  }
0x6e: {  	_ =	shalt  }
0x6f: {  	_ =	shalt  }
0x70: {  	_ =	shalt  }
0x71: {  	_ =	shalt  }
0x72: {  	_ =	shalt  }
0x73: {  	_ =	shalt  }
0x74: {  	_ =	shalt  }
0x75: {  	_ =	shalt  }
0x76: {  	_ =	shalt  }
0x77: {  	_ =	shalt  }
0x78: {  	_ =	shalt  }
0x79: {  	_ =	shalt  }
0x7a: {  	_ =	shalt  }
0x7b: {  	_ =	shalt  }
0x7c: {  	_ =	shalt  }
0x7d: {  	_ =	shalt  }
0x7e: {  	_ =	shalt  }
0x7f: {  	_ =	shalt  }
0x80: {  	_ =	shalt  }
0x81: {  	_ =	shalt  }
0x82: {  	_ =	shalt  }
0x83: {  	_ =	shalt  }
0x84: {  	_ =	shalt  }
0x85: {  	_ =	shalt  }
0x86: {  	_ =	shalt  }
0x87: {  	_ =	shalt  }
.Lfunc_end0:
.L_simem_size_0:
called_computation_lowered:
.L_overlay_start_0:
0x88: {  	s2 =	sld [smem:$0x3FD9]  }
0x89: {  	s3 =	sld [smem:$0x3FFE];
	_ =	sdelay $0x1  }
0x8a: {  	s1 =	srdreg.scid  }
0x8b: {  	s0 =	sand.u32 $0x1, s1  }
0x8c: {  	s18 =	sshll.u32 s0, $0xA;
	s2 =	sadd.s32 s3, s2  }
0x8d: {  	s2 =	sadd.s32 s2, s18  }
0x8e: {  	[smem:$0x3FC5] =	sst s2  }
0x8f: {  	_ = 	snop  }
0x90: {  	s2 =	sld [smem:$0x3FC9]  }
0x91: {  	s19 =	sld [smem:$0x3FC8]  }
0x92: {  	s4 =	sld [smem:$0x3FC7]  }
0x93: {  	s5 =	sld [smem:$0x3FD0];
	(tm) =	ssettm $0x1  }
0x94: {  	s6 =	sld [smem:$0x3FFB];
	_ =	sdelay $0x3  }
0x95: {  	_ =	strace s6  }
0x96: {  	s6 =	sld [smem:$0x3FFC];
	_ =	sdelay $0x3  }
0x97: {  	_ =	strace s6  }
0x98: {  	s6 =	sld [smem:$0x3FFD];
	_ =	sdelay $0x3  }
0x99: {  	_ =	strace s6  }
0x9a: {  	_ =	strace $0x8FFFFFFF  }
0x9b: {  	s20 =	sld [smem:$0x3FDB];
	_ =	sdelay $0x1  }
0x9c: {  	s7 =	simm.s32 $_scs_section_size  }
0x9d: {  	s8 =	simm.s32 $_size__tile_overlayer_lowered;
	s9 =	simm.s32 $_tile_overlayer_lowered  }
0x9e: {  	s23 =	simm.s32 $0x1BFF;
	s22 =	sshll.u32 s9, $0x1;
	s6 =	sadd.s32 s7, s20  }
0x9f: {  	s10 =	simm.s32 $0x0;
	s21 =	sshll.u32 s8, $0x1;
	s8 =	sadd.s32 s22, s6  }
0xa0: {  	[timem:s10], [sflag:s23] =	dma.local [hbm:s8], s21  }
0xa1: {  	_ =	swait.ge [sflag:s23], s21  }
0xa2: {  	s7 =	ssub.s32 $0x0, s21;
	[sflag:s23] =	ssyncset.done $0x0  }
0xa3: {  	[sflag:s23] =	ssyncadd.s32 s7;
	_ =	sdelay $0x1  }
0xa4: {  	s24 =	simm.s32 $0x1B8B  }
0xa5: {  	_ =	swait.ge [sflag:s24], $0x1  }
0xa6: {  	[sflag:s24] =	ssyncset.done $0x0  }
0xa7: {  	s25 =	simm.s32 $0x1B8E;
	[sflag:s24] =	ssyncadd.s32 $0xFFFFFFFF  }
0xa8: {  	s26 =	simm.s32 $execute0_lowered;
	[smem:$0x3FD2] =	sst s25  }
0xa9: {  	s7 =	sshll.u32 s26, $0x1;
	_ =	strace $0x80000046;
	[dreg:$0x1] =	wrdreg $0xFFFFFFFF  }
0xaa: {  	s28 =	simm.s32 $_size_execute0_lowered;
	s6 =	sadd.s32 s6, s7;
	[dreg:$0x0] =	wrdreg $0x0  }
0xab: {  	s7 =	sshll.u32 s28, $0x1;
	[dreg:$0x2] =	wrdreg s6  }
0xac: {  	[dreg:$0x3] =	wrdreg s7  }
0xad: {  	[dreg:$0x4] =	wrdreg $0xC0  }
0xae: {  	_ =	task [dreg:s10], $0x5FFFF  }
0xaf: {  	[dreg:$0x1] =	wrdreg $0xFFFFFFFF  }
0xb0: {  	[dreg:$0x0] =	wrdreg $0x60  }
0xb1: {  	[dreg:$0x2] =	wrdreg s2  }
0xb2: {  	[dreg:$0x3] =	wrdreg s19  }
0xb3: {  	[dreg:$0x4] =	wrdreg s4  }
0xb4: {  	[dreg:$0x5] =	wrdreg s5  }
0xb5: {  	[dreg:$0x6] =	wrdreg $0x9  }
0xb6: {  	_ =	task.clear_ibuf [dreg:s10], $0x7FFFF;
	_ =	strace $0x90000046  }
0xb7: {  	s29 =	simm.s32 $0x9;
	_ =	strace $0x80000048  }
0xb8: {  	_ =	swait.ge [sflag:s29], $0x1  }
0xb9: {  	[sflag:s29] =	ssyncadd.s32 $0xFFFFFFFF  }
0xba: {  	_ =	strace $0x90000048  }
0xbb: {  	_ =	sfence  }
0xbc: {  	s30 =	sld [smem:$0x0];
	_ =	sdelay $0x2  }
0xbd: {  	s31 =	sshll.u32 s1, $0xD;
	s1 =	sshrl.u32 s1, $0x2  }
0xbe: {  	s3 =	sand.u32 $0x4000, s31;
	s1 =	sadd.s32 s1, s30  }
0xbf: {  	s0 =	sor.u32 s3, s0;
	s1 =	sshll.u32 s1, $0x11  }
0xc0: {  	s0 =	sor.u32 s1, s0  }
0xc1: {  	s0 =	sadd.s32 $0x8F2B, s0  }
0xc2: {  	[sflag:s0] =	ssyncadd.remote.s32 $0x1  }
0xc3: {  	_ =	sfence.sel $0xFFFF  }
0xc4: {  	[dreg:$0x0] =	wrdreg $0xFFFFFFFF;
	(pc) =	sbr.abs _section_cstart, $3  }
0xc5: {  	[dreg:$0x1] =	wrdreg $0xFFFFFFFF  }
0xc6: {  	_ =	task.clear_ibuf [dreg:s10], $0x2FFFF;
	_ =	strace $0x9FFFFFFF  }
0xc7: {  	(tm) =	ssettm $0x7FFFFFFF  }
tec
execute0_lowered:
.L_overlay_start_1:
0x0: {  	(tag) =	ssettag $0x1  }
0x1: {  	s0 =	rddreg [dreg:$0x0]  }
0x2: {  	s2 =	rddreg [dreg:$0x1]  }
0x3: {  	s1 =	rddreg [dreg:$0x2]  }
0x4: {  	s4 =	rddreg [dreg:$0x3]  }
0x5: {  	s5 =	srdreg.scid;
	s3 =	simm.s32 $0x0;
	s8 =	stileid.u32  }
0x6: {  	s9 =	simm.s32 $0x2;
	s10 =	simm.s32 $0x4400;
	s11 =	simm.s32 $0x3  }
0x7: {  	s12 =	simm.s32 $0x8400;
	s13 =	simm.s32 $0x4;
	s14 =	simm.s32 $0xC400  }
0x8: {  	s22 =	simm.s32 $0xE000;
	s23 =	simm.s32 $0xE400;
	s28 =	simm.s32 $0xF400  }
0x9: {  	s29 =	simm.s32 $0xF800;
	s30 =	simm.s32 $0xFC00;
	s31 =	simm.s32 $0x10000  }
0xa: {  	s5 =	sand.u32 $0x1, s5;
	[smem:$0x7FF] =	sst s3;
	s8 =	sshll.u32 s8, $0x7  }
0xb: {  	s6 =	ssub.s32 $0x2, s5;
	s5 =	sshll.u32 s5, $0x6;
	_ =	strace $0x80000047  }
0xc: {  	s7 =	sshrl.u32 s6, $0x1;
	s5 =	sor.u32 s5, s8;
	s8 =	simm.s32 $0x0  }
0xd: {  	s6 =	ssub.s32 s6, s7;
	s0 =	sadd.s32 s0, s5;
	s24 =	sadd.s32 s2, s5  }
.Ltmp0:
0xe: {  	s25 =	sadd.s32 s4, s5;
	[dreg:$0x5] =	wrdreg s0;
	(pc) =	sbr.rel .LBB2_1-.Ltmp0, $4  }
0xf: {  	s5 =	simm.s32 $0x8;
	s2 =	simm.s32 $0x14400;
	[dreg:$0x6] =	wrdreg s24  }
0x10: {  	s7 =	simm.s32 $0x18400;
	[dreg:$0x7] =	wrdreg s25;
	s26 =	smax.u32 s6, $0x1  }
0x11: {  	v0 =	vlaneseq.u32;
	s24 =	simm.s32 $0xE800;
	s25 =	simm.s32 $0xEC00;
	s0 =	simm.s32 $0x6  }
0x12: {  	v0 =	vmul.u32 $0x400, v0;
	s6 =	simm.s32 $0x7;
	[dreg:$0x8] =	wrdreg s26;
	s26 =	simm.s32 $0xF000  }
.LBB2_19:
0x13: {  	s4 =	rddreg [dreg:$0x7];
	s5 =	simm.s32 $0x1C400  }
0x14: {  	[hbm4b:s4+s3] =	stream.linear.scatter [tilespmem:s5], [sflag:$0x8], $0x200, $0x38;
	[tilespmem:$0x1C600] =	vst v63  }
0x15: {  	s5 =	simm.s32 $0x8  }
0x16: {  	_ =	swait.ge [sflag:s5], $0x200  }
0x17: {  	s8 =	rddreg [dreg:$0x9]  }
0x18: {  	s21 =	rddreg [dreg:$0x8];
	s8 =	sadd.s32 $0x1, s8  }
0x19: {  	p0 =	sne.s32 s8, s21  }
.Ltmp1:
0x1a: {  	_ = 	snop;
	(pc) =	sbr.rel @!p0 .LBB2_20-.Ltmp1, $3  }
0x1b: {  	_ =	sdelay $0x1  }
0x1c: {  	[sflag:s5] =	ssyncset.done $0x0  }
0x1d: {  	[sflag:s5] =	ssyncadd.s32 $0xFFFFFE00  }
.LBB2_1:
0x1e: {  	[dreg:$0x9] =	wrdreg s8  }
0x1f: {  	s4 =	rddreg [dreg:$0x5]  }
0x20: {  	[tilespmem:s3], [sflag:$0x8] =	stream.linear.gather [hbm4b:s4+s3], $0x200, $0x38;
	[tilespmem:$0x1C600] =	vst v63  }
0x21: {  	_ =	swait.ge [sflag:s5], $0x200  }
0x22: {  	s15 =	simm.s32 $0x200;
	[sflag:s5] =	ssyncset.done $0x0  }
.Ltmp2:
0x23: {  	s21 =	rddreg [dreg:$0x6];
	[sflag:s5] =	ssyncadd.s32 $0xFFFFFE00;
	(pc) =	sbr.rel .LBB2_2-.Ltmp2, $4  }
0x24: {  	[tilespmem:s15], [sflag:$0x8] =	stream.linear.gather [hbm4b:s21+s3], $0x200, $0x38;
	[tilespmem:$0x1C600] =	vst v63  }
0x25: {  	s8 =	simm.s32 $0x0;
	_ =	swait.ge [sflag:s5], $0x200  }
0x26: {  	s18 =	simm.s32 $0x0;
	s17 =	simm.s32 $0x0;
	[sflag:s5] =	ssyncset.done $0x0  }
0x27: {  	s4 =	simm.s32 $0xFFFFFFF9;
	[sflag:s5] =	ssyncadd.s32 $0xFFFFFE00;
	s5 =	simm.s32 $0x1C3D0  }
.LBB2_17:
0x28: {  	v1 =	vld [tilespmem:s16+$0x260];
	_ =	sdelay $0x1  }
0x29: {  	v2 =	vld [tilespmem:s16+$0x60];
	_ =	sdelay $0x2  }
0x2a: {  	v1 =	vshrl.u32 v1, $0x3  }
0x2b: {  	v1 =	vmul.u32 $0xF4280, v1  }
0x2c: {  	v2 =	vand.u32 $0xFFFFFF80, v2  }
0x2d: {  	v2 =	vadd.s32 s1, v2;
	(v2sf) =	vpush v1, $0x0  }
0x2e: {  	(v2sf) =	vpush v2, $0x0  }
0x2f: {  	(v2sf) =	vpush v1, $0x1;
	_ =	sdelay $0x1  }
0x30: {  	(v2sf) =	vpush v2, $0x1  }
0x31: {  	(v2sf) =	vpush v1, $0x2;
	_ =	sdelay $0x1  }
0x32: {  	(v2sf) =	vpush v2, $0x2  }
0x33: {  	(v2sf) =	vpush v1, $0x3;
	_ =	sdelay $0x1  }
0x34: {  	(v2sf) =	vpush v2, $0x3  }
0x35: {  	(v2sf) =	vpush v1, $0x4;
	_ =	sdelay $0x1  }
0x36: {  	(v2sf) =	vpush v2, $0x4  }
0x37: {  	(v2sf) =	vpush v1, $0x5  }
0x38: {  	s20 =	spop (v2sf)  }
0x39: {  	(v2sf) =	vpush v2, $0x5;
	s19 =	spop (v2sf)  }
0x3a: {  	(v2sf) =	vpush v1, $0x6;
	s16 =	sadd.s32 s20, s19;
	s21 =	spop (v2sf)  }
0x3b: {  	[tilespmem:s7], [sflag:$0x7] =	stream.linear.gather [hbm4b:s16+s3], $0x400, $0x38;
	[tilespmem:$0x1C600] =	vst v63  }
0x3c: {  	(v2sf) =	vpush v2, $0x6;
	s20 =	spop (v2sf)  }
0x3d: {  	(v2sf) =	vpush v1, $0x7;
	s16 =	sadd.s32 s21, s20;
	s21 =	spop (v2sf);
	s20 =	simm.s32 $0x18800  }
0x3e: {  	[tilespmem:s20], [sflag:$0x7] =	stream.linear.gather [hbm4b:s16+s3], $0x400, $0x38;
	[tilespmem:$0x1C600] =	vst v63  }
0x3f: {  	(v2sf) =	vpush v2, $0x7;
	s20 =	spop (v2sf)  }
0x40: {  	(v2sf) =	vpush v1, $0x8;
	s16 =	sadd.s32 s21, s20;
	s19 =	spop (v2sf);
	s21 =	simm.s32 $0x18C00  }
0x41: {  	[tilespmem:s21], [sflag:$0x7] =	stream.linear.gather [hbm4b:s16+s3], $0x400, $0x38;
	[tilespmem:$0x1C600] =	vst v63  }
0x42: {  	(v2sf) =	vpush v2, $0x8;
	s20 =	spop (v2sf)  }
0x43: {  	(v2sf) =	vpush v1, $0x9;
	s21 =	simm.s32 $0x19000;
	s16 =	sadd.s32 s19, s20;
	s19 =	spop (v2sf)  }
0x44: {  	[tilespmem:s21], [sflag:$0x7] =	stream.linear.gather [hbm4b:s16+s3], $0x400, $0x38;
	[tilespmem:$0x1C600] =	vst v63  }
0x45: {  	(v2sf) =	vpush v2, $0x9;
	s20 =	spop (v2sf)  }
0x46: {  	(v2sf) =	vpush v1, $0xA;
	s21 =	simm.s32 $0x19400;
	s16 =	sadd.s32 s19, s20;
	s19 =	spop (v2sf)  }
0x47: {  	[tilespmem:s21], [sflag:$0x7] =	stream.linear.gather [hbm4b:s16+s3], $0x400, $0x38;
	[tilespmem:$0x1C600] =	vst v63  }
0x48: {  	s20 =	spop (v2sf);
	(v2sf) =	vpush v2, $0xA  }
0x49: {  	s21 =	simm.s32 $0x19800;
	s16 =	sadd.s32 s19, s20;
	s19 =	spop (v2sf);
	(v2sf) =	vpush v1, $0xB  }
0x4a: {  	[tilespmem:s21], [sflag:$0x7] =	stream.linear.gather [hbm4b:s16+s3], $0x400, $0x38;
	[tilespmem:$0x1C600] =	vst v63  }
0x4b: {  	s20 =	spop (v2sf);
	(v2sf) =	vpush v2, $0xB  }
0x4c: {  	s21 =	simm.s32 $0x19C00;
	s16 =	sadd.s32 s19, s20;
	s19 =	spop (v2sf);
	(v2sf) =	vpush v1, $0xC  }
0x4d: {  	[tilespmem:s21], [sflag:$0x7] =	stream.linear.gather [hbm4b:s16+s3], $0x400, $0x38;
	[tilespmem:$0x1C600] =	vst v63  }
0x4e: {  	s20 =	spop (v2sf);
	(v2sf) =	vpush v2, $0xC  }
0x4f: {  	s21 =	simm.s32 $0x1A000;
	s16 =	sadd.s32 s19, s20;
	s19 =	spop (v2sf);
	(v2sf) =	vpush v1, $0xD  }
0x50: {  	[tilespmem:s21], [sflag:$0x7] =	stream.linear.gather [hbm4b:s16+s3], $0x400, $0x38;
	[tilespmem:$0x1C600] =	vst v63  }
0x51: {  	s20 =	spop (v2sf);
	(v2sf) =	vpush v2, $0xD  }
0x52: {  	s21 =	simm.s32 $0x1A400;
	s16 =	sadd.s32 s19, s20;
	s19 =	spop (v2sf);
	(v2sf) =	vpush v1, $0xE  }
0x53: {  	[tilespmem:s21], [sflag:$0x7] =	stream.linear.gather [hbm4b:s16+s3], $0x400, $0x38;
	[tilespmem:$0x1C600] =	vst v63  }
0x54: {  	s20 =	spop (v2sf);
	(v2sf) =	vpush v2, $0xE  }
0x55: {  	s21 =	simm.s32 $0x1A800;
	s16 =	sadd.s32 s19, s20;
	s19 =	spop (v2sf);
	(v2sf) =	vpush v1, $0xF  }
0x56: {  	[tilespmem:s21], [sflag:$0x7] =	stream.linear.gather [hbm4b:s16+s3], $0x400, $0x38;
	[tilespmem:$0x1C600] =	vst v63  }
0x57: {  	s20 =	spop (v2sf);
	(v2sf) =	vpush v2, $0xF  }
0x58: {  	s21 =	simm.s32 $0x1AC00;
	s16 =	sadd.s32 s19, s20;
	s19 =	spop (v2sf)  }
0x59: {  	[tilespmem:s21], [sflag:$0x7] =	stream.linear.gather [hbm4b:s16+s3], $0x400, $0x38;
	[tilespmem:$0x1C600] =	vst v63  }
0x5a: {  	s20 =	spop (v2sf)  }
0x5b: {  	s21 =	simm.s32 $0x1B000;
	s16 =	sadd.s32 s19, s20;
	s19 =	spop (v2sf)  }
0x5c: {  	[tilespmem:s21], [sflag:$0x7] =	stream.linear.gather [hbm4b:s16+s3], $0x400, $0x38;
	[tilespmem:$0x1C600] =	vst v63  }
0x5d: {  	s20 =	spop (v2sf)  }
0x5e: {  	s21 =	simm.s32 $0x1B400;
	s16 =	sadd.s32 s19, s20;
	s19 =	spop (v2sf)  }
0x5f: {  	[tilespmem:s21], [sflag:$0x7] =	stream.linear.gather [hbm4b:s16+s3], $0x400, $0x38;
	[tilespmem:$0x1C600] =	vst v63  }
0x60: {  	s20 =	spop (v2sf)  }
0x61: {  	s21 =	simm.s32 $0x1B800;
	s16 =	sadd.s32 s19, s20;
	s19 =	spop (v2sf)  }
0x62: {  	[tilespmem:s21], [sflag:$0x7] =	stream.linear.gather [hbm4b:s16+s3], $0x400, $0x38;
	[tilespmem:$0x1C600] =	vst v63  }
0x63: {  	s20 =	spop (v2sf)  }
0x64: {  	s21 =	simm.s32 $0x1BC00;
	s16 =	sadd.s32 s19, s20;
	s19 =	spop (v2sf)  }
0x65: {  	[tilespmem:s21], [sflag:$0x7] =	stream.linear.gather [hbm4b:s16+s3], $0x400, $0x38;
	[tilespmem:$0x1C600] =	vst v63  }
0x66: {  	s20 =	spop (v2sf)  }
0x67: {  	s21 =	simm.s32 $0x1C000;
	s16 =	sadd.s32 s19, s20  }
0x68: {  	[tilespmem:s21], [sflag:$0x7] =	stream.linear.gather [hbm4b:s16+s3], $0x400, $0x38;
	[tilespmem:$0x1C600] =	vst v63  }
.LBB2_18:
0x69: {  	s4 =	sadd.s32 $0x7, s4  }
0x6a: {  	p0 =	sne.s32 s4, $0x23  }
.Ltmp3:
0x6b: {  	_ = 	snop;
	(pc) =	sbr.rel @!p0 .LBB2_19-.Ltmp3, $3  }
0x6c: {  	_ =	sdelay $0x1  }
0x6d: {  	s17 =	sadd.s32 $0x1, s17;
	s18 =	sadd.s32 $0x70, s18  }
0x6e: {  	s5 =	sadd.s32 $0x70, s5;
	s15 =	sadd.s32 $0x70, s15;
	s8 =	sadd.s32 $0x70, s8  }
.LBB2_2:
0x6f: {  	p0 =	sgt.u32 s4, $0x1F  }
0x70: {  	s16 =	simm.s32 @!p0 $0x1  }
0x71: {  	_ =	swait.ge @!p0 [sflag:s16], $0x2000  }
0x72: {  	[sflag:s16] =	ssyncset.done @!p0 $0x0  }
0x73: {  	[sflag:s16] =	ssyncadd.s32 @!p0 $0xFFFFE000  }
0x74: {  	_ =	swait.ge @!p0 [sflag:s16], $0x2000  }
0x75: {  	[sflag:s16] =	ssyncset.done @!p0 $0x0  }
0x76: {  	[sflag:s16] =	ssyncadd.s32 @!p0 $0xFFFFE000  }
0x77: {  	v1 =	vld @!p0 [tilespmem:s15+$0xFFFFFF90];
	_ =	sdelay $0x1  }
0x78: {  	v2 =	vld @!p0 [tilespmem:s8+$0xFFFFFF90];
	_ =	sdelay $0x1  }
0x79: {  	v3 =	vlaneseq.u32 @!p0  }
0x7a: {  	v3 =	vmul.u32 @!p0 $0x400, v3;
	v1 =	vand.u32 @!p0 $0x7, v1  }
0x7b: {  	v1 =	vshll.u32 @!p0 v1, $0x7  }
0x7c: {  	v2 =	vand.u32 @!p0 $0x7F, v2;
	v1 =	vor.u32 @!p0 v3, v1  }
0x7d: {  	v1 =	vor.u32 @!p0 v2, v1;
	_ =	sdelay $0x3  }
0x7e: {  	s16 =	simm.s32 @!p0 $0x400  }
0x7f: {  	v1 =	vld.idx.msk @!p0 [tilespmem:v1+s16+$0x0], $0xffff;
	_ =	sdelay $0x4  }
0x80: {  	v1 =	vsub.f32 @!p0 $0.0e+00, v1;
	_ =	sdelay $0x1  }
0x81: {  	v1 =	vmul.f32 @!p0 $1.442695020e+00, v1;
	_ =	sdelay $0x1  }
0x82: {  	(erf) = vpow2.f32 @!p0 v1;
	_ =	sdelay $0x8  }
0x83: {  	v1 =	vpop @!p0 (erf)  }
0x84: {  	v1 =	vadd.f32 @!p0 $1.000000000e+00, v1;
	_ =	sdelay $0x1  }
0x85: {  	(erf) = vrcp.f32 @!p0 v1;
	_ =	sdelay $0x8  }
0x86: {  	v1 =	vpop @!p0 (erf)  }
0x87: {  	[tilespmem:s5+$0xFFFFFFC0] =	vst @!p0 v1;
	p0 =	seq.s32 s4, $0x1C  }
0x88: {  	v1 =	vld @!p0 [tilespmem:s15+$0x0];
	_ =	sdelay $0x1  }
0x89: {  	v2 =	vld @!p0 [tilespmem:s8+$0x0];
	_ =	sdelay $0x2  }
0x8a: {  	v1 =	vshrl.u32 @!p0 v1, $0x3  }
0x8b: {  	v1 =	vmul.u32 @!p0 $0xF4280, v1  }
0x8c: {  	v2 =	vand.u32 @!p0 $0xFFFFFF80, v2  }
0x8d: {  	v2 =	vadd.s32 @!p0 s1, v2;
	(v2sf) =	vpush @!p0 v1, $0x0  }
0x8e: {  	(v2sf) =	vpush @!p0 v2, $0x0;
	_ =	sdelay $0x2  }
0x8f: {  	(v2sf) =	vpush @!p0 v1, $0x1  }
0x90: {  	(v2sf) =	vpush @!p0 v2, $0x1;
	_ =	sdelay $0x2  }
0x91: {  	(v2sf) =	vpush @!p0 v1, $0x2  }
0x92: {  	(v2sf) =	vpush @!p0 v2, $0x2;
	_ =	sdelay $0x2  }
0x93: {  	(v2sf) =	vpush @!p0 v1, $0x3  }
0x94: {  	(v2sf) =	vpush @!p0 v2, $0x3;
	_ =	sdelay $0x1  }
0x95: {  	s16 =	spop @!p0 (v2sf)  }
0x96: {  	(v2sf) =	vpush @!p0 v1, $0x4;
	s19 =	spop @!p0 (v2sf)  }
0x97: {  	s20 =	simm.s32 @!p0 $0x400;
	(v2sf) =	vpush @!p0 v2, $0x4;
	s19 =	sadd.s32 @!p0 s16, s19;
	s16 =	simm.s32 @!p0 $0x0  }
0x98: {  	[tilespmem:s20], [sflag:$0x1] =	stream.linear.gather @!p0 [hbm4b:s19+s16], $0x400, $0x38;
	[tilespmem:$0x1C600] =	vst v63  }
0x99: {  	s19 =	spop @!p0 (v2sf)  }
0x9a: {  	(v2sf) =	vpush @!p0 v1, $0x5;
	s20 =	spop @!p0 (v2sf)  }
0x9b: {  	(v2sf) =	vpush @!p0 v2, $0x5;
	s19 =	sadd.s32 @!p0 s19, s20;
	s20 =	simm.s32 @!p0 $0x800  }
0x9c: {  	[tilespmem:s20], [sflag:$0x1] =	stream.linear.gather @!p0 [hbm4b:s19+s16], $0x400, $0x38;
	[tilespmem:$0x1C600] =	vst v63  }
0x9d: {  	s19 =	spop @!p0 (v2sf)  }
0x9e: {  	(v2sf) =	vpush @!p0 v1, $0x6;
	s20 =	spop @!p0 (v2sf)  }
0x9f: {  	(v2sf) =	vpush @!p0 v2, $0x6;
	s19 =	sadd.s32 @!p0 s19, s20;
	s20 =	simm.s32 @!p0 $0xC00  }
0xa0: {  	[tilespmem:s20], [sflag:$0x1] =	stream.linear.gather @!p0 [hbm4b:s19+s16], $0x400, $0x38;
	[tilespmem:$0x1C600] =	vst v63  }
0xa1: {  	s19 =	spop @!p0 (v2sf)  }
0xa2: {  	(v2sf) =	vpush @!p0 v1, $0x7;
	s20 =	spop @!p0 (v2sf)  }
0xa3: {  	(v2sf) =	vpush @!p0 v2, $0x7;
	s19 =	sadd.s32 @!p0 s19, s20;
	s20 =	simm.s32 @!p0 $0x1000  }
0xa4: {  	[tilespmem:s20], [sflag:$0x1] =	stream.linear.gather @!p0 [hbm4b:s19+s16], $0x400, $0x38;
	[tilespmem:$0x1C600] =	vst v63  }
0xa5: {  	s19 =	spop @!p0 (v2sf)  }
0xa6: {  	(v2sf) =	vpush @!p0 v1, $0x8;
	s20 =	spop @!p0 (v2sf)  }
0xa7: {  	(v2sf) =	vpush @!p0 v2, $0x8;
	s19 =	sadd.s32 @!p0 s19, s20;
	s20 =	simm.s32 @!p0 $0x1400  }
0xa8: {  	[tilespmem:s20], [sflag:$0x1] =	stream.linear.gather @!p0 [hbm4b:s19+s16], $0x400, $0x38;
	[tilespmem:$0x1C600] =	vst v63  }
0xa9: {  	s19 =	spop @!p0 (v2sf)  }
0xaa: {  	(v2sf) =	vpush @!p0 v1, $0x9;
	s20 =	spop @!p0 (v2sf)  }
0xab: {  	(v2sf) =	vpush @!p0 v2, $0x9;
	s19 =	sadd.s32 @!p0 s19, s20;
	s20 =	simm.s32 @!p0 $0x1800  }
0xac: {  	[tilespmem:s20], [sflag:$0x1] =	stream.linear.gather @!p0 [hbm4b:s19+s16], $0x400, $0x38;
	[tilespmem:$0x1C600] =	vst v63  }
0xad: {  	s19 =	spop @!p0 (v2sf)  }
0xae: {  	(v2sf) =	vpush @!p0 v1, $0xA;
	s20 =	spop @!p0 (v2sf)  }
0xaf: {  	(v2sf) =	vpush @!p0 v2, $0xA;
	s19 =	sadd.s32 @!p0 s19, s20;
	s20 =	simm.s32 @!p0 $0x1C00  }
0xb0: {  	[tilespmem:s20], [sflag:$0x1] =	stream.linear.gather @!p0 [hbm4b:s19+s16], $0x400, $0x38;
	[tilespmem:$0x1C600] =	vst v63  }
0xb1: {  	s19 =	spop @!p0 (v2sf)  }
0xb2: {  	(v2sf) =	vpush @!p0 v1, $0xB;
	s20 =	spop @!p0 (v2sf)  }
0xb3: {  	(v2sf) =	vpush @!p0 v2, $0xB;
	s19 =	sadd.s32 @!p0 s19, s20;
	s20 =	simm.s32 @!p0 $0x2000  }
0xb4: {  	[tilespmem:s20], [sflag:$0x1] =	stream.linear.gather @!p0 [hbm4b:s19+s16], $0x400, $0x38;
	[tilespmem:$0x1C600] =	vst v63  }
0xb5: {  	s19 =	spop @!p0 (v2sf)  }
0xb6: {  	(v2sf) =	vpush @!p0 v1, $0xC;
	s20 =	spop @!p0 (v2sf)  }
0xb7: {  	(v2sf) =	vpush @!p0 v2, $0xC;
	s19 =	sadd.s32 @!p0 s19, s20;
	s20 =	simm.s32 @!p0 $0x2400  }
0xb8: {  	[tilespmem:s20], [sflag:$0x1] =	stream.linear.gather @!p0 [hbm4b:s19+s16], $0x400, $0x38;
	[tilespmem:$0x1C600] =	vst v63  }
0xb9: {  	s19 =	spop @!p0 (v2sf)  }
0xba: {  	(v2sf) =	vpush @!p0 v1, $0xD;
	s20 =	spop @!p0 (v2sf)  }
0xbb: {  	(v2sf) =	vpush @!p0 v2, $0xD;
	s19 =	sadd.s32 @!p0 s19, s20;
	s20 =	simm.s32 @!p0 $0x2800  }
0xbc: {  	[tilespmem:s20], [sflag:$0x1] =	stream.linear.gather @!p0 [hbm4b:s19+s16], $0x400, $0x38;
	[tilespmem:$0x1C600] =	vst v63  }
0xbd: {  	s19 =	spop @!p0 (v2sf)  }
0xbe: {  	(v2sf) =	vpush @!p0 v1, $0xE;
	s20 =	spop @!p0 (v2sf)  }
0xbf: {  	(v2sf) =	vpush @!p0 v2, $0xE;
	s19 =	sadd.s32 @!p0 s19, s20;
	s20 =	simm.s32 @!p0 $0x2C00  }
0xc0: {  	[tilespmem:s20], [sflag:$0x1] =	stream.linear.gather @!p0 [hbm4b:s19+s16], $0x400, $0x38;
	[tilespmem:$0x1C600] =	vst v63  }
0xc1: {  	s19 =	spop @!p0 (v2sf)  }
0xc2: {  	(v2sf) =	vpush @!p0 v1, $0xF;
	s20 =	spop @!p0 (v2sf)  }
0xc3: {  	(v2sf) =	vpush @!p0 v2, $0xF;
	s19 =	sadd.s32 @!p0 s19, s20;
	s20 =	simm.s32 @!p0 $0x3000  }
0xc4: {  	[tilespmem:s20], [sflag:$0x1] =	stream.linear.gather @!p0 [hbm4b:s19+s16], $0x400, $0x38;
	[tilespmem:$0x1C600] =	vst v63  }
0xc5: {  	s19 =	spop @!p0 (v2sf)  }
0xc6: {  	s20 =	spop @!p0 (v2sf)  }
0xc7: {  	s19 =	sadd.s32 @!p0 s19, s20;
	s20 =	simm.s32 @!p0 $0x3400  }
0xc8: {  	[tilespmem:s20], [sflag:$0x1] =	stream.linear.gather @!p0 [hbm4b:s19+s16], $0x400, $0x38;
	[tilespmem:$0x1C600] =	vst v63  }
0xc9: {  	s19 =	spop @!p0 (v2sf)  }
0xca: {  	s20 =	spop @!p0 (v2sf)  }
0xcb: {  	s19 =	sadd.s32 @!p0 s19, s20;
	s20 =	simm.s32 @!p0 $0x3800  }
0xcc: {  	[tilespmem:s20], [sflag:$0x1] =	stream.linear.gather @!p0 [hbm4b:s19+s16], $0x400, $0x38;
	[tilespmem:$0x1C600] =	vst v63  }
0xcd: {  	s19 =	spop @!p0 (v2sf)  }
0xce: {  	s20 =	spop @!p0 (v2sf)  }
0xcf: {  	s19 =	sadd.s32 @!p0 s19, s20;
	s20 =	simm.s32 @!p0 $0x3C00  }
0xd0: {  	[tilespmem:s20], [sflag:$0x1] =	stream.linear.gather @!p0 [hbm4b:s19+s16], $0x400, $0x38;
	[tilespmem:$0x1C600] =	vst v63  }
0xd1: {  	s19 =	spop @!p0 (v2sf)  }
0xd2: {  	s20 =	spop @!p0 (v2sf)  }
0xd3: {  	s19 =	sadd.s32 @!p0 s19, s20;
	s20 =	simm.s32 @!p0 $0x4000  }
0xd4: {  	[tilespmem:s20], [sflag:$0x1] =	stream.linear.gather @!p0 [hbm4b:s19+s16], $0x400, $0x38;
	[tilespmem:$0x1C600] =	vst v63  }
0xd5: {  	s16 =	sadd.s32 @!p0 $0x1, s4  }
0xd6: {  	p1 =	sgt.u32 @!p0 s16, $0x1F  }
0xd7: {  	p1 =	por p0, !p1  }
.Ltmp4:
0xd8: {  	_ = 	snop;
	(pc) =	sbr.rel @!p1 .LBB2_3-.Ltmp4, $1  }
0xd9: {  	_ =	sdelay $0x3  }
0xda: {  	_ =	swait.ge [sflag:s9], $0x2000  }
0xdb: {  	[sflag:s9] =	ssyncset.done $0x0  }
0xdc: {  	[sflag:s9] =	ssyncadd.s32 $0xFFFFE000  }
0xdd: {  	_ =	swait.ge [sflag:s9], $0x2000  }
0xde: {  	s16 =	simm.s32 @p0 $0x1D;
	[sflag:s9] =	ssyncset.done $0x0  }
0xdf: {  	s16 =	sshll.u32 s16, $0x4;
	[sflag:s9] =	ssyncadd.s32 $0xFFFFE000  }
0xe0: {  	v1 =	vld [tilespmem:s16+$0x200];
	_ =	sdelay $0x1  }
0xe1: {  	v2 =	vld [tilespmem:s16+$0x0];
	_ =	sdelay $0x2  }
0xe2: {  	v1 =	vand.u32 $0x7, v1  }
0xe3: {  	v1 =	vshll.u32 v1, $0x7  }
0xe4: {  	v2 =	vand.u32 $0x7F, v2;
	v1 =	vor.u32 v0, v1  }
0xe5: {  	v1 =	vor.u32 v2, v1;
	_ =	sdelay $0x4  }
0xe6: {  	v1 =	vld.idx.msk [tilespmem:v1+s10+$0x0], $0xffff;
	_ =	sdelay $0x4  }
0xe7: {  	v1 =	vsub.f32 $0.0e+00, v1;
	_ =	sdelay $0x1  }
0xe8: {  	v1 =	vmul.f32 $1.442695020e+00, v1;
	_ =	sdelay $0x1  }
0xe9: {  	(erf) = vpow2.f32 v1;
	_ =	sdelay $0x8  }
0xea: {  	v1 =	vpop (erf)  }
0xeb: {  	v1 =	vadd.f32 $1.000000000e+00, v1;
	_ =	sdelay $0x1  }
0xec: {  	(erf) = vrcp.f32 v1;
	_ =	sdelay $0x5  }
.Ltmp5:
0xed: {  	_ = 	snop;
	(pc) =	sbr.rel @p0 .LBB2_7-.Ltmp5, $3  }
0xee: {  	_ =	sdelay $0x1  }
0xef: {  	v1 =	vpop (erf)  }
0xf0: {  	s19 =	simm.s32 $0x1E;
	[tilespmem:s16+$0x1C400] =	vst v1  }
.Ltmp6:
0xf1: {  	(pc) =	sbr.rel .LBB2_6-.Ltmp6, $2  }
0xf2: {  	_ =	sdelay $0x1  }
0xf3: {  	s16 =	smul.u32 $0x70, s17;
	_ =	sdelay $0x1  }
.LBB2_3:
0xf4: {  	s16 =	smul.u32 @!p0 $0x70, s17  }
.LBB2_6:
0xf5: {  	v1 =	vld [tilespmem:s15+$0x10];
	_ =	sdelay $0x1  }
0xf6: {  	v2 =	vld [tilespmem:s8+$0x10];
	_ =	sdelay $0x2  }
0xf7: {  	v1 =	vshrl.u32 v1, $0x3  }
0xf8: {  	v1 =	vmul.u32 $0xF4280, v1  }
0xf9: {  	v2 =	vand.u32 $0xFFFFFF80, v2  }
0xfa: {  	v2 =	vadd.s32 s1, v2;
	(v2sf) =	vpush v1, $0x0  }
0xfb: {  	(v2sf) =	vpush v2, $0x0  }
0xfc: {  	(v2sf) =	vpush v1, $0x1;
	_ =	sdelay $0x1  }
0xfd: {  	(v2sf) =	vpush v2, $0x1  }
0xfe: {  	(v2sf) =	vpush v1, $0x2;
	_ =	sdelay $0x1  }
0xff: {  	(v2sf) =	vpush v2, $0x2  }
0x100: {  	(v2sf) =	vpush v1, $0x3;
	_ =	sdelay $0x1  }
0x101: {  	(v2sf) =	vpush v2, $0x3  }
0x102: {  	(v2sf) =	vpush v1, $0x4;
	_ =	sdelay $0x1  }
0x103: {  	(v2sf) =	vpush v2, $0x4  }
0x104: {  	(v2sf) =	vpush v1, $0x5  }
0x105: {  	s19 =	spop (v2sf)  }
0x106: {  	(v2sf) =	vpush v2, $0x5;
	s20 =	spop (v2sf)  }
0x107: {  	(v2sf) =	vpush v1, $0x6;
	s19 =	sadd.s32 s19, s20;
	s20 =	spop (v2sf)  }
0x108: {  	[tilespmem:s10], [sflag:$0x2] =	stream.linear.gather [hbm4b:s19+s3], $0x400, $0x38;
	[tilespmem:$0x1C600] =	vst v63  }
0x109: {  	(v2sf) =	vpush v2, $0x6;
	s21 =	spop (v2sf)  }
0x10a: {  	(v2sf) =	vpush v1, $0x7;
	s19 =	sadd.s32 s20, s21;
	s20 =	spop (v2sf);
	s21 =	simm.s32 $0x4800  }
0x10b: {  	[tilespmem:s21], [sflag:$0x2] =	stream.linear.gather [hbm4b:s19+s3], $0x400, $0x38;
	[tilespmem:$0x1C600] =	vst v63  }
0x10c: {  	(v2sf) =	vpush v2, $0x7;
	s21 =	spop (v2sf)  }
0x10d: {  	(v2sf) =	vpush v1, $0x8;
	s19 =	sadd.s32 s20, s21;
	s20 =	spop (v2sf);
	s21 =	simm.s32 $0x4C00  }
0x10e: {  	[tilespmem:s21], [sflag:$0x2] =	stream.linear.gather [hbm4b:s19+s3], $0x400, $0x38;
	[tilespmem:$0x1C600] =	vst v63  }
0x10f: {  	(v2sf) =	vpush v2, $0x8;
	s21 =	spop (v2sf)  }
0x110: {  	(v2sf) =	vpush v1, $0x9;
	s19 =	sadd.s32 s20, s21;
	s20 =	spop (v2sf);
	s21 =	simm.s32 $0x5000  }
0x111: {  	[tilespmem:s21], [sflag:$0x2] =	stream.linear.gather [hbm4b:s19+s3], $0x400, $0x38;
	[tilespmem:$0x1C600] =	vst v63  }
0x112: {  	(v2sf) =	vpush v2, $0x9;
	s21 =	spop (v2sf)  }
0x113: {  	(v2sf) =	vpush v1, $0xA;
	s19 =	sadd.s32 s20, s21;
	s20 =	spop (v2sf);
	s21 =	simm.s32 $0x5400  }
0x114: {  	[tilespmem:s21], [sflag:$0x2] =	stream.linear.gather [hbm4b:s19+s3], $0x400, $0x38;
	[tilespmem:$0x1C600] =	vst v63  }
0x115: {  	s21 =	spop (v2sf);
	(v2sf) =	vpush v2, $0xA  }
0x116: {  	s19 =	sadd.s32 s20, s21;
	s20 =	spop (v2sf);
	(v2sf) =	vpush v1, $0xB;
	s21 =	simm.s32 $0x5800  }
0x117: {  	[tilespmem:s21], [sflag:$0x2] =	stream.linear.gather [hbm4b:s19+s3], $0x400, $0x38;
	[tilespmem:$0x1C600] =	vst v63  }
0x118: {  	s21 =	spop (v2sf);
	(v2sf) =	vpush v2, $0xB  }
0x119: {  	s19 =	sadd.s32 s20, s21;
	s20 =	spop (v2sf);
	(v2sf) =	vpush v1, $0xC;
	s21 =	simm.s32 $0x5C00  }
0x11a: {  	[tilespmem:s21], [sflag:$0x2] =	stream.linear.gather [hbm4b:s19+s3], $0x400, $0x38;
	[tilespmem:$0x1C600] =	vst v63  }
0x11b: {  	s21 =	spop (v2sf);
	(v2sf) =	vpush v2, $0xC  }
0x11c: {  	s19 =	sadd.s32 s20, s21;
	s20 =	spop (v2sf);
	(v2sf) =	vpush v1, $0xD;
	s21 =	simm.s32 $0x6000  }
0x11d: {  	[tilespmem:s21], [sflag:$0x2] =	stream.linear.gather [hbm4b:s19+s3], $0x400, $0x38;
	[tilespmem:$0x1C600] =	vst v63  }
0x11e: {  	s21 =	spop (v2sf);
	(v2sf) =	vpush v2, $0xD  }
0x11f: {  	s19 =	sadd.s32 s20, s21;
	s20 =	spop (v2sf);
	(v2sf) =	vpush v1, $0xE;
	s21 =	simm.s32 $0x6400  }
0x120: {  	[tilespmem:s21], [sflag:$0x2] =	stream.linear.gather [hbm4b:s19+s3], $0x400, $0x38;
	[tilespmem:$0x1C600] =	vst v63  }
0x121: {  	s21 =	spop (v2sf);
	(v2sf) =	vpush v2, $0xE  }
0x122: {  	s19 =	sadd.s32 s20, s21;
	s20 =	spop (v2sf);
	(v2sf) =	vpush v1, $0xF;
	s21 =	simm.s32 $0x6800  }
0x123: {  	[tilespmem:s21], [sflag:$0x2] =	stream.linear.gather [hbm4b:s19+s3], $0x400, $0x38;
	[tilespmem:$0x1C600] =	vst v63  }
0x124: {  	s21 =	spop (v2sf);
	(v2sf) =	vpush v2, $0xF  }
0x125: {  	s19 =	sadd.s32 s20, s21;
	s20 =	spop (v2sf);
	s21 =	simm.s32 $0x6C00  }
0x126: {  	[tilespmem:s21], [sflag:$0x2] =	stream.linear.gather [hbm4b:s19+s3], $0x400, $0x38;
	[tilespmem:$0x1C600] =	vst v63  }
0x127: {  	s21 =	spop (v2sf)  }
0x128: {  	s19 =	sadd.s32 s20, s21;
	s20 =	spop (v2sf);
	s21 =	simm.s32 $0x7000  }
0x129: {  	[tilespmem:s21], [sflag:$0x2] =	stream.linear.gather [hbm4b:s19+s3], $0x400, $0x38;
	[tilespmem:$0x1C600] =	vst v63  }
0x12a: {  	s21 =	spop (v2sf)  }
0x12b: {  	s19 =	sadd.s32 s20, s21;
	s20 =	spop (v2sf);
	s21 =	simm.s32 $0x7400  }
0x12c: {  	[tilespmem:s21], [sflag:$0x2] =	stream.linear.gather [hbm4b:s19+s3], $0x400, $0x38;
	[tilespmem:$0x1C600] =	vst v63  }
0x12d: {  	s21 =	spop (v2sf)  }
0x12e: {  	s19 =	sadd.s32 s20, s21;
	s20 =	spop (v2sf);
	s21 =	simm.s32 $0x7800  }
0x12f: {  	[tilespmem:s21], [sflag:$0x2] =	stream.linear.gather [hbm4b:s19+s3], $0x400, $0x38;
	[tilespmem:$0x1C600] =	vst v63  }
0x130: {  	s21 =	spop (v2sf)  }
0x131: {  	s19 =	sadd.s32 s20, s21;
	s20 =	spop (v2sf);
	s21 =	simm.s32 $0x7C00  }
0x132: {  	[tilespmem:s21], [sflag:$0x2] =	stream.linear.gather [hbm4b:s19+s3], $0x400, $0x38;
	[tilespmem:$0x1C600] =	vst v63  }
0x133: {  	s21 =	spop (v2sf)  }
0x134: {  	s19 =	sadd.s32 s20, s21;
	s21 =	simm.s32 $0x8000  }
0x135: {  	[tilespmem:s21], [sflag:$0x2] =	stream.linear.gather [hbm4b:s19+s3], $0x400, $0x38;
	[tilespmem:$0x1C600] =	vst v63  }
0x136: {  	s19 =	sadd.s32 $0x2, s4  }
0x137: {  	p1 =	sgt.u32 s19, $0x1F  }
.Ltmp7:
0x138: {  	_ = 	snop;
	(pc) =	sbr.rel @p1 .LBB2_8-.Ltmp7, $1  }
0x139: {  	_ =	sdelay $0x3  }
.LBB2_7:
0x13a: {  	_ =	swait.ge [sflag:s11], $0x2000  }
0x13b: {  	[sflag:s11] =	ssyncset.done $0x0  }
0x13c: {  	[sflag:s11] =	ssyncadd.s32 $0xFFFFE000  }
0x13d: {  	_ =	swait.ge [sflag:s11], $0x2000  }
0x13e: {  	[sflag:s11] =	ssyncset.done $0x0  }
0x13f: {  	s16 =	sshll.u32 s19, $0x4;
	[sflag:s11] =	ssyncadd.s32 $0xFFFFE000  }
0x140: {  	v1 =	vld [tilespmem:s16+$0x200];
	_ =	sdelay $0x1  }
0x141: {  	v2 =	vld [tilespmem:s16+$0x0];
	_ =	sdelay $0x2  }
0x142: {  	v1 =	vand.u32 $0x7, v1  }
0x143: {  	v1 =	vshll.u32 v1, $0x7  }
0x144: {  	v2 =	vand.u32 $0x7F, v2;
	v1 =	vor.u32 v0, v1  }
0x145: {  	v1 =	vor.u32 v2, v1;
	_ =	sdelay $0x4  }
0x146: {  	v1 =	vld.idx.msk [tilespmem:v1+s12+$0x0], $0xffff;
	_ =	sdelay $0x4  }
0x147: {  	v1 =	vsub.f32 $0.0e+00, v1;
	_ =	sdelay $0x1  }
0x148: {  	v1 =	vmul.f32 $1.442695020e+00, v1;
	_ =	sdelay $0x1  }
0x149: {  	(erf) = vpow2.f32 v1;
	_ =	sdelay $0x8  }
0x14a: {  	v1 =	vpop (erf)  }
0x14b: {  	v1 =	vadd.f32 $1.000000000e+00, v1;
	_ =	sdelay $0x1  }
0x14c: {  	(erf) = vrcp.f32 v1;
	_ =	sdelay $0x5  }
.Ltmp8:
0x14d: {  	_ = 	snop;
	(pc) =	sbr.rel @p0 .LBB2_9-.Ltmp8, $3  }
0x14e: {  	_ =	sdelay $0x1  }
0x14f: {  	v1 =	vpop (erf)  }
0x150: {  	s19 =	simm.s32 $0x1F;
	[tilespmem:s16+$0x1C400] =	vst v1;
	s16 =	smov.u32 s18  }
.LBB2_8:
0x151: {  	v1 =	vld [tilespmem:s16+$0x220];
	_ =	sdelay $0x1  }
0x152: {  	v2 =	vld [tilespmem:s16+$0x20];
	_ =	sdelay $0x2  }
0x153: {  	v1 =	vshrl.u32 v1, $0x3  }
0x154: {  	v1 =	vmul.u32 $0xF4280, v1  }
0x155: {  	v2 =	vand.u32 $0xFFFFFF80, v2  }
0x156: {  	v2 =	vadd.s32 s1, v2;
	(v2sf) =	vpush v1, $0x0  }
0x157: {  	(v2sf) =	vpush v2, $0x0  }
0x158: {  	(v2sf) =	vpush v1, $0x1;
	_ =	sdelay $0x1  }
0x159: {  	(v2sf) =	vpush v2, $0x1  }
0x15a: {  	(v2sf) =	vpush v1, $0x2;
	_ =	sdelay $0x1  }
0x15b: {  	(v2sf) =	vpush v2, $0x2  }
0x15c: {  	(v2sf) =	vpush v1, $0x3;
	_ =	sdelay $0x1  }
0x15d: {  	(v2sf) =	vpush v2, $0x3  }
0x15e: {  	(v2sf) =	vpush v1, $0x4;
	_ =	sdelay $0x1  }
0x15f: {  	(v2sf) =	vpush v2, $0x4  }
0x160: {  	(v2sf) =	vpush v1, $0x5  }
0x161: {  	s19 =	spop (v2sf)  }
0x162: {  	(v2sf) =	vpush v2, $0x5;
	s20 =	spop (v2sf)  }
0x163: {  	(v2sf) =	vpush v1, $0x6;
	s19 =	sadd.s32 s19, s20;
	s20 =	spop (v2sf)  }
0x164: {  	[tilespmem:s12], [sflag:$0x3] =	stream.linear.gather [hbm4b:s19+s3], $0x400, $0x38;
	[tilespmem:$0x1C600] =	vst v63  }
0x165: {  	(v2sf) =	vpush v2, $0x6;
	s21 =	spop (v2sf)  }
0x166: {  	(v2sf) =	vpush v1, $0x7;
	s19 =	sadd.s32 s20, s21;
	s20 =	spop (v2sf);
	s21 =	simm.s32 $0x8800  }
0x167: {  	[tilespmem:s21], [sflag:$0x3] =	stream.linear.gather [hbm4b:s19+s3], $0x400, $0x38;
	[tilespmem:$0x1C600] =	vst v63  }
0x168: {  	(v2sf) =	vpush v2, $0x7;
	s21 =	spop (v2sf)  }
0x169: {  	(v2sf) =	vpush v1, $0x8;
	s19 =	sadd.s32 s20, s21;
	s20 =	spop (v2sf);
	s21 =	simm.s32 $0x8C00  }
0x16a: {  	[tilespmem:s21], [sflag:$0x3] =	stream.linear.gather [hbm4b:s19+s3], $0x400, $0x38;
	[tilespmem:$0x1C600] =	vst v63  }
0x16b: {  	(v2sf) =	vpush v2, $0x8;
	s21 =	spop (v2sf)  }
0x16c: {  	(v2sf) =	vpush v1, $0x9;
	s19 =	sadd.s32 s20, s21;
	s20 =	spop (v2sf);
	s21 =	simm.s32 $0x9000  }
0x16d: {  	[tilespmem:s21], [sflag:$0x3] =	stream.linear.gather [hbm4b:s19+s3], $0x400, $0x38;
	[tilespmem:$0x1C600] =	vst v63  }
0x16e: {  	(v2sf) =	vpush v2, $0x9;
	s21 =	spop (v2sf)  }
0x16f: {  	(v2sf) =	vpush v1, $0xA;
	s19 =	sadd.s32 s20, s21;
	s20 =	spop (v2sf);
	s21 =	simm.s32 $0x9400  }
0x170: {  	[tilespmem:s21], [sflag:$0x3] =	stream.linear.gather [hbm4b:s19+s3], $0x400, $0x38;
	[tilespmem:$0x1C600] =	vst v63  }
0x171: {  	s21 =	spop (v2sf);
	(v2sf) =	vpush v2, $0xA  }
0x172: {  	s19 =	sadd.s32 s20, s21;
	s20 =	spop (v2sf);
	(v2sf) =	vpush v1, $0xB;
	s21 =	simm.s32 $0x9800  }
0x173: {  	[tilespmem:s21], [sflag:$0x3] =	stream.linear.gather [hbm4b:s19+s3], $0x400, $0x38;
	[tilespmem:$0x1C600] =	vst v63  }
0x174: {  	s21 =	spop (v2sf);
	(v2sf) =	vpush v2, $0xB  }
0x175: {  	s19 =	sadd.s32 s20, s21;
	s20 =	spop (v2sf);
	(v2sf) =	vpush v1, $0xC;
	s21 =	simm.s32 $0x9C00  }
0x176: {  	[tilespmem:s21], [sflag:$0x3] =	stream.linear.gather [hbm4b:s19+s3], $0x400, $0x38;
	[tilespmem:$0x1C600] =	vst v63  }
0x177: {  	s21 =	spop (v2sf);
	(v2sf) =	vpush v2, $0xC  }
0x178: {  	s19 =	sadd.s32 s20, s21;
	s20 =	spop (v2sf);
	(v2sf) =	vpush v1, $0xD;
	s21 =	simm.s32 $0xA000  }
0x179: {  	[tilespmem:s21], [sflag:$0x3] =	stream.linear.gather [hbm4b:s19+s3], $0x400, $0x38;
	[tilespmem:$0x1C600] =	vst v63  }
0x17a: {  	s21 =	spop (v2sf);
	(v2sf) =	vpush v2, $0xD  }
0x17b: {  	s19 =	sadd.s32 s20, s21;
	s20 =	spop (v2sf);
	(v2sf) =	vpush v1, $0xE;
	s21 =	simm.s32 $0xA400  }
0x17c: {  	[tilespmem:s21], [sflag:$0x3] =	stream.linear.gather [hbm4b:s19+s3], $0x400, $0x38;
	[tilespmem:$0x1C600] =	vst v63  }
0x17d: {  	s21 =	spop (v2sf);
	(v2sf) =	vpush v2, $0xE  }
0x17e: {  	s19 =	sadd.s32 s20, s21;
	s20 =	spop (v2sf);
	(v2sf) =	vpush v1, $0xF;
	s21 =	simm.s32 $0xA800  }
0x17f: {  	[tilespmem:s21], [sflag:$0x3] =	stream.linear.gather [hbm4b:s19+s3], $0x400, $0x38;
	[tilespmem:$0x1C600] =	vst v63  }
0x180: {  	s21 =	spop (v2sf);
	(v2sf) =	vpush v2, $0xF  }
0x181: {  	s19 =	sadd.s32 s20, s21;
	s20 =	spop (v2sf);
	s21 =	simm.s32 $0xAC00  }
0x182: {  	[tilespmem:s21], [sflag:$0x3] =	stream.linear.gather [hbm4b:s19+s3], $0x400, $0x38;
	[tilespmem:$0x1C600] =	vst v63  }
0x183: {  	s21 =	spop (v2sf)  }
0x184: {  	s19 =	sadd.s32 s20, s21;
	s20 =	spop (v2sf);
	s21 =	simm.s32 $0xB000  }
0x185: {  	[tilespmem:s21], [sflag:$0x3] =	stream.linear.gather [hbm4b:s19+s3], $0x400, $0x38;
	[tilespmem:$0x1C600] =	vst v63  }
0x186: {  	s21 =	spop (v2sf)  }
0x187: {  	s19 =	sadd.s32 s20, s21;
	s20 =	spop (v2sf);
	s21 =	simm.s32 $0xB400  }
0x188: {  	[tilespmem:s21], [sflag:$0x3] =	stream.linear.gather [hbm4b:s19+s3], $0x400, $0x38;
	[tilespmem:$0x1C600] =	vst v63  }
0x189: {  	s21 =	spop (v2sf)  }
0x18a: {  	s19 =	sadd.s32 s20, s21;
	s20 =	spop (v2sf);
	s21 =	simm.s32 $0xB800  }
0x18b: {  	[tilespmem:s21], [sflag:$0x3] =	stream.linear.gather [hbm4b:s19+s3], $0x400, $0x38;
	[tilespmem:$0x1C600] =	vst v63  }
0x18c: {  	s21 =	spop (v2sf)  }
0x18d: {  	s19 =	sadd.s32 s20, s21;
	s20 =	spop (v2sf);
	s21 =	simm.s32 $0xBC00  }
0x18e: {  	[tilespmem:s21], [sflag:$0x3] =	stream.linear.gather [hbm4b:s19+s3], $0x400, $0x38;
	[tilespmem:$0x1C600] =	vst v63  }
0x18f: {  	s21 =	spop (v2sf)  }
0x190: {  	s19 =	sadd.s32 s20, s21;
	s21 =	simm.s32 $0xC000  }
0x191: {  	[tilespmem:s21], [sflag:$0x3] =	stream.linear.gather [hbm4b:s19+s3], $0x400, $0x38;
	[tilespmem:$0x1C600] =	vst v63  }
0x192: {  	s19 =	sadd.s32 $0x3, s4  }
0x193: {  	p1 =	sgt.u32 s19, $0x1F  }
.Ltmp9:
0x194: {  	_ = 	snop;
	(pc) =	sbr.rel @p1 .LBB2_10-.Ltmp9, $1  }
0x195: {  	_ =	sdelay $0x3  }
.LBB2_9:
0x196: {  	_ =	swait.ge [sflag:s13], $0x2000  }
0x197: {  	[sflag:s13] =	ssyncset.done $0x0  }
0x198: {  	[sflag:s13] =	ssyncadd.s32 $0xFFFFE000  }
0x199: {  	_ =	swait.ge [sflag:s13], $0x2000  }
0x19a: {  	[sflag:s13] =	ssyncset.done $0x0  }
0x19b: {  	s16 =	sshll.u32 s19, $0x4;
	[sflag:s13] =	ssyncadd.s32 $0xFFFFE000  }
0x19c: {  	v1 =	vld [tilespmem:s16+$0x200];
	_ =	sdelay $0x1  }
0x19d: {  	v2 =	vld [tilespmem:s16+$0x0];
	_ =	sdelay $0x2  }
0x19e: {  	v1 =	vand.u32 $0x7, v1  }
0x19f: {  	v1 =	vshll.u32 v1, $0x7  }
0x1a0: {  	v2 =	vand.u32 $0x7F, v2;
	v1 =	vor.u32 v0, v1  }
0x1a1: {  	v1 =	vor.u32 v2, v1;
	_ =	sdelay $0x4  }
0x1a2: {  	v1 =	vld.idx.msk [tilespmem:v1+s14+$0x0], $0xffff;
	_ =	sdelay $0x4  }
0x1a3: {  	v1 =	vsub.f32 $0.0e+00, v1;
	_ =	sdelay $0x1  }
0x1a4: {  	v1 =	vmul.f32 $1.442695020e+00, v1;
	_ =	sdelay $0x1  }
0x1a5: {  	(erf) = vpow2.f32 v1;
	_ =	sdelay $0x8  }
0x1a6: {  	v1 =	vpop (erf)  }
0x1a7: {  	v1 =	vadd.f32 $1.000000000e+00, v1;
	_ =	sdelay $0x1  }
0x1a8: {  	(erf) = vrcp.f32 v1;
	_ =	sdelay $0x5  }
.Ltmp10:
0x1a9: {  	_ = 	snop;
	(pc) =	sbr.rel @p0 .LBB2_19-.Ltmp10, $3  }
0x1aa: {  	_ =	sdelay $0x1  }
0x1ab: {  	v1 =	vpop (erf)  }
0x1ac: {  	[tilespmem:s16+$0x1C400] =	vst v1;
	s16 =	smov.u32 s18  }
.LBB2_10:
0x1ad: {  	v1 =	vld [tilespmem:s16+$0x230];
	_ =	sdelay $0x1  }
0x1ae: {  	v2 =	vld [tilespmem:s16+$0x30];
	_ =	sdelay $0x2  }
0x1af: {  	v1 =	vshrl.u32 v1, $0x3  }
0x1b0: {  	v1 =	vmul.u32 $0xF4280, v1  }
0x1b1: {  	v2 =	vand.u32 $0xFFFFFF80, v2  }
0x1b2: {  	v2 =	vadd.s32 s1, v2;
	(v2sf) =	vpush v1, $0x0  }
0x1b3: {  	(v2sf) =	vpush v2, $0x0  }
0x1b4: {  	(v2sf) =	vpush v1, $0x1;
	_ =	sdelay $0x1  }
0x1b5: {  	(v2sf) =	vpush v2, $0x1  }
0x1b6: {  	(v2sf) =	vpush v1, $0x2;
	_ =	sdelay $0x1  }
0x1b7: {  	(v2sf) =	vpush v2, $0x2  }
0x1b8: {  	(v2sf) =	vpush v1, $0x3;
	_ =	sdelay $0x1  }
0x1b9: {  	(v2sf) =	vpush v2, $0x3  }
0x1ba: {  	(v2sf) =	vpush v1, $0x4;
	_ =	sdelay $0x1  }
0x1bb: {  	(v2sf) =	vpush v2, $0x4  }
0x1bc: {  	(v2sf) =	vpush v1, $0x5  }
0x1bd: {  	s19 =	spop (v2sf)  }
0x1be: {  	(v2sf) =	vpush v2, $0x5;
	s20 =	spop (v2sf)  }
0x1bf: {  	(v2sf) =	vpush v1, $0x6;
	s19 =	sadd.s32 s19, s20;
	s20 =	spop (v2sf)  }
0x1c0: {  	[tilespmem:s14], [sflag:$0x4] =	stream.linear.gather [hbm4b:s19+s3], $0x400, $0x38;
	[tilespmem:$0x1C600] =	vst v63  }
0x1c1: {  	(v2sf) =	vpush v2, $0x6;
	s21 =	spop (v2sf)  }
0x1c2: {  	(v2sf) =	vpush v1, $0x7;
	s19 =	sadd.s32 s20, s21;
	s20 =	spop (v2sf);
	s21 =	simm.s32 $0xC800  }
0x1c3: {  	[tilespmem:s21], [sflag:$0x4] =	stream.linear.gather [hbm4b:s19+s3], $0x400, $0x38;
	[tilespmem:$0x1C600] =	vst v63  }
0x1c4: {  	(v2sf) =	vpush v2, $0x7;
	s21 =	spop (v2sf)  }
0x1c5: {  	(v2sf) =	vpush v1, $0x8;
	s19 =	sadd.s32 s20, s21;
	s20 =	spop (v2sf);
	s21 =	simm.s32 $0xCC00  }
0x1c6: {  	[tilespmem:s21], [sflag:$0x4] =	stream.linear.gather [hbm4b:s19+s3], $0x400, $0x38;
	[tilespmem:$0x1C600] =	vst v63  }
0x1c7: {  	(v2sf) =	vpush v2, $0x8;
	s21 =	spop (v2sf)  }
0x1c8: {  	(v2sf) =	vpush v1, $0x9;
	s19 =	sadd.s32 s20, s21;
	s20 =	spop (v2sf);
	s21 =	simm.s32 $0xD000  }
0x1c9: {  	[tilespmem:s21], [sflag:$0x4] =	stream.linear.gather [hbm4b:s19+s3], $0x400, $0x38;
	[tilespmem:$0x1C600] =	vst v63  }
0x1ca: {  	(v2sf) =	vpush v2, $0x9;
	s21 =	spop (v2sf)  }
0x1cb: {  	(v2sf) =	vpush v1, $0xA;
	s19 =	sadd.s32 s20, s21;
	s20 =	spop (v2sf);
	s21 =	simm.s32 $0xD400  }
0x1cc: {  	[tilespmem:s21], [sflag:$0x4] =	stream.linear.gather [hbm4b:s19+s3], $0x400, $0x38;
	[tilespmem:$0x1C600] =	vst v63  }
0x1cd: {  	s21 =	spop (v2sf);
	(v2sf) =	vpush v2, $0xA  }
0x1ce: {  	s19 =	sadd.s32 s20, s21;
	s20 =	spop (v2sf);
	(v2sf) =	vpush v1, $0xB;
	s21 =	simm.s32 $0xD800  }
0x1cf: {  	[tilespmem:s21], [sflag:$0x4] =	stream.linear.gather [hbm4b:s19+s3], $0x400, $0x38;
	[tilespmem:$0x1C600] =	vst v63  }
0x1d0: {  	s21 =	spop (v2sf);
	(v2sf) =	vpush v2, $0xB  }
0x1d1: {  	s19 =	sadd.s32 s20, s21;
	s20 =	spop (v2sf);
	(v2sf) =	vpush v1, $0xC;
	s21 =	simm.s32 $0xDC00  }
0x1d2: {  	[tilespmem:s21], [sflag:$0x4] =	stream.linear.gather [hbm4b:s19+s3], $0x400, $0x38;
	[tilespmem:$0x1C600] =	vst v63  }
0x1d3: {  	s21 =	spop (v2sf);
	(v2sf) =	vpush v2, $0xC  }
0x1d4: {  	s19 =	sadd.s32 s20, s21;
	s20 =	spop (v2sf);
	(v2sf) =	vpush v1, $0xD  }
0x1d5: {  	[tilespmem:s22], [sflag:$0x4] =	stream.linear.gather [hbm4b:s19+s3], $0x400, $0x38;
	[tilespmem:$0x1C600] =	vst v63  }
0x1d6: {  	s21 =	spop (v2sf);
	(v2sf) =	vpush v2, $0xD  }
0x1d7: {  	s19 =	sadd.s32 s20, s21;
	s20 =	spop (v2sf);
	(v2sf) =	vpush v1, $0xE  }
0x1d8: {  	[tilespmem:s23], [sflag:$0x4] =	stream.linear.gather [hbm4b:s19+s3], $0x400, $0x38;
	[tilespmem:$0x1C600] =	vst v63  }
0x1d9: {  	s21 =	spop (v2sf);
	(v2sf) =	vpush v2, $0xE  }
0x1da: {  	s19 =	sadd.s32 s20, s21;
	s20 =	spop (v2sf);
	(v2sf) =	vpush v1, $0xF  }
0x1db: {  	[tilespmem:s24], [sflag:$0x4] =	stream.linear.gather [hbm4b:s19+s3], $0x400, $0x38;
	[tilespmem:$0x1C600] =	vst v63  }
0x1dc: {  	s21 =	spop (v2sf);
	(v2sf) =	vpush v2, $0xF  }
0x1dd: {  	s19 =	sadd.s32 s20, s21;
	s20 =	spop (v2sf)  }
0x1de: {  	[tilespmem:s25], [sflag:$0x4] =	stream.linear.gather [hbm4b:s19+s3], $0x400, $0x38;
	[tilespmem:$0x1C600] =	vst v63  }
0x1df: {  	s21 =	spop (v2sf)  }
0x1e0: {  	s19 =	sadd.s32 s20, s21;
	s20 =	spop (v2sf)  }
0x1e1: {  	[tilespmem:s26], [sflag:$0x4] =	stream.linear.gather [hbm4b:s19+s3], $0x400, $0x38;
	[tilespmem:$0x1C600] =	vst v63  }
0x1e2: {  	s21 =	spop (v2sf)  }
0x1e3: {  	s19 =	sadd.s32 s20, s21;
	s20 =	spop (v2sf)  }
0x1e4: {  	[tilespmem:s28], [sflag:$0x4] =	stream.linear.gather [hbm4b:s19+s3], $0x400, $0x38;
	[tilespmem:$0x1C600] =	vst v63  }
0x1e5: {  	s21 =	spop (v2sf)  }
0x1e6: {  	s19 =	sadd.s32 s20, s21;
	s20 =	spop (v2sf)  }
0x1e7: {  	[tilespmem:s29], [sflag:$0x4] =	stream.linear.gather [hbm4b:s19+s3], $0x400, $0x38;
	[tilespmem:$0x1C600] =	vst v63  }
0x1e8: {  	s21 =	spop (v2sf)  }
0x1e9: {  	s19 =	sadd.s32 s20, s21;
	s20 =	spop (v2sf)  }
0x1ea: {  	[tilespmem:s30], [sflag:$0x4] =	stream.linear.gather [hbm4b:s19+s3], $0x400, $0x38;
	[tilespmem:$0x1C600] =	vst v63  }
0x1eb: {  	s21 =	spop (v2sf)  }
0x1ec: {  	s19 =	sadd.s32 s20, s21;
	s21 =	sadd.s32 $0x4, s4  }
0x1ed: {  	[tilespmem:s31], [sflag:$0x4] =	stream.linear.gather [hbm4b:s19+s3], $0x400, $0x38;
	[tilespmem:$0x1C600] =	vst v63  }
0x1ee: {  	p0 =	sgt.u32 s21, $0x1F  }
0x1ef: {  	s19 =	simm.s32 @!p0 $0x5  }
0x1f0: {  	_ =	swait.ge @!p0 [sflag:s19], $0x2000  }
0x1f1: {  	[sflag:s19] =	ssyncset.done @!p0 $0x0  }
0x1f2: {  	[sflag:s19] =	ssyncadd.s32 @!p0 $0xFFFFE000  }
0x1f3: {  	_ =	swait.ge @!p0 [sflag:s19], $0x2000  }
0x1f4: {  	[sflag:s19] =	ssyncset.done @!p0 $0x0  }
0x1f5: {  	[sflag:s19] =	ssyncadd.s32 @!p0 $0xFFFFE000  }
0x1f6: {  	v1 =	vld @!p0 [tilespmem:s15+$0xFFFFFFD0];
	_ =	sdelay $0x1  }
0x1f7: {  	v2 =	vld @!p0 [tilespmem:s8+$0xFFFFFFD0];
	_ =	sdelay $0x1  }
0x1f8: {  	v3 =	vlaneseq.u32 @!p0  }
0x1f9: {  	v3 =	vmul.u32 @!p0 $0x400, v3;
	v1 =	vand.u32 @!p0 $0x7, v1  }
0x1fa: {  	v1 =	vshll.u32 @!p0 v1, $0x7  }
0x1fb: {  	v2 =	vand.u32 @!p0 $0x7F, v2;
	v1 =	vor.u32 @!p0 v3, v1  }
0x1fc: {  	v1 =	vor.u32 @!p0 v2, v1;
	_ =	sdelay $0x3  }
0x1fd: {  	s19 =	simm.s32 @!p0 $0x10400  }
0x1fe: {  	v1 =	vld.idx.msk @!p0 [tilespmem:v1+s19+$0x0], $0xffff;
	_ =	sdelay $0x4  }
0x1ff: {  	v1 =	vsub.f32 @!p0 $0.0e+00, v1;
	_ =	sdelay $0x1  }
0x200: {  	v1 =	vmul.f32 @!p0 $1.442695020e+00, v1;
	_ =	sdelay $0x1  }
0x201: {  	(erf) = vpow2.f32 @!p0 v1;
	_ =	sdelay $0x8  }
0x202: {  	v1 =	vpop @!p0 (erf)  }
0x203: {  	v1 =	vadd.f32 @!p0 $1.000000000e+00, v1;
	_ =	sdelay $0x1  }
0x204: {  	(erf) = vrcp.f32 @!p0 v1;
	_ =	sdelay $0x4  }
0x205: {  	p1 =	sgt.u32 s17, $0x3  }
.Ltmp11:
0x206: {  	_ = 	snop;
	(pc) =	sbr.rel @p1 .LBB2_13-.Ltmp11, $3  }
0x207: {  	_ =	sdelay $0x1  }
0x208: {  	v1 =	vpop @!p0 (erf)  }
0x209: {  	[tilespmem:s5+$0x0] =	vst @!p0 v1  }
0x20a: {  	v1 =	vld [tilespmem:s16+$0x240];
	_ =	sdelay $0x1  }
0x20b: {  	v2 =	vld [tilespmem:s16+$0x40];
	_ =	sdelay $0x2  }
0x20c: {  	v1 =	vshrl.u32 v1, $0x3  }
0x20d: {  	v1 =	vmul.u32 $0xF4280, v1  }
0x20e: {  	v2 =	vand.u32 $0xFFFFFF80, v2  }
0x20f: {  	v2 =	vadd.s32 s1, v2;
	(v2sf) =	vpush v1, $0x0  }
0x210: {  	(v2sf) =	vpush v2, $0x0  }
0x211: {  	(v2sf) =	vpush v1, $0x1;
	_ =	sdelay $0x1  }
0x212: {  	(v2sf) =	vpush v2, $0x1  }
0x213: {  	(v2sf) =	vpush v1, $0x2;
	_ =	sdelay $0x1  }
0x214: {  	(v2sf) =	vpush v2, $0x2  }
0x215: {  	(v2sf) =	vpush v1, $0x3;
	_ =	sdelay $0x1  }
0x216: {  	(v2sf) =	vpush v2, $0x3  }
0x217: {  	(v2sf) =	vpush v1, $0x4;
	_ =	sdelay $0x1  }
0x218: {  	(v2sf) =	vpush v2, $0x4  }
0x219: {  	(v2sf) =	vpush v1, $0x5  }
0x21a: {  	s19 =	spop (v2sf)  }
0x21b: {  	(v2sf) =	vpush v2, $0x5;
	s20 =	spop (v2sf)  }
0x21c: {  	s21 =	simm.s32 $0x10400;
	(v2sf) =	vpush v1, $0x6;
	s19 =	sadd.s32 s19, s20;
	s20 =	spop (v2sf)  }
0x21d: {  	[tilespmem:s21], [sflag:$0x5] =	stream.linear.gather [hbm4b:s19+s3], $0x400, $0x38;
	[tilespmem:$0x1C600] =	vst v63  }
0x21e: {  	(v2sf) =	vpush v2, $0x6;
	s21 =	spop (v2sf)  }
0x21f: {  	(v2sf) =	vpush v1, $0x7;
	s19 =	sadd.s32 s20, s21;
	s20 =	spop (v2sf);
	s21 =	simm.s32 $0x10800  }
0x220: {  	[tilespmem:s21], [sflag:$0x5] =	stream.linear.gather [hbm4b:s19+s3], $0x400, $0x38;
	[tilespmem:$0x1C600] =	vst v63  }
0x221: {  	(v2sf) =	vpush v2, $0x7;
	s21 =	spop (v2sf)  }
0x222: {  	(v2sf) =	vpush v1, $0x8;
	s19 =	sadd.s32 s20, s21;
	s20 =	spop (v2sf);
	s21 =	simm.s32 $0x10C00  }
0x223: {  	[tilespmem:s21], [sflag:$0x5] =	stream.linear.gather [hbm4b:s19+s3], $0x400, $0x38;
	[tilespmem:$0x1C600] =	vst v63  }
0x224: {  	(v2sf) =	vpush v2, $0x8;
	s21 =	spop (v2sf)  }
0x225: {  	(v2sf) =	vpush v1, $0x9;
	s19 =	sadd.s32 s20, s21;
	s20 =	spop (v2sf);
	s21 =	simm.s32 $0x11000  }
0x226: {  	[tilespmem:s21], [sflag:$0x5] =	stream.linear.gather [hbm4b:s19+s3], $0x400, $0x38;
	[tilespmem:$0x1C600] =	vst v63  }
0x227: {  	(v2sf) =	vpush v2, $0x9;
	s21 =	spop (v2sf)  }
0x228: {  	(v2sf) =	vpush v1, $0xA;
	s19 =	sadd.s32 s20, s21;
	s20 =	spop (v2sf);
	s21 =	simm.s32 $0x11400  }
0x229: {  	[tilespmem:s21], [sflag:$0x5] =	stream.linear.gather [hbm4b:s19+s3], $0x400, $0x38;
	[tilespmem:$0x1C600] =	vst v63  }
0x22a: {  	s21 =	spop (v2sf);
	(v2sf) =	vpush v2, $0xA  }
0x22b: {  	s19 =	sadd.s32 s20, s21;
	s20 =	spop (v2sf);
	(v2sf) =	vpush v1, $0xB;
	s21 =	simm.s32 $0x11800  }
0x22c: {  	[tilespmem:s21], [sflag:$0x5] =	stream.linear.gather [hbm4b:s19+s3], $0x400, $0x38;
	[tilespmem:$0x1C600] =	vst v63  }
0x22d: {  	s21 =	spop (v2sf);
	(v2sf) =	vpush v2, $0xB  }
0x22e: {  	s19 =	sadd.s32 s20, s21;
	s20 =	spop (v2sf);
	(v2sf) =	vpush v1, $0xC;
	s21 =	simm.s32 $0x11C00  }
0x22f: {  	[tilespmem:s21], [sflag:$0x5] =	stream.linear.gather [hbm4b:s19+s3], $0x400, $0x38;
	[tilespmem:$0x1C600] =	vst v63  }
0x230: {  	s21 =	spop (v2sf);
	(v2sf) =	vpush v2, $0xC  }
0x231: {  	s19 =	sadd.s32 s20, s21;
	s20 =	spop (v2sf);
	(v2sf) =	vpush v1, $0xD;
	s21 =	simm.s32 $0x12000  }
0x232: {  	[tilespmem:s21], [sflag:$0x5] =	stream.linear.gather [hbm4b:s19+s3], $0x400, $0x38;
	[tilespmem:$0x1C600] =	vst v63  }
0x233: {  	s21 =	spop (v2sf);
	(v2sf) =	vpush v2, $0xD  }
0x234: {  	s19 =	sadd.s32 s20, s21;
	s20 =	spop (v2sf);
	(v2sf) =	vpush v1, $0xE;
	s21 =	simm.s32 $0x12400  }
0x235: {  	[tilespmem:s21], [sflag:$0x5] =	stream.linear.gather [hbm4b:s19+s3], $0x400, $0x38;
	[tilespmem:$0x1C600] =	vst v63  }
0x236: {  	s21 =	spop (v2sf);
	(v2sf) =	vpush v2, $0xE  }
0x237: {  	s19 =	sadd.s32 s20, s21;
	s20 =	spop (v2sf);
	(v2sf) =	vpush v1, $0xF;
	s21 =	simm.s32 $0x12800  }
0x238: {  	[tilespmem:s21], [sflag:$0x5] =	stream.linear.gather [hbm4b:s19+s3], $0x400, $0x38;
	[tilespmem:$0x1C600] =	vst v63  }
0x239: {  	s21 =	spop (v2sf);
	(v2sf) =	vpush v2, $0xF  }
0x23a: {  	s19 =	sadd.s32 s20, s21;
	s20 =	spop (v2sf);
	s21 =	simm.s32 $0x12C00  }
0x23b: {  	[tilespmem:s21], [sflag:$0x5] =	stream.linear.gather [hbm4b:s19+s3], $0x400, $0x38;
	[tilespmem:$0x1C600] =	vst v63  }
0x23c: {  	s21 =	spop (v2sf)  }
0x23d: {  	s19 =	sadd.s32 s20, s21;
	s20 =	spop (v2sf);
	s21 =	simm.s32 $0x13000  }
0x23e: {  	[tilespmem:s21], [sflag:$0x5] =	stream.linear.gather [hbm4b:s19+s3], $0x400, $0x38;
	[tilespmem:$0x1C600] =	vst v63  }
0x23f: {  	s21 =	spop (v2sf)  }
0x240: {  	s19 =	sadd.s32 s20, s21;
	s20 =	spop (v2sf);
	s21 =	simm.s32 $0x13400  }
0x241: {  	[tilespmem:s21], [sflag:$0x5] =	stream.linear.gather [hbm4b:s19+s3], $0x400, $0x38;
	[tilespmem:$0x1C600] =	vst v63  }
0x242: {  	s21 =	spop (v2sf)  }
0x243: {  	s19 =	sadd.s32 s20, s21;
	s20 =	spop (v2sf);
	s21 =	simm.s32 $0x13800  }
0x244: {  	[tilespmem:s21], [sflag:$0x5] =	stream.linear.gather [hbm4b:s19+s3], $0x400, $0x38;
	[tilespmem:$0x1C600] =	vst v63  }
0x245: {  	s21 =	spop (v2sf)  }
0x246: {  	s19 =	sadd.s32 s20, s21;
	s20 =	spop (v2sf);
	s21 =	simm.s32 $0x13C00  }
0x247: {  	[tilespmem:s21], [sflag:$0x5] =	stream.linear.gather [hbm4b:s19+s3], $0x400, $0x38;
	[tilespmem:$0x1C600] =	vst v63  }
0x248: {  	s21 =	spop (v2sf)  }
0x249: {  	s19 =	sadd.s32 s20, s21;
	s21 =	simm.s32 $0x14000  }
0x24a: {  	[tilespmem:s21], [sflag:$0x5] =	stream.linear.gather [hbm4b:s19+s3], $0x400, $0x38;
	[tilespmem:$0x1C600] =	vst v63  }
0x24b: {  	s21 =	sadd.s32 $0x5, s4  }
0x24c: {  	p0 =	slt.u32 s21, $0x20  }
.Ltmp12:
0x24d: {  	_ = 	snop;
	(pc) =	sbr.rel @p0 .LBB2_14-.Ltmp12, $4  }
.Ltmp13:
0x24e: {  	_ = 	snop;
	(pc) =	sbr.rel @!p0 .LBB2_12-.Ltmp13, $4  }
0x24f: {  	_ = 	snop  }
0x250: {  	_ = 	snop  }
0x251: {  	_ = 	snop  }
0x252: {  	_ = 	snop  }
.LBB2_13:
0x253: {  	s19 =	sadd.s32 $0x5, s4  }
0x254: {  	p0 =	sgt.u32 s19, $0x1F  }
.Ltmp14:
0x255: {  	_ = 	snop;
	(pc) =	sbr.rel @p0 .LBB2_15-.Ltmp14, $1  }
0x256: {  	_ =	sdelay $0x3  }
.LBB2_14:
0x257: {  	_ =	swait.ge [sflag:s0], $0x2000  }
0x258: {  	[sflag:s0] =	ssyncset.done $0x0  }
0x259: {  	[sflag:s0] =	ssyncadd.s32 $0xFFFFE000  }
0x25a: {  	_ =	swait.ge [sflag:s0], $0x2000  }
0x25b: {  	[sflag:s0] =	ssyncset.done $0x0  }
0x25c: {  	[sflag:s0] =	ssyncadd.s32 $0xFFFFE000  }
0x25d: {  	v1 =	vld [tilespmem:s15+$0xFFFFFFE0];
	_ =	sdelay $0x1  }
0x25e: {  	v2 =	vld [tilespmem:s8+$0xFFFFFFE0];
	_ =	sdelay $0x2  }
0x25f: {  	v1 =	vand.u32 $0x7, v1  }
0x260: {  	v1 =	vshll.u32 v1, $0x7  }
0x261: {  	v2 =	vand.u32 $0x7F, v2;
	v1 =	vor.u32 v0, v1  }
0x262: {  	v1 =	vor.u32 v2, v1;
	_ =	sdelay $0x4  }
0x263: {  	v1 =	vld.idx.msk [tilespmem:v1+s2+$0x0], $0xffff;
	_ =	sdelay $0x4  }
0x264: {  	v1 =	vsub.f32 $0.0e+00, v1;
	_ =	sdelay $0x1  }
0x265: {  	v1 =	vmul.f32 $1.442695020e+00, v1;
	_ =	sdelay $0x1  }
0x266: {  	(erf) = vpow2.f32 v1;
	_ =	sdelay $0x8  }
0x267: {  	v1 =	vpop (erf)  }
0x268: {  	v1 =	vadd.f32 $1.000000000e+00, v1;
	_ =	sdelay $0x1  }
0x269: {  	(erf) = vrcp.f32 v1;
	_ =	sdelay $0x4  }
0x26a: {  	p0 =	slt.u32 s17, $0x4  }
.Ltmp15:
0x26b: {  	_ = 	snop;
	(pc) =	sbr.rel @!p0 .LBB2_15-.Ltmp15, $3  }
0x26c: {  	_ =	sdelay $0x1  }
0x26d: {  	v1 =	vpop (erf)  }
0x26e: {  	[tilespmem:s5+$0x10] =	vst v1  }
.LBB2_12:
0x26f: {  	v1 =	vld [tilespmem:s16+$0x250];
	_ =	sdelay $0x1  }
0x270: {  	v2 =	vld [tilespmem:s16+$0x50];
	_ =	sdelay $0x2  }
0x271: {  	v1 =	vshrl.u32 v1, $0x3  }
0x272: {  	v1 =	vmul.u32 $0xF4280, v1  }
0x273: {  	v2 =	vand.u32 $0xFFFFFF80, v2  }
0x274: {  	v2 =	vadd.s32 s1, v2;
	(v2sf) =	vpush v1, $0x0  }
0x275: {  	(v2sf) =	vpush v2, $0x0  }
0x276: {  	(v2sf) =	vpush v1, $0x1;
	_ =	sdelay $0x1  }
0x277: {  	(v2sf) =	vpush v2, $0x1  }
0x278: {  	(v2sf) =	vpush v1, $0x2;
	_ =	sdelay $0x1  }
0x279: {  	(v2sf) =	vpush v2, $0x2  }
0x27a: {  	(v2sf) =	vpush v1, $0x3;
	_ =	sdelay $0x1  }
0x27b: {  	(v2sf) =	vpush v2, $0x3  }
0x27c: {  	(v2sf) =	vpush v1, $0x4;
	_ =	sdelay $0x1  }
0x27d: {  	(v2sf) =	vpush v2, $0x4  }
0x27e: {  	(v2sf) =	vpush v1, $0x5  }
0x27f: {  	s19 =	spop (v2sf)  }
0x280: {  	(v2sf) =	vpush v2, $0x5;
	s20 =	spop (v2sf)  }
0x281: {  	(v2sf) =	vpush v1, $0x6;
	s19 =	sadd.s32 s19, s20;
	s20 =	spop (v2sf)  }
0x282: {  	[tilespmem:s2], [sflag:$0x6] =	stream.linear.gather [hbm4b:s19+s3], $0x400, $0x38;
	[tilespmem:$0x1C600] =	vst v63  }
0x283: {  	(v2sf) =	vpush v2, $0x6;
	s21 =	spop (v2sf)  }
0x284: {  	(v2sf) =	vpush v1, $0x7;
	s19 =	sadd.s32 s20, s21;
	s20 =	spop (v2sf);
	s21 =	simm.s32 $0x14800  }
0x285: {  	[tilespmem:s21], [sflag:$0x6] =	stream.linear.gather [hbm4b:s19+s3], $0x400, $0x38;
	[tilespmem:$0x1C600] =	vst v63  }
0x286: {  	(v2sf) =	vpush v2, $0x7;
	s21 =	spop (v2sf)  }
0x287: {  	(v2sf) =	vpush v1, $0x8;
	s19 =	sadd.s32 s20, s21;
	s20 =	spop (v2sf);
	s21 =	simm.s32 $0x14C00  }
0x288: {  	[tilespmem:s21], [sflag:$0x6] =	stream.linear.gather [hbm4b:s19+s3], $0x400, $0x38;
	[tilespmem:$0x1C600] =	vst v63  }
0x289: {  	(v2sf) =	vpush v2, $0x8;
	s21 =	spop (v2sf)  }
0x28a: {  	(v2sf) =	vpush v1, $0x9;
	s19 =	sadd.s32 s20, s21;
	s20 =	spop (v2sf);
	s21 =	simm.s32 $0x15000  }
0x28b: {  	[tilespmem:s21], [sflag:$0x6] =	stream.linear.gather [hbm4b:s19+s3], $0x400, $0x38;
	[tilespmem:$0x1C600] =	vst v63  }
0x28c: {  	(v2sf) =	vpush v2, $0x9;
	s21 =	spop (v2sf)  }
0x28d: {  	(v2sf) =	vpush v1, $0xA;
	s19 =	sadd.s32 s20, s21;
	s20 =	spop (v2sf);
	s21 =	simm.s32 $0x15400  }
0x28e: {  	[tilespmem:s21], [sflag:$0x6] =	stream.linear.gather [hbm4b:s19+s3], $0x400, $0x38;
	[tilespmem:$0x1C600] =	vst v63  }
0x28f: {  	s21 =	spop (v2sf);
	(v2sf) =	vpush v2, $0xA  }
0x290: {  	s19 =	sadd.s32 s20, s21;
	s20 =	spop (v2sf);
	(v2sf) =	vpush v1, $0xB;
	s21 =	simm.s32 $0x15800  }
0x291: {  	[tilespmem:s21], [sflag:$0x6] =	stream.linear.gather [hbm4b:s19+s3], $0x400, $0x38;
	[tilespmem:$0x1C600] =	vst v63  }
0x292: {  	s21 =	spop (v2sf);
	(v2sf) =	vpush v2, $0xB  }
0x293: {  	s19 =	sadd.s32 s20, s21;
	s20 =	spop (v2sf);
	(v2sf) =	vpush v1, $0xC;
	s21 =	simm.s32 $0x15C00  }
0x294: {  	[tilespmem:s21], [sflag:$0x6] =	stream.linear.gather [hbm4b:s19+s3], $0x400, $0x38;
	[tilespmem:$0x1C600] =	vst v63  }
0x295: {  	s21 =	spop (v2sf);
	(v2sf) =	vpush v2, $0xC  }
0x296: {  	s19 =	sadd.s32 s20, s21;
	s20 =	spop (v2sf);
	(v2sf) =	vpush v1, $0xD;
	s21 =	simm.s32 $0x16000  }
0x297: {  	[tilespmem:s21], [sflag:$0x6] =	stream.linear.gather [hbm4b:s19+s3], $0x400, $0x38;
	[tilespmem:$0x1C600] =	vst v63  }
0x298: {  	s21 =	spop (v2sf);
	(v2sf) =	vpush v2, $0xD  }
0x299: {  	s19 =	sadd.s32 s20, s21;
	s20 =	spop (v2sf);
	(v2sf) =	vpush v1, $0xE;
	s21 =	simm.s32 $0x16400  }
0x29a: {  	[tilespmem:s21], [sflag:$0x6] =	stream.linear.gather [hbm4b:s19+s3], $0x400, $0x38;
	[tilespmem:$0x1C600] =	vst v63  }
0x29b: {  	s21 =	spop (v2sf);
	(v2sf) =	vpush v2, $0xE  }
0x29c: {  	s19 =	sadd.s32 s20, s21;
	s20 =	spop (v2sf);
	(v2sf) =	vpush v1, $0xF;
	s21 =	simm.s32 $0x16800  }
0x29d: {  	[tilespmem:s21], [sflag:$0x6] =	stream.linear.gather [hbm4b:s19+s3], $0x400, $0x38;
	[tilespmem:$0x1C600] =	vst v63  }
0x29e: {  	s21 =	spop (v2sf);
	(v2sf) =	vpush v2, $0xF  }
0x29f: {  	s19 =	sadd.s32 s20, s21;
	s20 =	spop (v2sf);
	s21 =	simm.s32 $0x16C00  }
0x2a0: {  	[tilespmem:s21], [sflag:$0x6] =	stream.linear.gather [hbm4b:s19+s3], $0x400, $0x38;
	[tilespmem:$0x1C600] =	vst v63  }
0x2a1: {  	s21 =	spop (v2sf)  }
0x2a2: {  	s19 =	sadd.s32 s20, s21;
	s20 =	spop (v2sf);
	s21 =	simm.s32 $0x17000  }
0x2a3: {  	[tilespmem:s21], [sflag:$0x6] =	stream.linear.gather [hbm4b:s19+s3], $0x400, $0x38;
	[tilespmem:$0x1C600] =	vst v63  }
0x2a4: {  	s21 =	spop (v2sf)  }
0x2a5: {  	s19 =	sadd.s32 s20, s21;
	s20 =	spop (v2sf);
	s21 =	simm.s32 $0x17400  }
0x2a6: {  	[tilespmem:s21], [sflag:$0x6] =	stream.linear.gather [hbm4b:s19+s3], $0x400, $0x38;
	[tilespmem:$0x1C600] =	vst v63  }
0x2a7: {  	s21 =	spop (v2sf)  }
0x2a8: {  	s19 =	sadd.s32 s20, s21;
	s20 =	spop (v2sf);
	s21 =	simm.s32 $0x17800  }
0x2a9: {  	[tilespmem:s21], [sflag:$0x6] =	stream.linear.gather [hbm4b:s19+s3], $0x400, $0x38;
	[tilespmem:$0x1C600] =	vst v63  }
0x2aa: {  	s21 =	spop (v2sf)  }
0x2ab: {  	s19 =	sadd.s32 s20, s21;
	s20 =	spop (v2sf);
	s21 =	simm.s32 $0x17C00  }
0x2ac: {  	[tilespmem:s21], [sflag:$0x6] =	stream.linear.gather [hbm4b:s19+s3], $0x400, $0x38;
	[tilespmem:$0x1C600] =	vst v63  }
0x2ad: {  	s21 =	spop (v2sf)  }
0x2ae: {  	s19 =	sadd.s32 s20, s21;
	s21 =	simm.s32 $0x18000  }
0x2af: {  	[tilespmem:s21], [sflag:$0x6] =	stream.linear.gather [hbm4b:s19+s3], $0x400, $0x38;
	[tilespmem:$0x1C600] =	vst v63  }
0x2b0: {  	s21 =	sadd.s32 $0x6, s4  }
0x2b1: {  	p1 =	sgt.u32 s21, $0x1F  }
.Ltmp16:
0x2b2: {  	_ = 	snop;
	(pc) =	sbr.rel @p1 .LBB2_17-.Ltmp16, $4  }
.Ltmp17:
0x2b3: {  	_ = 	snop;
	(pc) =	sbr.rel @!p1 .LBB2_16-.Ltmp17, $4  }
0x2b4: {  	_ = 	snop  }
0x2b5: {  	_ = 	snop  }
0x2b6: {  	p0 =	por $0x1, $0x1  }
0x2b7: {  	_ = 	snop  }
.LBB2_15:
0x2b8: {  	s19 =	sadd.s32 $0x6, s4  }
0x2b9: {  	p1 =	slt.u32 s19, $0x20  }
.Ltmp18:
0x2ba: {  	_ = 	snop;
	(pc) =	sbr.rel @!p1 .LBB2_18-.Ltmp18, $2  }
0x2bb: {  	_ =	sdelay $0x2  }
0x2bc: {  	p0 =	por $0x0, $0x0  }
.LBB2_16:
0x2bd: {  	_ =	swait.ge [sflag:s6], $0x2000  }
0x2be: {  	[sflag:s6] =	ssyncset.done $0x0  }
0x2bf: {  	[sflag:s6] =	ssyncadd.s32 $0xFFFFE000  }
0x2c0: {  	_ =	swait.ge [sflag:s6], $0x2000  }
0x2c1: {  	[sflag:s6] =	ssyncset.done $0x0  }
0x2c2: {  	[sflag:s6] =	ssyncadd.s32 $0xFFFFE000  }
0x2c3: {  	v1 =	vld [tilespmem:s15+$0xFFFFFFF0];
	_ =	sdelay $0x1  }
0x2c4: {  	v2 =	vld [tilespmem:s8+$0xFFFFFFF0];
	_ =	sdelay $0x2  }
0x2c5: {  	v1 =	vand.u32 $0x7, v1  }
0x2c6: {  	v1 =	vshll.u32 v1, $0x7  }
0x2c7: {  	v2 =	vand.u32 $0x7F, v2;
	v1 =	vor.u32 v0, v1  }
0x2c8: {  	v1 =	vor.u32 v2, v1;
	_ =	sdelay $0x4  }
0x2c9: {  	v1 =	vld.idx.msk [tilespmem:v1+s7+$0x0], $0xffff;
	_ =	sdelay $0x4  }
0x2ca: {  	v1 =	vsub.f32 $0.0e+00, v1;
	_ =	sdelay $0x1  }
0x2cb: {  	v1 =	vmul.f32 $1.442695020e+00, v1;
	_ =	sdelay $0x1  }
0x2cc: {  	(erf) = vpow2.f32 v1;
	_ =	sdelay $0x8  }
0x2cd: {  	v1 =	vpop (erf)  }
0x2ce: {  	v1 =	vadd.f32 $1.000000000e+00, v1;
	_ =	sdelay $0x1  }
0x2cf: {  	(erf) = vrcp.f32 v1;
	_ =	sdelay $0x5  }
.Ltmp19:
0x2d0: {  	_ = 	snop;
	(pc) =	sbr.rel @!p0 .LBB2_18-.Ltmp19, $4  }
.Ltmp20:
0x2d1: {  	_ = 	snop;
	(pc) =	sbr.rel @p0 .LBB2_17-.Ltmp20, $4  }
0x2d2: {  	_ = 	snop  }
0x2d3: {  	v1 =	vpop (erf)  }
0x2d4: {  	[tilespmem:s5+$0x20] =	vst v1  }
0x2d5: {  	_ = 	snop  }
.LBB2_20:
0x2d6: {  	_ =	sfence.sel $0x180000  }
0x2d7: {  	[bflag:$0x0] =	sbarrier.arrive $0xFFFF  }
0x2d8: {  	_ =	strace $0x90000047  }
0x2d9: {  	s0 =	stileid.u32;
	[bflag:$0x2] =	sbarrier.arrive $0xFFFF  }
0x2da: {  	p0 =	sne.s32 s0, $0x0;
	s0 =	rddreg [dreg:$0x4]  }
0x2db: {  	s0 =	sadd.s32 @!p0 $0x100000, s0  }
0x2dc: {  	[sflag:s0] =	ssyncadd.tile.s32 @!p0 $0x1;
	_ =	shalt  }
.Lfunc_end2:
_tile_overlayer_lowered:
.L_overlay_start_2:
0x2dd: {  	(tag) =	ssettag $0x2  }
0x2de: {  	s0 =	rddreg [dreg:$0x0];
	s2 =	stileid.u32  }
0x2df: {  	s1 =	rddreg [dreg:$0x1];
	p0 =	sne.s32 s2, $0x0  }
0x2e0: {  	s3 =	rddreg [dreg:$0x2];
	[bflag:$0x3] =	sbarrier.arrive $0xFFFF;
	s2 =	simm.s32 @!p0 $0x1C08  }
0x2e1: {  	[timem:s3], [sflag:s2] =	dma.local @!p0 [hbm:s0], s1  }
0x2e2: {  	s0 =	simm.s32 @!p0 $0x8  }
0x2e3: {  	_ =	swait.ge @!p0 [sflag:s0], s1  }
0x2e4: {  	s1 =	ssub.s32 @!p0 $0x0, s1;
	[sflag:s0] =	ssyncset.done @!p0 $0x0  }
0x2e5: {  	[sflag:s0] =	ssyncadd.s32 @!p0 s1  }
0x2e6: {  	[bflag:$0x3] =	sbarrier.arrive $0xFFFF  }
0x2e7: {  	_ =	shalt  }

</sc_bundles>
